<compile_context>
chip_gen: v7x
topology: tpu7x:2x2x1
jax: 0.10.2.dev20260603
libtpu: 0.0.44.dev20260713+nightly
codegen_flags: <defaults>
</compile_context>

<pallas_src>
import functools

import jax
import jax.numpy as jnp
from jax import lax
from jax.experimental import pallas as pl
from jax.experimental.pallas import tpu as pltpu
from jax.experimental.pallas import tpu_sc as plsc

_D = 256
_V = 16
_NC, _NS = 2, 16
_NW = _NC * _NS
_CH = 128
_NBUF = 2
_L = 16


def _emb_body(bpw, ids_hbm, table_hbm, out_hbm, idx_v, table_v, rows_v, ssem):
    nchunk = bpw // _CH
    wid = lax.axis_index("s") * _NC + lax.axis_index("c")
    base = wid * bpw

    pltpu.sync_copy(table_hbm, table_v)
    pltpu.sync_copy(ids_hbm.at[pl.ds(base, bpw)], idx_v.at[pl.ds(0, bpw)])

    lanes = lax.iota(jnp.int32, _L)
    cols = [lanes + j * _L for j in range(_D // _L)]
    zsplat = jnp.zeros((_L, 1), jnp.int32)
    bcast_dims = lax.GatherDimensionNumbers(
        offset_dims=(), collapsed_slice_dims=(0,), start_index_map=(0,))

    def build(t, b):
        @plsc.parallel_loop(0, _CH, 1, unroll=2)
        def _row(i):
            idvec = idx_v[pl.ds(t * _CH + i, _L)]
            rbase = lax.gather(idvec, zsplat, bcast_dims, (1,),
                               mode=lax.GatherScatterMode.PROMISE_IN_BOUNDS)
            rbase = rbase * _D
            for j in range(_D // _L):
                vec = plsc.load_gather(table_v, [rbase + cols[j]])
                rows_v[b, pl.ds(i * _D + j * _L, _L)] = vec

    _CHD = _CH * _D

    def fire(t, b):
        build(t, b)
        return pltpu.async_copy(
            rows_v.at[b], out_hbm.at[pl.ds((base + t * _CH) * _D, _CHD)],
            ssem.at[b])

    def drain(b):
        pltpu.make_async_copy(
            rows_v.at[b], out_hbm.at[pl.ds(base * _D, _CHD)],
            ssem.at[b]).wait()

    for b in range(_NBUF):
        fire(b, b)

    def step(k, carry):
        for b in range(_NBUF):
            drain(b)
            fire(k * _NBUF + b, b)
        return carry

    lax.fori_loop(1, nchunk // _NBUF, step, 0)
    for b in range(_NBUF):
        drain(b)


@functools.partial(jax.jit, static_argnums=(2,))
def _emb(flat_ids, flat_table, n):
    bpw = n // _NW
    grid_kernel = functools.partial(
        pl.kernel,
        out_type=jax.ShapeDtypeStruct((n * _D,), jnp.float32),
        mesh=plsc.VectorSubcoreMesh(core_axis_name="c", subcore_axis_name="s"),
        compiler_params=pltpu.CompilerParams(needs_layout_passes=False),
        scratch_types=[
            pltpu.VMEM((bpw + _L,), jnp.int32),
            pltpu.VMEM((_V * _D,), jnp.float32),
            pltpu.VMEM((_NBUF, _CH * _D), jnp.float32),
            pltpu.SemaphoreType.DMA((_NBUF,)),
        ],
    )
    return grid_kernel(functools.partial(_emb_body, bpw))(flat_ids, flat_table)


def kernel(input_ids, table):
    n = input_ids.size
    flat = input_ids.reshape((n,))
    out = _emb(flat, table.reshape((-1,)), n)
    return out.reshape(input_ids.shape + (table.shape[1],))

# --- scband reference (transcript-rebuilt; emitter-appended) ---
"""Pipeline reference for scband-hyena-dna-embeddings-71038759076222 (READ-ONLY COPY).

The authoritative reference and input builder live on the scoring server;
editing this copy changes nothing except your own understanding.
"""

import jax, jax.numpy as jnp
import numpy as np

VOCAB_RAW = 12
PAD_MULT = 8
PAD_ID = 4
HIDDEN = 256
VOCAB = VOCAB_RAW + (PAD_MULT - VOCAB_RAW % PAD_MULT) % PAD_MULT  # -> 16


def setup_inputs(seed: int = 0) -> dict:
    key = jax.random.key(seed)
    k1, k2 = jax.random.split(key)
    input_ids = jax.random.randint(k1, (4, 8192), 0, VOCAB, dtype=jnp.int32)
    table = jax.random.normal(k2, (VOCAB, HIDDEN), dtype=jnp.float32) * 0.02
    # nn.Embedding with padding_idx keeps that row at zero
    table = table.at[PAD_ID].set(0.0)
    return {"input_ids": input_ids, "table": table}


def reference(input_ids, table):
    # word_embeddings(input_ids): gather rows of the embedding table
    return jnp.take(table, input_ids, axis=0)

if __name__ == "__main__":
    import jax
    _d = setup_inputs()
    print(jax.jit(kernel)(*tuple(_d.values())))

</pallas_src>

<mosaic_0001>
#map = affine_map<(d0, d1) -> (0)>
module attributes {stable_mosaic.version = 14 : i64} {
  func.func @_emb_body(%arg0: i32, %arg1: i32, %arg2: memref<32768xi32, #tpu.memory_space<hbm>>, %arg3: memref<4096xf32, #tpu.memory_space<hbm>>, %arg4: memref<8388608xf32, #tpu.memory_space<hbm>>, %arg5: memref<1040xi32, #tpu.memory_space<vmem>>, %arg6: memref<4096xf32, #tpu.memory_space<vmem>>, %arg7: memref<2x32768xf32, #tpu.memory_space<vmem>>, %arg8: memref<2x!tpu.dma_semaphore, #tpu.memory_space<semaphore_mem>>) attributes {dimension_semantics = [#tpu.dimension_semantics<core_parallel>, #tpu.dimension_semantics<subcore_parallel>], iteration_bounds = array<i64: 2, 16>, scalar_prefetch = 0 : i64, scratch_operands = 4 : i64, tpu.core_type = #tpu.core_type<sc_vector_subcore>, window_params = [{transform_indices = #map}, {transform_indices = #map}, {transform_indices = #map}]} {
    %mul3A = arith.constant 2 : i32
    %mul3A_0 = arith.muli %arg1, %mul3A : i32
    %add3A = arith.addi %mul3A_0, %arg0 : i32
    %mul3A_1 = arith.constant 1024 : i32
    %mul3A_2 = arith.muli %add3A, %mul3A_1 : i32
    "tpu.region"() ({
      %run_scoped3A = tpu.sem_alloc : memref<!tpu.dma_semaphore, #tpu.memory_space<semaphore_mem>>
      tpu.enqueue_dma source(%arg3 : memref<4096xf32, #tpu.memory_space<hbm>>) target(%arg6 : memref<4096xf32, #tpu.memory_space<vmem>>) target_semaphore(%run_scoped3A : memref<!tpu.dma_semaphore, #tpu.memory_space<semaphore_mem>>)
      tpu.wait_dma2 semaphore(%run_scoped3A : memref<!tpu.dma_semaphore, #tpu.memory_space<semaphore_mem>>) src(%arg3 : memref<4096xf32, #tpu.memory_space<hbm>>) dst(%arg6 : memref<4096xf32, #tpu.memory_space<vmem>>)
      tpu.yield
    }) : () -> ()
    "tpu.region"() ({
      %run_scoped3A = tpu.sem_alloc : memref<!tpu.dma_semaphore, #tpu.memory_space<semaphore_mem>>
      %dma_start3A_120 = arith.constant 0 : i32
      %dma_start3A_121 = tpu.memref_slice %arg5[%dma_start3A_120] : memref<1040xi32, #tpu.memory_space<vmem>> -> memref<1024xi32, #tpu.memory_space<vmem>>
      %dma_start3A_122 = tpu.memref_slice %arg2[%mul3A_2] : memref<32768xi32, #tpu.memory_space<hbm>> -> memref<1024xi32, #tpu.memory_space<hbm>>
      %dma_start3A_123 = arith.constant 0 : i32
      %dma_start3A_124 = tpu.memref_slice %arg5[%dma_start3A_123] : memref<1040xi32, #tpu.memory_space<vmem>> -> memref<1024xi32, #tpu.memory_space<vmem>>
      %dma_start3A_125 = tpu.memref_slice %arg2[%mul3A_2] : memref<32768xi32, #tpu.memory_space<hbm>> -> memref<1024xi32, #tpu.memory_space<hbm>>
      tpu.enqueue_dma source(%dma_start3A_125 : memref<1024xi32, #tpu.memory_space<hbm>>) target(%dma_start3A_124 : memref<1024xi32, #tpu.memory_space<vmem>>) target_semaphore(%run_scoped3A : memref<!tpu.dma_semaphore, #tpu.memory_space<semaphore_mem>>)
      %dma_wait3A_126 = arith.constant 0 : i32
      %dma_wait3A_127 = tpu.memref_slice %arg5[%dma_wait3A_126] : memref<1040xi32, #tpu.memory_space<vmem>> -> memref<1024xi32, #tpu.memory_space<vmem>>
      %dma_wait3A_128 = tpu.memref_slice %arg2[%mul3A_2] : memref<32768xi32, #tpu.memory_space<hbm>> -> memref<1024xi32, #tpu.memory_space<hbm>>
      %dma_wait3A_129 = arith.constant 0 : i32
      %dma_wait3A_130 = tpu.memref_slice %arg5[%dma_wait3A_129] : memref<1040xi32, #tpu.memory_space<vmem>> -> memref<1024xi32, #tpu.memory_space<vmem>>
      %dma_wait3A_131 = tpu.memref_slice %arg2[%mul3A_2] : memref<32768xi32, #tpu.memory_space<hbm>> -> memref<1024xi32, #tpu.memory_space<hbm>>
      tpu.wait_dma2 semaphore(%run_scoped3A : memref<!tpu.dma_semaphore, #tpu.memory_space<semaphore_mem>>) src(%dma_wait3A_131 : memref<1024xi32, #tpu.memory_space<hbm>>) dst(%dma_wait3A_130 : memref<1024xi32, #tpu.memory_space<vmem>>)
      tpu.yield
    }) : () -> ()
    %iota3A = tpu.iota {dimensions = array<i32: 0>} : vector<16xi32>
    %add3A_3 = arith.constant 0 : i32
    %add3A_4 = vector.broadcast %add3A_3 : i32 to vector<16xi32>
    %add3A_5 = arith.addi %iota3A, %add3A_4 : vector<16xi32>
    %add3A_6 = arith.constant 16 : i32
    %add3A_7 = vector.broadcast %add3A_6 : i32 to vector<16xi32>
    %add3A_8 = arith.addi %iota3A, %add3A_7 : vector<16xi32>
    %add3A_9 = arith.constant 32 : i32
    %add3A_10 = vector.broadcast %add3A_9 : i32 to vector<16xi32>
    %add3A_11 = arith.addi %iota3A, %add3A_10 : vector<16xi32>
    %add3A_12 = arith.constant 48 : i32
    %add3A_13 = vector.broadcast %add3A_12 : i32 to vector<16xi32>
    %add3A_14 = arith.addi %iota3A, %add3A_13 : vector<16xi32>
    %add3A_15 = arith.constant 64 : i32
    %add3A_16 = vector.broadcast %add3A_15 : i32 to vector<16xi32>
    %add3A_17 = arith.addi %iota3A, %add3A_16 : vector<16xi32>
    %add3A_18 = arith.constant 80 : i32
    %add3A_19 = vector.broadcast %add3A_18 : i32 to vector<16xi32>
    %add3A_20 = arith.addi %iota3A, %add3A_19 : vector<16xi32>
    %add3A_21 = arith.constant 96 : i32
    %add3A_22 = vector.broadcast %add3A_21 : i32 to vector<16xi32>
    %add3A_23 = arith.addi %iota3A, %add3A_22 : vector<16xi32>
    %add3A_24 = arith.constant 112 : i32
    %add3A_25 = vector.broadcast %add3A_24 : i32 to vector<16xi32>
    %add3A_26 = arith.addi %iota3A, %add3A_25 : vector<16xi32>
    %add3A_27 = arith.constant 128 : i32
    %add3A_28 = vector.broadcast %add3A_27 : i32 to vector<16xi32>
    %add3A_29 = arith.addi %iota3A, %add3A_28 : vector<16xi32>
    %add3A_30 = arith.constant 144 : i32
    %add3A_31 = vector.broadcast %add3A_30 : i32 to vector<16xi32>
    %add3A_32 = arith.addi %iota3A, %add3A_31 : vector<16xi32>
    %add3A_33 = arith.constant 160 : i32
    %add3A_34 = vector.broadcast %add3A_33 : i32 to vector<16xi32>
    %add3A_35 = arith.addi %iota3A, %add3A_34 : vector<16xi32>
    %add3A_36 = arith.constant 176 : i32
    %add3A_37 = vector.broadcast %add3A_36 : i32 to vector<16xi32>
    %add3A_38 = arith.addi %iota3A, %add3A_37 : vector<16xi32>
    %add3A_39 = arith.constant 192 : i32
    %add3A_40 = vector.broadcast %add3A_39 : i32 to vector<16xi32>
    %add3A_41 = arith.addi %iota3A, %add3A_40 : vector<16xi32>
    %add3A_42 = arith.constant 208 : i32
    %add3A_43 = vector.broadcast %add3A_42 : i32 to vector<16xi32>
    %add3A_44 = arith.addi %iota3A, %add3A_43 : vector<16xi32>
    %add3A_45 = arith.constant 224 : i32
    %add3A_46 = vector.broadcast %add3A_45 : i32 to vector<16xi32>
    %add3A_47 = arith.addi %iota3A, %add3A_46 : vector<16xi32>
    %add3A_48 = arith.constant 240 : i32
    %add3A_49 = vector.broadcast %add3A_48 : i32 to vector<16xi32>
    %add3A_50 = arith.addi %iota3A, %add3A_49 : vector<16xi32>
    %broadcast_in_dim3A = arith.constant 0 : i32
    %broadcast_in_dim3A_51 = vector.broadcast %broadcast_in_dim3A : i32 to vector<16x1xi32>
    %parallel_loop3A = arith.constant 0 : i32
    %parallel_loop3A_52 = arith.constant 128 : i32
    %parallel_loop3A_53 = arith.constant 1 : i32
    scf.for %parallel_loop3A_120 = %parallel_loop3A to %parallel_loop3A_52 step %parallel_loop3A_53  : i32 {
      %parallel_loop3A_121 = arith.constant 0 : i32
      %parallel_loop3A_122 = arith.addi %parallel_loop3A_121, %parallel_loop3A_120 : i32
      %parallel_loop3A_123 = arith.index_cast %parallel_loop3A_122 : i32 to index
      %parallel_loop3A_124 = tpu.vector_load %arg5[%parallel_loop3A_123] {strides = array<i32>} : memref<1040xi32, #tpu.memory_space<vmem>>, vector<16xi32>,
      %parallel_loop3A_125 = vector.shape_cast %broadcast_in_dim3A_51 : vector<16x1xi32> to vector<16xi32>
      %parallel_loop3A_126 = tpu.dynamic_gather %parallel_loop3A_124[%parallel_loop3A_125] in [0] : vector<16xi32>, vector<16xi32> -> vector<16xi32>
      %parallel_loop3A_127 = arith.constant 256 : i32
      %parallel_loop3A_128 = vector.broadcast %parallel_loop3A_127 : i32 to vector<16xi32>
      %parallel_loop3A_129 = arith.muli %parallel_loop3A_126, %parallel_loop3A_128 : vector<16xi32>
      %parallel_loop3A_130 = arith.addi %parallel_loop3A_129, %add3A_5 : vector<16xi32>
      %parallel_loop3A_131 = tpu.vector_load_idx %arg6[%parallel_loop3A_130] : memref<4096xf32, #tpu.memory_space<vmem>>[vector<16xi32>], vector<16xf32>,
      %parallel_loop3A_132 = arith.constant 256 : i32
      %parallel_loop3A_133 = arith.muli %parallel_loop3A_120, %parallel_loop3A_132 : i32
      %parallel_loop3A_134 = arith.constant 0 : i32
      %parallel_loop3A_135 = arith.addi %parallel_loop3A_133, %parallel_loop3A_134 : i32
      %parallel_loop3A_136 = arith.constant 0 : i32
      %parallel_loop3A_137 = arith.index_cast %parallel_loop3A_136 : i32 to index
      %parallel_loop3A_138 = arith.index_cast %parallel_loop3A_135 : i32 to index
      %parallel_loop3A_139 = tpu.vector_load %arg7[%parallel_loop3A_137, %parallel_loop3A_138] {strides = array<i32>} : memref<2x32768xf32, #tpu.memory_space<vmem>>, vector<16xf32>,
      tpu.vector_store %arg7[%parallel_loop3A_137, %parallel_loop3A_138], %parallel_loop3A_131 {strides = array<i32>} : memref<2x32768xf32, #tpu.memory_space<vmem>>, vector<16xf32>,
      %parallel_loop3A_140 = arith.addi %parallel_loop3A_129, %add3A_8 : vector<16xi32>
      %parallel_loop3A_141 = tpu.vector_load_idx %arg6[%parallel_loop3A_140] : memref<4096xf32, #tpu.memory_space<vmem>>[vector<16xi32>], vector<16xf32>,
      %parallel_loop3A_142 = arith.constant 256 : i32
      %parallel_loop3A_143 = arith.muli %parallel_loop3A_120, %parallel_loop3A_142 : i32
      %parallel_loop3A_144 = arith.constant 16 : i32
      %parallel_loop3A_145 = arith.addi %parallel_loop3A_143, %parallel_loop3A_144 : i32
      %parallel_loop3A_146 = arith.constant 0 : i32
      %parallel_loop3A_147 = arith.index_cast %parallel_loop3A_146 : i32 to index
      %parallel_loop3A_148 = arith.index_cast %parallel_loop3A_145 : i32 to index
      %parallel_loop3A_149 = tpu.vector_load %arg7[%parallel_loop3A_147, %parallel_loop3A_148] {strides = array<i32>} : memref<2x32768xf32, #tpu.memory_space<vmem>>, vector<16xf32>,
      tpu.vector_store %arg7[%parallel_loop3A_147, %parallel_loop3A_148], %parallel_loop3A_141 {strides = array<i32>} : memref<2x32768xf32, #tpu.memory_space<vmem>>, vector<16xf32>,
      %parallel_loop3A_150 = arith.addi %parallel_loop3A_129, %add3A_11 : vector<16xi32>
      %parallel_loop3A_151 = tpu.vector_load_idx %arg6[%parallel_loop3A_150] : memref<4096xf32, #tpu.memory_space<vmem>>[vector<16xi32>], vector<16xf32>,
      %parallel_loop3A_152 = arith.constant 256 : i32
      %parallel_loop3A_153 = arith.muli %parallel_loop3A_120, %parallel_loop3A_152 : i32
      %parallel_loop3A_154 = arith.constant 32 : i32
      %parallel_loop3A_155 = arith.addi %parallel_loop3A_153, %parallel_loop3A_154 : i32
      %parallel_loop3A_156 = arith.constant 0 : i32
      %parallel_loop3A_157 = arith.index_cast %parallel_loop3A_156 : i32 to index
      %parallel_loop3A_158 = arith.index_cast %parallel_loop3A_155 : i32 to index
      %parallel_loop3A_159 = tpu.vector_load %arg7[%parallel_loop3A_157, %parallel_loop3A_158] {strides = array<i32>} : memref<2x32768xf32, #tpu.memory_space<vmem>>, vector<16xf32>,
      tpu.vector_store %arg7[%parallel_loop3A_157, %parallel_loop3A_158], %parallel_loop3A_151 {strides = array<i32>} : memref<2x32768xf32, #tpu.memory_space<vmem>>, vector<16xf32>,
      %parallel_loop3A_160 = arith.addi %parallel_loop3A_129, %add3A_14 : vector<16xi32>
      %parallel_loop3A_161 = tpu.vector_load_idx %arg6[%parallel_loop3A_160] : memref<4096xf32, #tpu.memory_space<vmem>>[vector<16xi32>], vector<16xf32>,
      %parallel_loop3A_162 = arith.constant 256 : i32
      %parallel_loop3A_163 = arith.muli %parallel_loop3A_120, %parallel_loop3A_162 : i32
      %parallel_loop3A_164 = arith.constant 48 : i32
      %parallel_loop3A_165 = arith.addi %parallel_loop3A_163, %parallel_loop3A_164 : i32
      %parallel_loop3A_166 = arith.constant 0 : i32
      %parallel_loop3A_167 = arith.index_cast %parallel_loop3A_166 : i32 to index
      %parallel_loop3A_168 = arith.index_cast %parallel_loop3A_165 : i32 to index
      %parallel_loop3A_169 = tpu.vector_load %arg7[%parallel_loop3A_167, %parallel_loop3A_168] {strides = array<i32>} : memref<2x32768xf32, #tpu.memory_space<vmem>>, vector<16xf32>,
      tpu.vector_store %arg7[%parallel_loop3A_167, %parallel_loop3A_168], %parallel_loop3A_161 {strides = array<i32>} : memref<2x32768xf32, #tpu.memory_space<vmem>>, vector<16xf32>,
      %parallel_loop3A_170 = arith.addi %parallel_loop3A_129, %add3A_17 : vector<16xi32>
      %parallel_loop3A_171 = tpu.vector_load_idx %arg6[%parallel_loop3A_170] : memref<4096xf32, #tpu.memory_space<vmem>>[vector<16xi32>], vector<16xf32>,
      %parallel_loop3A_172 = arith.constant 256 : i32
      %parallel_loop3A_173 = arith.muli %parallel_loop3A_120, %parallel_loop3A_172 : i32
      %parallel_loop3A_174 = arith.constant 64 : i32
      %parallel_loop3A_175 = arith.addi %parallel_loop3A_173, %parallel_loop3A_174 : i32
      %parallel_loop3A_176 = arith.constant 0 : i32
      %parallel_loop3A_177 = arith.index_cast %parallel_loop3A_176 : i32 to index
      %parallel_loop3A_178 = arith.index_cast %parallel_loop3A_175 : i32 to index
      %parallel_loop3A_179 = tpu.vector_load %arg7[%parallel_loop3A_177, %parallel_loop3A_178] {strides = array<i32>} : memref<2x32768xf32, #tpu.memory_space<vmem>>, vector<16xf32>,
      tpu.vector_store %arg7[%parallel_loop3A_177, %parallel_loop3A_178], %parallel_loop3A_171 {strides = array<i32>} : memref<2x32768xf32, #tpu.memory_space<vmem>>, vector<16xf32>,
      %parallel_loop3A_180 = arith.addi %parallel_loop3A_129, %add3A_20 : vector<16xi32>
      %parallel_loop3A_181 = tpu.vector_load_idx %arg6[%parallel_loop3A_180] : memref<4096xf32, #tpu.memory_space<vmem>>[vector<16xi32>], vector<16xf32>,
      %parallel_loop3A_182 = arith.constant 256 : i32
      %parallel_loop3A_183 = arith.muli %parallel_loop3A_120, %parallel_loop3A_182 : i32
      %parallel_loop3A_184 = arith.constant 80 : i32
      %parallel_loop3A_185 = arith.addi %parallel_loop3A_183, %parallel_loop3A_184 : i32
      %parallel_loop3A_186 = arith.constant 0 : i32
      %parallel_loop3A_187 = arith.index_cast %parallel_loop3A_186 : i32 to index
      %parallel_loop3A_188 = arith.index_cast %parallel_loop3A_185 : i32 to index
      %parallel_loop3A_189 = tpu.vector_load %arg7[%parallel_loop3A_187, %parallel_loop3A_188] {strides = array<i32>} : memref<2x32768xf32, #tpu.memory_space<vmem>>, vector<16xf32>,
      tpu.vector_store %arg7[%parallel_loop3A_187, %parallel_loop3A_188], %parallel_loop3A_181 {strides = array<i32>} : memref<2x32768xf32, #tpu.memory_space<vmem>>, vector<16xf32>,
      %parallel_loop3A_190 = arith.addi %parallel_loop3A_129, %add3A_23 : vector<16xi32>
      %parallel_loop3A_191 = tpu.vector_load_idx %arg6[%parallel_loop3A_190] : memref<4096xf32, #tpu.memory_space<vmem>>[vector<16xi32>], vector<16xf32>,
      %parallel_loop3A_192 = arith.constant 256 : i32
      %parallel_loop3A_193 = arith.muli %parallel_loop3A_120, %parallel_loop3A_192 : i32
      %parallel_loop3A_194 = arith.constant 96 : i32
      %parallel_loop3A_195 = arith.addi %parallel_loop3A_193, %parallel_loop3A_194 : i32
      %parallel_loop3A_196 = arith.constant 0 : i32
      %parallel_loop3A_197 = arith.index_cast %parallel_loop3A_196 : i32 to index
      %parallel_loop3A_198 = arith.index_cast %parallel_loop3A_195 : i32 to index
      %parallel_loop3A_199 = tpu.vector_load %arg7[%parallel_loop3A_197, %parallel_loop3A_198] {strides = array<i32>} : memref<2x32768xf32, #tpu.memory_space<vmem>>, vector<16xf32>,
      tpu.vector_store %arg7[%parallel_loop3A_197, %parallel_loop3A_198], %parallel_loop3A_191 {strides = array<i32>} : memref<2x32768xf32, #tpu.memory_space<vmem>>, vector<16xf32>,
      %parallel_loop3A_200 = arith.addi %parallel_loop3A_129, %add3A_26 : vector<16xi32>
      %parallel_loop3A_201 = tpu.vector_load_idx %arg6[%parallel_loop3A_200] : memref<4096xf32, #tpu.memory_space<vmem>>[vector<16xi32>], vector<16xf32>,
      %parallel_loop3A_202 = arith.constant 256 : i32
      %parallel_loop3A_203 = arith.muli %parallel_loop3A_120, %parallel_loop3A_202 : i32
      %parallel_loop3A_204 = arith.constant 112 : i32
      %parallel_loop3A_205 = arith.addi %parallel_loop3A_203, %parallel_loop3A_204 : i32
      %parallel_loop3A_206 = arith.constant 0 : i32
      %parallel_loop3A_207 = arith.index_cast %parallel_loop3A_206 : i32 to index
      %parallel_loop3A_208 = arith.index_cast %parallel_loop3A_205 : i32 to index
      %parallel_loop3A_209 = tpu.vector_load %arg7[%parallel_loop3A_207, %parallel_loop3A_208] {strides = array<i32>} : memref<2x32768xf32, #tpu.memory_space<vmem>>, vector<16xf32>,
      tpu.vector_store %arg7[%parallel_loop3A_207, %parallel_loop3A_208], %parallel_loop3A_201 {strides = array<i32>} : memref<2x32768xf32, #tpu.memory_space<vmem>>, vector<16xf32>,
      %parallel_loop3A_210 = arith.addi %parallel_loop3A_129, %add3A_29 : vector<16xi32>
      %parallel_loop3A_211 = tpu.vector_load_idx %arg6[%parallel_loop3A_210] : memref<4096xf32, #tpu.memory_space<vmem>>[vector<16xi32>], vector<16xf32>,
      %parallel_loop3A_212 = arith.constant 256 : i32
      %parallel_loop3A_213 = arith.muli %parallel_loop3A_120, %parallel_loop3A_212 : i32
      %parallel_loop3A_214 = arith.constant 128 : i32
      %parallel_loop3A_215 = arith.addi %parallel_loop3A_213, %parallel_loop3A_214 : i32
      %parallel_loop3A_216 = arith.constant 0 : i32
      %parallel_loop3A_217 = arith.index_cast %parallel_loop3A_216 : i32 to index
      %parallel_loop3A_218 = arith.index_cast %parallel_loop3A_215 : i32 to index
      %parallel_loop3A_219 = tpu.vector_load %arg7[%parallel_loop3A_217, %parallel_loop3A_218] {strides = array<i32>} : memref<2x32768xf32, #tpu.memory_space<vmem>>, vector<16xf32>,
      tpu.vector_store %arg7[%parallel_loop3A_217, %parallel_loop3A_218], %parallel_loop3A_211 {strides = array<i32>} : memref<2x32768xf32, #tpu.memory_space<vmem>>, vector<16xf32>,
      %parallel_loop3A_220 = arith.addi %parallel_loop3A_129, %add3A_32 : vector<16xi32>
      %parallel_loop3A_221 = tpu.vector_load_idx %arg6[%parallel_loop3A_220] : memref<4096xf32, #tpu.memory_space<vmem>>[vector<16xi32>], vector<16xf32>,
      %parallel_loop3A_222 = arith.constant 256 : i32
      %parallel_loop3A_223 = arith.muli %parallel_loop3A_120, %parallel_loop3A_222 : i32
      %parallel_loop3A_224 = arith.constant 144 : i32
      %parallel_loop3A_225 = arith.addi %parallel_loop3A_223, %parallel_loop3A_224 : i32
      %parallel_loop3A_226 = arith.constant 0 : i32
      %parallel_loop3A_227 = arith.index_cast %parallel_loop3A_226 : i32 to index
      %parallel_loop3A_228 = arith.index_cast %parallel_loop3A_225 : i32 to index
      %parallel_loop3A_229 = tpu.vector_load %arg7[%parallel_loop3A_227, %parallel_loop3A_228] {strides = array<i32>} : memref<2x32768xf32, #tpu.memory_space<vmem>>, vector<16xf32>,
      tpu.vector_store %arg7[%parallel_loop3A_227, %parallel_loop3A_228], %parallel_loop3A_221 {strides = array<i32>} : memref<2x32768xf32, #tpu.memory_space<vmem>>, vector<16xf32>,
      %parallel_loop3A_230 = arith.addi %parallel_loop3A_129, %add3A_35 : vector<16xi32>
      %parallel_loop3A_231 = tpu.vector_load_idx %arg6[%parallel_loop3A_230] : memref<4096xf32, #tpu.memory_space<vmem>>[vector<16xi32>], vector<16xf32>,
      %parallel_loop3A_232 = arith.constant 256 : i32
      %parallel_loop3A_233 = arith.muli %parallel_loop3A_120, %parallel_loop3A_232 : i32
      %parallel_loop3A_234 = arith.constant 160 : i32
      %parallel_loop3A_235 = arith.addi %parallel_loop3A_233, %parallel_loop3A_234 : i32
      %parallel_loop3A_236 = arith.constant 0 : i32
      %parallel_loop3A_237 = arith.index_cast %parallel_loop3A_236 : i32 to index
      %parallel_loop3A_238 = arith.index_cast %parallel_loop3A_235 : i32 to index
      %parallel_loop3A_239 = tpu.vector_load %arg7[%parallel_loop3A_237, %parallel_loop3A_238] {strides = array<i32>} : memref<2x32768xf32, #tpu.memory_space<vmem>>, vector<16xf32>,
      tpu.vector_store %arg7[%parallel_loop3A_237, %parallel_loop3A_238], %parallel_loop3A_231 {strides = array<i32>} : memref<2x32768xf32, #tpu.memory_space<vmem>>, vector<16xf32>,
      %parallel_loop3A_240 = arith.addi %parallel_loop3A_129, %add3A_38 : vector<16xi32>
      %parallel_loop3A_241 = tpu.vector_load_idx %arg6[%parallel_loop3A_240] : memref<4096xf32, #tpu.memory_space<vmem>>[vector<16xi32>], vector<16xf32>,
      %parallel_loop3A_242 = arith.constant 256 : i32
      %parallel_loop3A_243 = arith.muli %parallel_loop3A_120, %parallel_loop3A_242 : i32
      %parallel_loop3A_244 = arith.constant 176 : i32
      %parallel_loop3A_245 = arith.addi %parallel_loop3A_243, %parallel_loop3A_244 : i32
      %parallel_loop3A_246 = arith.constant 0 : i32
      %parallel_loop3A_247 = arith.index_cast %parallel_loop3A_246 : i32 to index
      %parallel_loop3A_248 = arith.index_cast %parallel_loop3A_245 : i32 to index
      %parallel_loop3A_249 = tpu.vector_load %arg7[%parallel_loop3A_247, %parallel_loop3A_248] {strides = array<i32>} : memref<2x32768xf32, #tpu.memory_space<vmem>>, vector<16xf32>,
      tpu.vector_store %arg7[%parallel_loop3A_247, %parallel_loop3A_248], %parallel_loop3A_241 {strides = array<i32>} : memref<2x32768xf32, #tpu.memory_space<vmem>>, vector<16xf32>,
      %parallel_loop3A_250 = arith.addi %parallel_loop3A_129, %add3A_41 : vector<16xi32>
      %parallel_loop3A_251 = tpu.vector_load_idx %arg6[%parallel_loop3A_250] : memref<4096xf32, #tpu.memory_space<vmem>>[vector<16xi32>], vector<16xf32>,
      %parallel_loop3A_252 = arith.constant 256 : i32
      %parallel_loop3A_253 = arith.muli %parallel_loop3A_120, %parallel_loop3A_252 : i32
      %parallel_loop3A_254 = arith.constant 192 : i32
      %parallel_loop3A_255 = arith.addi %parallel_loop3A_253, %parallel_loop3A_254 : i32
      %parallel_loop3A_256 = arith.constant 0 : i32
      %parallel_loop3A_257 = arith.index_cast %parallel_loop3A_256 : i32 to index
      %parallel_loop3A_258 = arith.index_cast %parallel_loop3A_255 : i32 to index
      %parallel_loop3A_259 = tpu.vector_load %arg7[%parallel_loop3A_257, %parallel_loop3A_258] {strides = array<i32>} : memref<2x32768xf32, #tpu.memory_space<vmem>>, vector<16xf32>,
      tpu.vector_store %arg7[%parallel_loop3A_257, %parallel_loop3A_258], %parallel_loop3A_251 {strides = array<i32>} : memref<2x32768xf32, #tpu.memory_space<vmem>>, vector<16xf32>,
      %parallel_loop3A_260 = arith.addi %parallel_loop3A_129, %add3A_44 : vector<16xi32>
      %parallel_loop3A_261 = tpu.vector_load_idx %arg6[%parallel_loop3A_260] : memref<4096xf32, #tpu.memory_space<vmem>>[vector<16xi32>], vector<16xf32>,
      %parallel_loop3A_262 = arith.constant 256 : i32
      %parallel_loop3A_263 = arith.muli %parallel_loop3A_120, %parallel_loop3A_262 : i32
      %parallel_loop3A_264 = arith.constant 208 : i32
      %parallel_loop3A_265 = arith.addi %parallel_loop3A_263, %parallel_loop3A_264 : i32
      %parallel_loop3A_266 = arith.constant 0 : i32
      %parallel_loop3A_267 = arith.index_cast %parallel_loop3A_266 : i32 to index
      %parallel_loop3A_268 = arith.index_cast %parallel_loop3A_265 : i32 to index
      %parallel_loop3A_269 = tpu.vector_load %arg7[%parallel_loop3A_267, %parallel_loop3A_268] {strides = array<i32>} : memref<2x32768xf32, #tpu.memory_space<vmem>>, vector<16xf32>,
      tpu.vector_store %arg7[%parallel_loop3A_267, %parallel_loop3A_268], %parallel_loop3A_261 {strides = array<i32>} : memref<2x32768xf32, #tpu.memory_space<vmem>>, vector<16xf32>,
      %parallel_loop3A_270 = arith.addi %parallel_loop3A_129, %add3A_47 : vector<16xi32>
      %parallel_loop3A_271 = tpu.vector_load_idx %arg6[%parallel_loop3A_270] : memref<4096xf32, #tpu.memory_space<vmem>>[vector<16xi32>], vector<16xf32>,
      %parallel_loop3A_272 = arith.constant 256 : i32
      %parallel_loop3A_273 = arith.muli %parallel_loop3A_120, %parallel_loop3A_272 : i32
      %parallel_loop3A_274 = arith.constant 224 : i32
      %parallel_loop3A_275 = arith.addi %parallel_loop3A_273, %parallel_loop3A_274 : i32
      %parallel_loop3A_276 = arith.constant 0 : i32
      %parallel_loop3A_277 = arith.index_cast %parallel_loop3A_276 : i32 to index
      %parallel_loop3A_278 = arith.index_cast %parallel_loop3A_275 : i32 to index
      %parallel_loop3A_279 = tpu.vector_load %arg7[%parallel_loop3A_277, %parallel_loop3A_278] {strides = array<i32>} : memref<2x32768xf32, #tpu.memory_space<vmem>>, vector<16xf32>,
      tpu.vector_store %arg7[%parallel_loop3A_277, %parallel_loop3A_278], %parallel_loop3A_271 {strides = array<i32>} : memref<2x32768xf32, #tpu.memory_space<vmem>>, vector<16xf32>,
      %parallel_loop3A_280 = arith.addi %parallel_loop3A_129, %add3A_50 : vector<16xi32>
      %parallel_loop3A_281 = tpu.vector_load_idx %arg6[%parallel_loop3A_280] : memref<4096xf32, #tpu.memory_space<vmem>>[vector<16xi32>], vector<16xf32>,
      %parallel_loop3A_282 = arith.constant 256 : i32
      %parallel_loop3A_283 = arith.muli %parallel_loop3A_120, %parallel_loop3A_282 : i32
      %parallel_loop3A_284 = arith.constant 240 : i32
      %parallel_loop3A_285 = arith.addi %parallel_loop3A_283, %parallel_loop3A_284 : i32
      %parallel_loop3A_286 = arith.constant 0 : i32
      %parallel_loop3A_287 = arith.index_cast %parallel_loop3A_286 : i32 to index
      %parallel_loop3A_288 = arith.index_cast %parallel_loop3A_285 : i32 to index
      %parallel_loop3A_289 = tpu.vector_load %arg7[%parallel_loop3A_287, %parallel_loop3A_288] {strides = array<i32>} : memref<2x32768xf32, #tpu.memory_space<vmem>>, vector<16xf32>,
      tpu.vector_store %arg7[%parallel_loop3A_287, %parallel_loop3A_288], %parallel_loop3A_281 {strides = array<i32>} : memref<2x32768xf32, #tpu.memory_space<vmem>>, vector<16xf32>,
    } {sc.loop_unroll_factor = 2 : i64, sc.parallel_access}
    %add3A_54 = arith.constant 0 : i32
    %add3A_55 = arith.addi %mul3A_2, %add3A_54 : i32
    %mul3A_56 = arith.constant 256 : i32
    %mul3A_57 = arith.muli %add3A_55, %mul3A_56 : i32
    %dma_start3A = arith.constant 0 : i32
    %dma_start3A_58 = arith.constant 0 : i32
    %dma_start3A_59 = arith.constant 0 : i32
    %dma_start3A_60 = tpu.memref_slice %arg7[%dma_start3A, %dma_start3A_59] : memref<2x32768xf32, #tpu.memory_space<vmem>> -> memref<1x32768xf32, #tpu.memory_space<vmem>>
    %dma_start3A_61 = tpu.memref_squeeze %dma_start3A_60 : memref<1x32768xf32, #tpu.memory_space<vmem>> -> memref<32768xf32, #tpu.memory_space<vmem>>
    %dma_start3A_62 = tpu.memref_slice %arg4[%mul3A_57] : memref<8388608xf32, #tpu.memory_space<hbm>> -> memref<32768xf32, #tpu.memory_space<hbm>>
    %dma_start3A_63 = tpu.memref_slice %arg8[%dma_start3A_58] : memref<2x!tpu.dma_semaphore, #tpu.memory_space<semaphore_mem>> -> memref<1x!tpu.dma_semaphore, #tpu.memory_space<semaphore_mem>>
    %dma_start3A_64 = tpu.memref_squeeze %dma_start3A_63 : memref<1x!tpu.dma_semaphore, #tpu.memory_space<semaphore_mem>> -> memref<!tpu.dma_semaphore, #tpu.memory_space<semaphore_mem>>
    %dma_start3A_65 = tpu.memref_slice %arg4[%mul3A_57] : memref<8388608xf32, #tpu.memory_space<hbm>> -> memref<32768xf32, #tpu.memory_space<hbm>>
    %dma_start3A_66 = arith.constant 0 : i32
    %dma_start3A_67 = tpu.memref_slice %arg7[%dma_start3A, %dma_start3A_66] : memref<2x32768xf32, #tpu.memory_space<vmem>> -> memref<1x32768xf32, #tpu.memory_space<vmem>>
    %dma_start3A_68 = tpu.memref_squeeze %dma_start3A_67 : memref<1x32768xf32, #tpu.memory_space<vmem>> -> memref<32768xf32, #tpu.memory_space<vmem>>
    tpu.enqueue_dma source(%dma_start3A_68 : memref<32768xf32, #tpu.memory_space<vmem>>) target(%dma_start3A_65 : memref<32768xf32, #tpu.memory_space<hbm>>) target_semaphore(%dma_start3A_64 : memref<!tpu.dma_semaphore, #tpu.memory_space<semaphore_mem>>)
    %parallel_loop3A_69 = arith.constant 0 : i32
    %parallel_loop3A_70 = arith.constant 128 : i32
    %parallel_loop3A_71 = arith.constant 1 : i32
    scf.for %parallel_loop3A_120 = %parallel_loop3A_69 to %parallel_loop3A_70 step %parallel_loop3A_71  : i32 {
      %parallel_loop3A_121 = arith.constant 128 : i32
      %parallel_loop3A_122 = arith.addi %parallel_loop3A_121, %parallel_loop3A_120 : i32
      %parallel_loop3A_123 = arith.index_cast %parallel_loop3A_122 : i32 to index
      %parallel_loop3A_124 = tpu.vector_load %arg5[%parallel_loop3A_123] {strides = array<i32>} : memref<1040xi32, #tpu.memory_space<vmem>>, vector<16xi32>,
      %parallel_loop3A_125 = vector.shape_cast %broadcast_in_dim3A_51 : vector<16x1xi32> to vector<16xi32>
      %parallel_loop3A_126 = tpu.dynamic_gather %parallel_loop3A_124[%parallel_loop3A_125] in [0] : vector<16xi32>, vector<16xi32> -> vector<16xi32>
      %parallel_loop3A_127 = arith.constant 256 : i32
      %parallel_loop3A_128 = vector.broadcast %parallel_loop3A_127 : i32 to vector<16xi32>
      %parallel_loop3A_129 = arith.muli %parallel_loop3A_126, %parallel_loop3A_128 : vector<16xi32>
      %parallel_loop3A_130 = arith.addi %parallel_loop3A_129, %add3A_5 : vector<16xi32>
      %parallel_loop3A_131 = tpu.vector_load_idx %arg6[%parallel_loop3A_130] : memref<4096xf32, #tpu.memory_space<vmem>>[vector<16xi32>], vector<16xf32>,
      %parallel_loop3A_132 = arith.constant 256 : i32
      %parallel_loop3A_133 = arith.muli %parallel_loop3A_120, %parallel_loop3A_132 : i32
      %parallel_loop3A_134 = arith.constant 0 : i32
      %parallel_loop3A_135 = arith.addi %parallel_loop3A_133, %parallel_loop3A_134 : i32
      %parallel_loop3A_136 = arith.constant 1 : i32
      %parallel_loop3A_137 = arith.index_cast %parallel_loop3A_136 : i32 to index
      %parallel_loop3A_138 = arith.index_cast %parallel_loop3A_135 : i32 to index
      %parallel_loop3A_139 = tpu.vector_load %arg7[%parallel_loop3A_137, %parallel_loop3A_138] {strides = array<i32>} : memref<2x32768xf32, #tpu.memory_space<vmem>>, vector<16xf32>,
      tpu.vector_store %arg7[%parallel_loop3A_137, %parallel_loop3A_138], %parallel_loop3A_131 {strides = array<i32>} : memref<2x32768xf32, #tpu.memory_space<vmem>>, vector<16xf32>,
      %parallel_loop3A_140 = arith.addi %parallel_loop3A_129, %add3A_8 : vector<16xi32>
      %parallel_loop3A_141 = tpu.vector_load_idx %arg6[%parallel_loop3A_140] : memref<4096xf32, #tpu.memory_space<vmem>>[vector<16xi32>], vector<16xf32>,
      %parallel_loop3A_142 = arith.constant 256 : i32
      %parallel_loop3A_143 = arith.muli %parallel_loop3A_120, %parallel_loop3A_142 : i32
      %parallel_loop3A_144 = arith.constant 16 : i32
      %parallel_loop3A_145 = arith.addi %parallel_loop3A_143, %parallel_loop3A_144 : i32
      %parallel_loop3A_146 = arith.constant 1 : i32
      %parallel_loop3A_147 = arith.index_cast %parallel_loop3A_146 : i32 to index
      %parallel_loop3A_148 = arith.index_cast %parallel_loop3A_145 : i32 to index
      %parallel_loop3A_149 = tpu.vector_load %arg7[%parallel_loop3A_147, %parallel_loop3A_148] {strides = array<i32>} : memref<2x32768xf32, #tpu.memory_space<vmem>>, vector<16xf32>,
      tpu.vector_store %arg7[%parallel_loop3A_147, %parallel_loop3A_148], %parallel_loop3A_141 {strides = array<i32>} : memref<2x32768xf32, #tpu.memory_space<vmem>>, vector<16xf32>,
      %parallel_loop3A_150 = arith.addi %parallel_loop3A_129, %add3A_11 : vector<16xi32>
      %parallel_loop3A_151 = tpu.vector_load_idx %arg6[%parallel_loop3A_150] : memref<4096xf32, #tpu.memory_space<vmem>>[vector<16xi32>], vector<16xf32>,
      %parallel_loop3A_152 = arith.constant 256 : i32
      %parallel_loop3A_153 = arith.muli %parallel_loop3A_120, %parallel_loop3A_152 : i32
      %parallel_loop3A_154 = arith.constant 32 : i32
      %parallel_loop3A_155 = arith.addi %parallel_loop3A_153, %parallel_loop3A_154 : i32
      %parallel_loop3A_156 = arith.constant 1 : i32
      %parallel_loop3A_157 = arith.index_cast %parallel_loop3A_156 : i32 to index
      %parallel_loop3A_158 = arith.index_cast %parallel_loop3A_155 : i32 to index
      %parallel_loop3A_159 = tpu.vector_load %arg7[%parallel_loop3A_157, %parallel_loop3A_158] {strides = array<i32>} : memref<2x32768xf32, #tpu.memory_space<vmem>>, vector<16xf32>,
      tpu.vector_store %arg7[%parallel_loop3A_157, %parallel_loop3A_158], %parallel_loop3A_151 {strides = array<i32>} : memref<2x32768xf32, #tpu.memory_space<vmem>>, vector<16xf32>,
      %parallel_loop3A_160 = arith.addi %parallel_loop3A_129, %add3A_14 : vector<16xi32>
      %parallel_loop3A_161 = tpu.vector_load_idx %arg6[%parallel_loop3A_160] : memref<4096xf32, #tpu.memory_space<vmem>>[vector<16xi32>], vector<16xf32>,
      %parallel_loop3A_162 = arith.constant 256 : i32
      %parallel_loop3A_163 = arith.muli %parallel_loop3A_120, %parallel_loop3A_162 : i32
      %parallel_loop3A_164 = arith.constant 48 : i32
      %parallel_loop3A_165 = arith.addi %parallel_loop3A_163, %parallel_loop3A_164 : i32
      %parallel_loop3A_166 = arith.constant 1 : i32
      %parallel_loop3A_167 = arith.index_cast %parallel_loop3A_166 : i32 to index
      %parallel_loop3A_168 = arith.index_cast %parallel_loop3A_165 : i32 to index
      %parallel_loop3A_169 = tpu.vector_load %arg7[%parallel_loop3A_167, %parallel_loop3A_168] {strides = array<i32>} : memref<2x32768xf32, #tpu.memory_space<vmem>>, vector<16xf32>,
      tpu.vector_store %arg7[%parallel_loop3A_167, %parallel_loop3A_168], %parallel_loop3A_161 {strides = array<i32>} : memref<2x32768xf32, #tpu.memory_space<vmem>>, vector<16xf32>,
      %parallel_loop3A_170 = arith.addi %parallel_loop3A_129, %add3A_17 : vector<16xi32>
      %parallel_loop3A_171 = tpu.vector_load_idx %arg6[%parallel_loop3A_170] : memref<4096xf32, #tpu.memory_space<vmem>>[vector<16xi32>], vector<16xf32>,
      %parallel_loop3A_172 = arith.constant 256 : i32
      %parallel_loop3A_173 = arith.muli %parallel_loop3A_120, %parallel_loop3A_172 : i32
      %parallel_loop3A_174 = arith.constant 64 : i32
      %parallel_loop3A_175 = arith.addi %parallel_loop3A_173, %parallel_loop3A_174 : i32
      %parallel_loop3A_176 = arith.constant 1 : i32
      %parallel_loop3A_177 = arith.index_cast %parallel_loop3A_176 : i32 to index
      %parallel_loop3A_178 = arith.index_cast %parallel_loop3A_175 : i32 to index
      %parallel_loop3A_179 = tpu.vector_load %arg7[%parallel_loop3A_177, %parallel_loop3A_178] {strides = array<i32>} : memref<2x32768xf32, #tpu.memory_space<vmem>>, vector<16xf32>,
      tpu.vector_store %arg7[%parallel_loop3A_177, %parallel_loop3A_178], %parallel_loop3A_171 {strides = array<i32>} : memref<2x32768xf32, #tpu.memory_space<vmem>>, vector<16xf32>,
      %parallel_loop3A_180 = arith.addi %parallel_loop3A_129, %add3A_20 : vector<16xi32>
      %parallel_loop3A_181 = tpu.vector_load_idx %arg6[%parallel_loop3A_180] : memref<4096xf32, #tpu.memory_space<vmem>>[vector<16xi32>], vector<16xf32>,
      %parallel_loop3A_182 = arith.constant 256 : i32
      %parallel_loop3A_183 = arith.muli %parallel_loop3A_120, %parallel_loop3A_182 : i32
      %parallel_loop3A_184 = arith.constant 80 : i32
      %parallel_loop3A_185 = arith.addi %parallel_loop3A_183, %parallel_loop3A_184 : i32
      %parallel_loop3A_186 = arith.constant 1 : i32
      %parallel_loop3A_187 = arith.index_cast %parallel_loop3A_186 : i32 to index
      %parallel_loop3A_188 = arith.index_cast %parallel_loop3A_185 : i32 to index
      %parallel_loop3A_189 = tpu.vector_load %arg7[%parallel_loop3A_187, %parallel_loop3A_188] {strides = array<i32>} : memref<2x32768xf32, #tpu.memory_space<vmem>>, vector<16xf32>,
      tpu.vector_store %arg7[%parallel_loop3A_187, %parallel_loop3A_188], %parallel_loop3A_181 {strides = array<i32>} : memref<2x32768xf32, #tpu.memory_space<vmem>>, vector<16xf32>,
      %parallel_loop3A_190 = arith.addi %parallel_loop3A_129, %add3A_23 : vector<16xi32>
      %parallel_loop3A_191 = tpu.vector_load_idx %arg6[%parallel_loop3A_190] : memref<4096xf32, #tpu.memory_space<vmem>>[vector<16xi32>], vector<16xf32>,
      %parallel_loop3A_192 = arith.constant 256 : i32
      %parallel_loop3A_193 = arith.muli %parallel_loop3A_120, %parallel_loop3A_192 : i32
      %parallel_loop3A_194 = arith.constant 96 : i32
      %parallel_loop3A_195 = arith.addi %parallel_loop3A_193, %parallel_loop3A_194 : i32
      %parallel_loop3A_196 = arith.constant 1 : i32
      %parallel_loop3A_197 = arith.index_cast %parallel_loop3A_196 : i32 to index
      %parallel_loop3A_198 = arith.index_cast %parallel_loop3A_195 : i32 to index
      %parallel_loop3A_199 = tpu.vector_load %arg7[%parallel_loop3A_197, %parallel_loop3A_198] {strides = array<i32>} : memref<2x32768xf32, #tpu.memory_space<vmem>>, vector<16xf32>,
      tpu.vector_store %arg7[%parallel_loop3A_197, %parallel_loop3A_198], %parallel_loop3A_191 {strides = array<i32>} : memref<2x32768xf32, #tpu.memory_space<vmem>>, vector<16xf32>,
      %parallel_loop3A_200 = arith.addi %parallel_loop3A_129, %add3A_26 : vector<16xi32>
      %parallel_loop3A_201 = tpu.vector_load_idx %arg6[%parallel_loop3A_200] : memref<4096xf32, #tpu.memory_space<vmem>>[vector<16xi32>], vector<16xf32>,
      %parallel_loop3A_202 = arith.constant 256 : i32
      %parallel_loop3A_203 = arith.muli %parallel_loop3A_120, %parallel_loop3A_202 : i32
      %parallel_loop3A_204 = arith.constant 112 : i32
      %parallel_loop3A_205 = arith.addi %parallel_loop3A_203, %parallel_loop3A_204 : i32
      %parallel_loop3A_206 = arith.constant 1 : i32
      %parallel_loop3A_207 = arith.index_cast %parallel_loop3A_206 : i32 to index
      %parallel_loop3A_208 = arith.index_cast %parallel_loop3A_205 : i32 to index
      %parallel_loop3A_209 = tpu.vector_load %arg7[%parallel_loop3A_207, %parallel_loop3A_208] {strides = array<i32>} : memref<2x32768xf32, #tpu.memory_space<vmem>>, vector<16xf32>,
      tpu.vector_store %arg7[%parallel_loop3A_207, %parallel_loop3A_208], %parallel_loop3A_201 {strides = array<i32>} : memref<2x32768xf32, #tpu.memory_space<vmem>>, vector<16xf32>,
      %parallel_loop3A_210 = arith.addi %parallel_loop3A_129, %add3A_29 : vector<16xi32>
      %parallel_loop3A_211 = tpu.vector_load_idx %arg6[%parallel_loop3A_210] : memref<4096xf32, #tpu.memory_space<vmem>>[vector<16xi32>], vector<16xf32>,
      %parallel_loop3A_212 = arith.constant 256 : i32
      %parallel_loop3A_213 = arith.muli %parallel_loop3A_120, %parallel_loop3A_212 : i32
      %parallel_loop3A_214 = arith.constant 128 : i32
      %parallel_loop3A_215 = arith.addi %parallel_loop3A_213, %parallel_loop3A_214 : i32
      %parallel_loop3A_216 = arith.constant 1 : i32
      %parallel_loop3A_217 = arith.index_cast %parallel_loop3A_216 : i32 to index
      %parallel_loop3A_218 = arith.index_cast %parallel_loop3A_215 : i32 to index
      %parallel_loop3A_219 = tpu.vector_load %arg7[%parallel_loop3A_217, %parallel_loop3A_218] {strides = array<i32>} : memref<2x32768xf32, #tpu.memory_space<vmem>>, vector<16xf32>,
      tpu.vector_store %arg7[%parallel_loop3A_217, %parallel_loop3A_218], %parallel_loop3A_211 {strides = array<i32>} : memref<2x32768xf32, #tpu.memory_space<vmem>>, vector<16xf32>,
      %parallel_loop3A_220 = arith.addi %parallel_loop3A_129, %add3A_32 : vector<16xi32>
      %parallel_loop3A_221 = tpu.vector_load_idx %arg6[%parallel_loop3A_220] : memref<4096xf32, #tpu.memory_space<vmem>>[vector<16xi32>], vector<16xf32>,
      %parallel_loop3A_222 = arith.constant 256 : i32
      %parallel_loop3A_223 = arith.muli %parallel_loop3A_120, %parallel_loop3A_222 : i32
      %parallel_loop3A_224 = arith.constant 144 : i32
      %parallel_loop3A_225 = arith.addi %parallel_loop3A_223, %parallel_loop3A_224 : i32
      %parallel_loop3A_226 = arith.constant 1 : i32
      %parallel_loop3A_227 = arith.index_cast %parallel_loop3A_226 : i32 to index
      %parallel_loop3A_228 = arith.index_cast %parallel_loop3A_225 : i32 to index
      %parallel_loop3A_229 = tpu.vector_load %arg7[%parallel_loop3A_227, %parallel_loop3A_228] {strides = array<i32>} : memref<2x32768xf32, #tpu.memory_space<vmem>>, vector<16xf32>,
      tpu.vector_store %arg7[%parallel_loop3A_227, %parallel_loop3A_228], %parallel_loop3A_221 {strides = array<i32>} : memref<2x32768xf32, #tpu.memory_space<vmem>>, vector<16xf32>,
      %parallel_loop3A_230 = arith.addi %parallel_loop3A_129, %add3A_35 : vector<16xi32>
      %parallel_loop3A_231 = tpu.vector_load_idx %arg6[%parallel_loop3A_230] : memref<4096xf32, #tpu.memory_space<vmem>>[vector<16xi32>], vector<16xf32>,
      %parallel_loop3A_232 = arith.constant 256 : i32
      %parallel_loop3A_233 = arith.muli %parallel_loop3A_120, %parallel_loop3A_232 : i32
      %parallel_loop3A_234 = arith.constant 160 : i32
      %parallel_loop3A_235 = arith.addi %parallel_loop3A_233, %parallel_loop3A_234 : i32
      %parallel_loop3A_236 = arith.constant 1 : i32
      %parallel_loop3A_237 = arith.index_cast %parallel_loop3A_236 : i32 to index
      %parallel_loop3A_238 = arith.index_cast %parallel_loop3A_235 : i32 to index
      %parallel_loop3A_239 = tpu.vector_load %arg7[%parallel_loop3A_237, %parallel_loop3A_238] {strides = array<i32>} : memref<2x32768xf32, #tpu.memory_space<vmem>>, vector<16xf32>,
      tpu.vector_store %arg7[%parallel_loop3A_237, %parallel_loop3A_238], %parallel_loop3A_231 {strides = array<i32>} : memref<2x32768xf32, #tpu.memory_space<vmem>>, vector<16xf32>,
      %parallel_loop3A_240 = arith.addi %parallel_loop3A_129, %add3A_38 : vector<16xi32>
      %parallel_loop3A_241 = tpu.vector_load_idx %arg6[%parallel_loop3A_240] : memref<4096xf32, #tpu.memory_space<vmem>>[vector<16xi32>], vector<16xf32>,
      %parallel_loop3A_242 = arith.constant 256 : i32
      %parallel_loop3A_243 = arith.muli %parallel_loop3A_120, %parallel_loop3A_242 : i32
      %parallel_loop3A_244 = arith.constant 176 : i32
      %parallel_loop3A_245 = arith.addi %parallel_loop3A_243, %parallel_loop3A_244 : i32
      %parallel_loop3A_246 = arith.constant 1 : i32
      %parallel_loop3A_247 = arith.index_cast %parallel_loop3A_246 : i32 to index
      %parallel_loop3A_248 = arith.index_cast %parallel_loop3A_245 : i32 to index
      %parallel_loop3A_249 = tpu.vector_load %arg7[%parallel_loop3A_247, %parallel_loop3A_248] {strides = array<i32>} : memref<2x32768xf32, #tpu.memory_space<vmem>>, vector<16xf32>,
      tpu.vector_store %arg7[%parallel_loop3A_247, %parallel_loop3A_248], %parallel_loop3A_241 {strides = array<i32>} : memref<2x32768xf32, #tpu.memory_space<vmem>>, vector<16xf32>,
      %parallel_loop3A_250 = arith.addi %parallel_loop3A_129, %add3A_41 : vector<16xi32>
      %parallel_loop3A_251 = tpu.vector_load_idx %arg6[%parallel_loop3A_250] : memref<4096xf32, #tpu.memory_space<vmem>>[vector<16xi32>], vector<16xf32>,
      %parallel_loop3A_252 = arith.constant 256 : i32
      %parallel_loop3A_253 = arith.muli %parallel_loop3A_120, %parallel_loop3A_252 : i32
      %parallel_loop3A_254 = arith.constant 192 : i32
      %parallel_loop3A_255 = arith.addi %parallel_loop3A_253, %parallel_loop3A_254 : i32
      %parallel_loop3A_256 = arith.constant 1 : i32
      %parallel_loop3A_257 = arith.index_cast %parallel_loop3A_256 : i32 to index
      %parallel_loop3A_258 = arith.index_cast %parallel_loop3A_255 : i32 to index
      %parallel_loop3A_259 = tpu.vector_load %arg7[%parallel_loop3A_257, %parallel_loop3A_258] {strides = array<i32>} : memref<2x32768xf32, #tpu.memory_space<vmem>>, vector<16xf32>,
      tpu.vector_store %arg7[%parallel_loop3A_257, %parallel_loop3A_258], %parallel_loop3A_251 {strides = array<i32>} : memref<2x32768xf32, #tpu.memory_space<vmem>>, vector<16xf32>,
      %parallel_loop3A_260 = arith.addi %parallel_loop3A_129, %add3A_44 : vector<16xi32>
      %parallel_loop3A_261 = tpu.vector_load_idx %arg6[%parallel_loop3A_260] : memref<4096xf32, #tpu.memory_space<vmem>>[vector<16xi32>], vector<16xf32>,
      %parallel_loop3A_262 = arith.constant 256 : i32
      %parallel_loop3A_263 = arith.muli %parallel_loop3A_120, %parallel_loop3A_262 : i32
      %parallel_loop3A_264 = arith.constant 208 : i32
      %parallel_loop3A_265 = arith.addi %parallel_loop3A_263, %parallel_loop3A_264 : i32
      %parallel_loop3A_266 = arith.constant 1 : i32
      %parallel_loop3A_267 = arith.index_cast %parallel_loop3A_266 : i32 to index
      %parallel_loop3A_268 = arith.index_cast %parallel_loop3A_265 : i32 to index
      %parallel_loop3A_269 = tpu.vector_load %arg7[%parallel_loop3A_267, %parallel_loop3A_268] {strides = array<i32>} : memref<2x32768xf32, #tpu.memory_space<vmem>>, vector<16xf32>,
      tpu.vector_store %arg7[%parallel_loop3A_267, %parallel_loop3A_268], %parallel_loop3A_261 {strides = array<i32>} : memref<2x32768xf32, #tpu.memory_space<vmem>>, vector<16xf32>,
      %parallel_loop3A_270 = arith.addi %parallel_loop3A_129, %add3A_47 : vector<16xi32>
      %parallel_loop3A_271 = tpu.vector_load_idx %arg6[%parallel_loop3A_270] : memref<4096xf32, #tpu.memory_space<vmem>>[vector<16xi32>], vector<16xf32>,
      %parallel_loop3A_272 = arith.constant 256 : i32
      %parallel_loop3A_273 = arith.muli %parallel_loop3A_120, %parallel_loop3A_272 : i32
      %parallel_loop3A_274 = arith.constant 224 : i32
      %parallel_loop3A_275 = arith.addi %parallel_loop3A_273, %parallel_loop3A_274 : i32
      %parallel_loop3A_276 = arith.constant 1 : i32
      %parallel_loop3A_277 = arith.index_cast %parallel_loop3A_276 : i32 to index
      %parallel_loop3A_278 = arith.index_cast %parallel_loop3A_275 : i32 to index
      %parallel_loop3A_279 = tpu.vector_load %arg7[%parallel_loop3A_277, %parallel_loop3A_278] {strides = array<i32>} : memref<2x32768xf32, #tpu.memory_space<vmem>>, vector<16xf32>,
      tpu.vector_store %arg7[%parallel_loop3A_277, %parallel_loop3A_278], %parallel_loop3A_271 {strides = array<i32>} : memref<2x32768xf32, #tpu.memory_space<vmem>>, vector<16xf32>,
      %parallel_loop3A_280 = arith.addi %parallel_loop3A_129, %add3A_50 : vector<16xi32>
      %parallel_loop3A_281 = tpu.vector_load_idx %arg6[%parallel_loop3A_280] : memref<4096xf32, #tpu.memory_space<vmem>>[vector<16xi32>], vector<16xf32>,
      %parallel_loop3A_282 = arith.constant 256 : i32
      %parallel_loop3A_283 = arith.muli %parallel_loop3A_120, %parallel_loop3A_282 : i32
      %parallel_loop3A_284 = arith.constant 240 : i32
      %parallel_loop3A_285 = arith.addi %parallel_loop3A_283, %parallel_loop3A_284 : i32
      %parallel_loop3A_286 = arith.constant 1 : i32
      %parallel_loop3A_287 = arith.index_cast %parallel_loop3A_286 : i32 to index
      %parallel_loop3A_288 = arith.index_cast %parallel_loop3A_285 : i32 to index
      %parallel_loop3A_289 = tpu.vector_load %arg7[%parallel_loop3A_287, %parallel_loop3A_288] {strides = array<i32>} : memref<2x32768xf32, #tpu.memory_space<vmem>>, vector<16xf32>,
      tpu.vector_store %arg7[%parallel_loop3A_287, %parallel_loop3A_288], %parallel_loop3A_281 {strides = array<i32>} : memref<2x32768xf32, #tpu.memory_space<vmem>>, vector<16xf32>,
    } {sc.loop_unroll_factor = 2 : i64, sc.parallel_access}
    %add3A_72 = arith.constant 128 : i32
    %add3A_73 = arith.addi %mul3A_2, %add3A_72 : i32
    %mul3A_74 = arith.constant 256 : i32
    %mul3A_75 = arith.muli %add3A_73, %mul3A_74 : i32
    %dma_start3A_76 = arith.constant 1 : i32
    %dma_start3A_77 = arith.constant 1 : i32
    %dma_start3A_78 = arith.constant 0 : i32
    %dma_start3A_79 = tpu.memref_slice %arg7[%dma_start3A_76, %dma_start3A_78] : memref<2x32768xf32, #tpu.memory_space<vmem>> -> memref<1x32768xf32, #tpu.memory_space<vmem>>
    %dma_start3A_80 = tpu.memref_squeeze %dma_start3A_79 : memref<1x32768xf32, #tpu.memory_space<vmem>> -> memref<32768xf32, #tpu.memory_space<vmem>>
    %dma_start3A_81 = tpu.memref_slice %arg4[%mul3A_75] : memref<8388608xf32, #tpu.memory_space<hbm>> -> memref<32768xf32, #tpu.memory_space<hbm>>
    %dma_start3A_82 = tpu.memref_slice %arg8[%dma_start3A_77] : memref<2x!tpu.dma_semaphore, #tpu.memory_space<semaphore_mem>> -> memref<1x!tpu.dma_semaphore, #tpu.memory_space<semaphore_mem>>
    %dma_start3A_83 = tpu.memref_squeeze %dma_start3A_82 : memref<1x!tpu.dma_semaphore, #tpu.memory_space<semaphore_mem>> -> memref<!tpu.dma_semaphore, #tpu.memory_space<semaphore_mem>>
    %dma_start3A_84 = tpu.memref_slice %arg4[%mul3A_75] : memref<8388608xf32, #tpu.memory_space<hbm>> -> memref<32768xf32, #tpu.memory_space<hbm>>
    %dma_start3A_85 = arith.constant 0 : i32
    %dma_start3A_86 = tpu.memref_slice %arg7[%dma_start3A_76, %dma_start3A_85] : memref<2x32768xf32, #tpu.memory_space<vmem>> -> memref<1x32768xf32, #tpu.memory_space<vmem>>
    %dma_start3A_87 = tpu.memref_squeeze %dma_start3A_86 : memref<1x32768xf32, #tpu.memory_space<vmem>> -> memref<32768xf32, #tpu.memory_space<vmem>>
    tpu.enqueue_dma source(%dma_start3A_87 : memref<32768xf32, #tpu.memory_space<vmem>>) target(%dma_start3A_84 : memref<32768xf32, #tpu.memory_space<hbm>>) target_semaphore(%dma_start3A_83 : memref<!tpu.dma_semaphore, #tpu.memory_space<semaphore_mem>>)
    %scan3A = arith.constant 0 : i32
    %scan3A_88 = arith.constant 1 : i32
    %scan3A_89 = arith.constant 3 : i32
    %scan3A_90 = arith.addi %scan3A_88, %scan3A_89 : i32
    %scan3A_91 = arith.constant 1 : i32
    scf.for %scan3A_120 = %scan3A_88 to %scan3A_90 step %scan3A_91  : i32 {
      %mul3A_121 = arith.constant 256 : i32
      %mul3A_122 = arith.muli %mul3A_2, %mul3A_121 : i32
      %dma_wait3A_123 = arith.constant 0 : i32
      %dma_wait3A_124 = arith.constant 0 : i32
      %dma_wait3A_125 = arith.constant 0 : i32
      %dma_wait3A_126 = tpu.memref_slice %arg7[%dma_wait3A_123, %dma_wait3A_125] : memref<2x32768xf32, #tpu.memory_space<vmem>> -> memref<1x32768xf32, #tpu.memory_space<vmem>>
      %dma_wait3A_127 = tpu.memref_squeeze %dma_wait3A_126 : memref<1x32768xf32, #tpu.memory_space<vmem>> -> memref<32768xf32, #tpu.memory_space<vmem>>
      %dma_wait3A_128 = tpu.memref_slice %arg4[%mul3A_122] : memref<8388608xf32, #tpu.memory_space<hbm>> -> memref<32768xf32, #tpu.memory_space<hbm>>
      %dma_wait3A_129 = tpu.memref_slice %arg8[%dma_wait3A_124] : memref<2x!tpu.dma_semaphore, #tpu.memory_space<semaphore_mem>> -> memref<1x!tpu.dma_semaphore, #tpu.memory_space<semaphore_mem>>
      %dma_wait3A_130 = tpu.memref_squeeze %dma_wait3A_129 : memref<1x!tpu.dma_semaphore, #tpu.memory_space<semaphore_mem>> -> memref<!tpu.dma_semaphore, #tpu.memory_space<semaphore_mem>>
      %dma_wait3A_131 = tpu.memref_slice %arg4[%mul3A_122] : memref<8388608xf32, #tpu.memory_space<hbm>> -> memref<32768xf32, #tpu.memory_space<hbm>>
      %dma_wait3A_132 = arith.constant 0 : i32
      %dma_wait3A_133 = tpu.memref_slice %arg7[%dma_wait3A_123, %dma_wait3A_132] : memref<2x32768xf32, #tpu.memory_space<vmem>> -> memref<1x32768xf32, #tpu.memory_space<vmem>>
      %dma_wait3A_134 = tpu.memref_squeeze %dma_wait3A_133 : memref<1x32768xf32, #tpu.memory_space<vmem>> -> memref<32768xf32, #tpu.memory_space<vmem>>
      tpu.wait_dma2 semaphore(%dma_wait3A_130 : memref<!tpu.dma_semaphore, #tpu.memory_space<semaphore_mem>>) src(%dma_wait3A_134 : memref<32768xf32, #tpu.memory_space<vmem>>) dst(%dma_wait3A_131 : memref<32768xf32, #tpu.memory_space<hbm>>)
      %mul3A_135 = arith.constant 2 : i32
      %mul3A_136 = arith.muli %scan3A_120, %mul3A_135 : i32
      %add3A_137 = arith.constant 0 : i32
      %add3A_138 = arith.addi %mul3A_136, %add3A_137 : i32
      %parallel_loop3A_139 = arith.constant 0 : i32
      %parallel_loop3A_140 = arith.constant 128 : i32
      %parallel_loop3A_141 = arith.constant 1 : i32
      scf.for %parallel_loop3A_197 = %parallel_loop3A_139 to %parallel_loop3A_140 step %parallel_loop3A_141  : i32 {
        %parallel_loop3A_198 = arith.constant 128 : i32
        %parallel_loop3A_199 = arith.muli %add3A_138, %parallel_loop3A_198 : i32
        %parallel_loop3A_200 = arith.addi %parallel_loop3A_199, %parallel_loop3A_197 : i32
        %parallel_loop3A_201 = arith.index_cast %parallel_loop3A_200 : i32 to index
        %parallel_loop3A_202 = tpu.vector_load %arg5[%parallel_loop3A_201] {strides = array<i32>} : memref<1040xi32, #tpu.memory_space<vmem>>, vector<16xi32>,
        %parallel_loop3A_203 = vector.shape_cast %broadcast_in_dim3A_51 : vector<16x1xi32> to vector<16xi32>
        %parallel_loop3A_204 = tpu.dynamic_gather %parallel_loop3A_202[%parallel_loop3A_203] in [0] : vector<16xi32>, vector<16xi32> -> vector<16xi32>
        %parallel_loop3A_205 = arith.constant 256 : i32
        %parallel_loop3A_206 = vector.broadcast %parallel_loop3A_205 : i32 to vector<16xi32>
        %parallel_loop3A_207 = arith.muli %parallel_loop3A_204, %parallel_loop3A_206 : vector<16xi32>
        %parallel_loop3A_208 = arith.addi %parallel_loop3A_207, %add3A_5 : vector<16xi32>
        %parallel_loop3A_209 = tpu.vector_load_idx %arg6[%parallel_loop3A_208] : memref<4096xf32, #tpu.memory_space<vmem>>[vector<16xi32>], vector<16xf32>,
        %parallel_loop3A_210 = arith.constant 256 : i32
        %parallel_loop3A_211 = arith.muli %parallel_loop3A_197, %parallel_loop3A_210 : i32
        %parallel_loop3A_212 = arith.constant 0 : i32
        %parallel_loop3A_213 = arith.addi %parallel_loop3A_211, %parallel_loop3A_212 : i32
        %parallel_loop3A_214 = arith.constant 0 : i32
        %parallel_loop3A_215 = arith.index_cast %parallel_loop3A_214 : i32 to index
        %parallel_loop3A_216 = arith.index_cast %parallel_loop3A_213 : i32 to index
        %parallel_loop3A_217 = tpu.vector_load %arg7[%parallel_loop3A_215, %parallel_loop3A_216] {strides = array<i32>} : memref<2x32768xf32, #tpu.memory_space<vmem>>, vector<16xf32>,
        tpu.vector_store %arg7[%parallel_loop3A_215, %parallel_loop3A_216], %parallel_loop3A_209 {strides = array<i32>} : memref<2x32768xf32, #tpu.memory_space<vmem>>, vector<16xf32>,
        %parallel_loop3A_218 = arith.addi %parallel_loop3A_207, %add3A_8 : vector<16xi32>
        %parallel_loop3A_219 = tpu.vector_load_idx %arg6[%parallel_loop3A_218] : memref<4096xf32, #tpu.memory_space<vmem>>[vector<16xi32>], vector<16xf32>,
        %parallel_loop3A_220 = arith.constant 256 : i32
        %parallel_loop3A_221 = arith.muli %parallel_loop3A_197, %parallel_loop3A_220 : i32
        %parallel_loop3A_222 = arith.constant 16 : i32
        %parallel_loop3A_223 = arith.addi %parallel_loop3A_221, %parallel_loop3A_222 : i32
        %parallel_loop3A_224 = arith.constant 0 : i32
        %parallel_loop3A_225 = arith.index_cast %parallel_loop3A_224 : i32 to index
        %parallel_loop3A_226 = arith.index_cast %parallel_loop3A_223 : i32 to index
        %parallel_loop3A_227 = tpu.vector_load %arg7[%parallel_loop3A_225, %parallel_loop3A_226] {strides = array<i32>} : memref<2x32768xf32, #tpu.memory_space<vmem>>, vector<16xf32>,
        tpu.vector_store %arg7[%parallel_loop3A_225, %parallel_loop3A_226], %parallel_loop3A_219 {strides = array<i32>} : memref<2x32768xf32, #tpu.memory_space<vmem>>, vector<16xf32>,
        %parallel_loop3A_228 = arith.addi %parallel_loop3A_207, %add3A_11 : vector<16xi32>
        %parallel_loop3A_229 = tpu.vector_load_idx %arg6[%parallel_loop3A_228] : memref<4096xf32, #tpu.memory_space<vmem>>[vector<16xi32>], vector<16xf32>,
        %parallel_loop3A_230 = arith.constant 256 : i32
        %parallel_loop3A_231 = arith.muli %parallel_loop3A_197, %parallel_loop3A_230 : i32
        %parallel_loop3A_232 = arith.constant 32 : i32
        %parallel_loop3A_233 = arith.addi %parallel_loop3A_231, %parallel_loop3A_232 : i32
        %parallel_loop3A_234 = arith.constant 0 : i32
        %parallel_loop3A_235 = arith.index_cast %parallel_loop3A_234 : i32 to index
        %parallel_loop3A_236 = arith.index_cast %parallel_loop3A_233 : i32 to index
        %parallel_loop3A_237 = tpu.vector_load %arg7[%parallel_loop3A_235, %parallel_loop3A_236] {strides = array<i32>} : memref<2x32768xf32, #tpu.memory_space<vmem>>, vector<16xf32>,
        tpu.vector_store %arg7[%parallel_loop3A_235, %parallel_loop3A_236], %parallel_loop3A_229 {strides = array<i32>} : memref<2x32768xf32, #tpu.memory_space<vmem>>, vector<16xf32>,
        %parallel_loop3A_238 = arith.addi %parallel_loop3A_207, %add3A_14 : vector<16xi32>
        %parallel_loop3A_239 = tpu.vector_load_idx %arg6[%parallel_loop3A_238] : memref<4096xf32, #tpu.memory_space<vmem>>[vector<16xi32>], vector<16xf32>,
        %parallel_loop3A_240 = arith.constant 256 : i32
        %parallel_loop3A_241 = arith.muli %parallel_loop3A_197, %parallel_loop3A_240 : i32
        %parallel_loop3A_242 = arith.constant 48 : i32
        %parallel_loop3A_243 = arith.addi %parallel_loop3A_241, %parallel_loop3A_242 : i32
        %parallel_loop3A_244 = arith.constant 0 : i32
        %parallel_loop3A_245 = arith.index_cast %parallel_loop3A_244 : i32 to index
        %parallel_loop3A_246 = arith.index_cast %parallel_loop3A_243 : i32 to index
        %parallel_loop3A_247 = tpu.vector_load %arg7[%parallel_loop3A_245, %parallel_loop3A_246] {strides = array<i32>} : memref<2x32768xf32, #tpu.memory_space<vmem>>, vector<16xf32>,
        tpu.vector_store %arg7[%parallel_loop3A_245, %parallel_loop3A_246], %parallel_loop3A_239 {strides = array<i32>} : memref<2x32768xf32, #tpu.memory_space<vmem>>, vector<16xf32>,
        %parallel_loop3A_248 = arith.addi %parallel_loop3A_207, %add3A_17 : vector<16xi32>
        %parallel_loop3A_249 = tpu.vector_load_idx %arg6[%parallel_loop3A_248] : memref<4096xf32, #tpu.memory_space<vmem>>[vector<16xi32>], vector<16xf32>,
        %parallel_loop3A_250 = arith.constant 256 : i32
        %parallel_loop3A_251 = arith.muli %parallel_loop3A_197, %parallel_loop3A_250 : i32
        %parallel_loop3A_252 = arith.constant 64 : i32
        %parallel_loop3A_253 = arith.addi %parallel_loop3A_251, %parallel_loop3A_252 : i32
        %parallel_loop3A_254 = arith.constant 0 : i32
        %parallel_loop3A_255 = arith.index_cast %parallel_loop3A_254 : i32 to index
        %parallel_loop3A_256 = arith.index_cast %parallel_loop3A_253 : i32 to index
        %parallel_loop3A_257 = tpu.vector_load %arg7[%parallel_loop3A_255, %parallel_loop3A_256] {strides = array<i32>} : memref<2x32768xf32, #tpu.memory_space<vmem>>, vector<16xf32>,
        tpu.vector_store %arg7[%parallel_loop3A_255, %parallel_loop3A_256], %parallel_loop3A_249 {strides = array<i32>} : memref<2x32768xf32, #tpu.memory_space<vmem>>, vector<16xf32>,
        %parallel_loop3A_258 = arith.addi %parallel_loop3A_207, %add3A_20 : vector<16xi32>
        %parallel_loop3A_259 = tpu.vector_load_idx %arg6[%parallel_loop3A_258] : memref<4096xf32, #tpu.memory_space<vmem>>[vector<16xi32>], vector<16xf32>,
        %parallel_loop3A_260 = arith.constant 256 : i32
        %parallel_loop3A_261 = arith.muli %parallel_loop3A_197, %parallel_loop3A_260 : i32
        %parallel_loop3A_262 = arith.constant 80 : i32
        %parallel_loop3A_263 = arith.addi %parallel_loop3A_261, %parallel_loop3A_262 : i32
        %parallel_loop3A_264 = arith.constant 0 : i32
        %parallel_loop3A_265 = arith.index_cast %parallel_loop3A_264 : i32 to index
        %parallel_loop3A_266 = arith.index_cast %parallel_loop3A_263 : i32 to index
        %parallel_loop3A_267 = tpu.vector_load %arg7[%parallel_loop3A_265, %parallel_loop3A_266] {strides = array<i32>} : memref<2x32768xf32, #tpu.memory_space<vmem>>, vector<16xf32>,
        tpu.vector_store %arg7[%parallel_loop3A_265, %parallel_loop3A_266], %parallel_loop3A_259 {strides = array<i32>} : memref<2x32768xf32, #tpu.memory_space<vmem>>, vector<16xf32>,
        %parallel_loop3A_268 = arith.addi %parallel_loop3A_207, %add3A_23 : vector<16xi32>
        %parallel_loop3A_269 = tpu.vector_load_idx %arg6[%parallel_loop3A_268] : memref<4096xf32, #tpu.memory_space<vmem>>[vector<16xi32>], vector<16xf32>,
        %parallel_loop3A_270 = arith.constant 256 : i32
        %parallel_loop3A_271 = arith.muli %parallel_loop3A_197, %parallel_loop3A_270 : i32
        %parallel_loop3A_272 = arith.constant 96 : i32
        %parallel_loop3A_273 = arith.addi %parallel_loop3A_271, %parallel_loop3A_272 : i32
        %parallel_loop3A_274 = arith.constant 0 : i32
        %parallel_loop3A_275 = arith.index_cast %parallel_loop3A_274 : i32 to index
        %parallel_loop3A_276 = arith.index_cast %parallel_loop3A_273 : i32 to index
        %parallel_loop3A_277 = tpu.vector_load %arg7[%parallel_loop3A_275, %parallel_loop3A_276] {strides = array<i32>} : memref<2x32768xf32, #tpu.memory_space<vmem>>, vector<16xf32>,
        tpu.vector_store %arg7[%parallel_loop3A_275, %parallel_loop3A_276], %parallel_loop3A_269 {strides = array<i32>} : memref<2x32768xf32, #tpu.memory_space<vmem>>, vector<16xf32>,
        %parallel_loop3A_278 = arith.addi %parallel_loop3A_207, %add3A_26 : vector<16xi32>
        %parallel_loop3A_279 = tpu.vector_load_idx %arg6[%parallel_loop3A_278] : memref<4096xf32, #tpu.memory_space<vmem>>[vector<16xi32>], vector<16xf32>,
        %parallel_loop3A_280 = arith.constant 256 : i32
        %parallel_loop3A_281 = arith.muli %parallel_loop3A_197, %parallel_loop3A_280 : i32
        %parallel_loop3A_282 = arith.constant 112 : i32
        %parallel_loop3A_283 = arith.addi %parallel_loop3A_281, %parallel_loop3A_282 : i32
        %parallel_loop3A_284 = arith.constant 0 : i32
        %parallel_loop3A_285 = arith.index_cast %parallel_loop3A_284 : i32 to index
        %parallel_loop3A_286 = arith.index_cast %parallel_loop3A_283 : i32 to index
        %parallel_loop3A_287 = tpu.vector_load %arg7[%parallel_loop3A_285, %parallel_loop3A_286] {strides = array<i32>} : memref<2x32768xf32, #tpu.memory_space<vmem>>, vector<16xf32>,
        tpu.vector_store %arg7[%parallel_loop3A_285, %parallel_loop3A_286], %parallel_loop3A_279 {strides = array<i32>} : memref<2x32768xf32, #tpu.memory_space<vmem>>, vector<16xf32>,
        %parallel_loop3A_288 = arith.addi %parallel_loop3A_207, %add3A_29 : vector<16xi32>
        %parallel_loop3A_289 = tpu.vector_load_idx %arg6[%parallel_loop3A_288] : memref<4096xf32, #tpu.memory_space<vmem>>[vector<16xi32>], vector<16xf32>,
        %parallel_loop3A_290 = arith.constant 256 : i32
        %parallel_loop3A_291 = arith.muli %parallel_loop3A_197, %parallel_loop3A_290 : i32
        %parallel_loop3A_292 = arith.constant 128 : i32
        %parallel_loop3A_293 = arith.addi %parallel_loop3A_291, %parallel_loop3A_292 : i32
        %parallel_loop3A_294 = arith.constant 0 : i32
        %parallel_loop3A_295 = arith.index_cast %parallel_loop3A_294 : i32 to index
        %parallel_loop3A_296 = arith.index_cast %parallel_loop3A_293 : i32 to index
        %parallel_loop3A_297 = tpu.vector_load %arg7[%parallel_loop3A_295, %parallel_loop3A_296] {strides = array<i32>} : memref<2x32768xf32, #tpu.memory_space<vmem>>, vector<16xf32>,
        tpu.vector_store %arg7[%parallel_loop3A_295, %parallel_loop3A_296], %parallel_loop3A_289 {strides = array<i32>} : memref<2x32768xf32, #tpu.memory_space<vmem>>, vector<16xf32>,
        %parallel_loop3A_298 = arith.addi %parallel_loop3A_207, %add3A_32 : vector<16xi32>
        %parallel_loop3A_299 = tpu.vector_load_idx %arg6[%parallel_loop3A_298] : memref<4096xf32, #tpu.memory_space<vmem>>[vector<16xi32>], vector<16xf32>,
        %parallel_loop3A_300 = arith.constant 256 : i32
        %parallel_loop3A_301 = arith.muli %parallel_loop3A_197, %parallel_loop3A_300 : i32
        %parallel_loop3A_302 = arith.constant 144 : i32
        %parallel_loop3A_303 = arith.addi %parallel_loop3A_301, %parallel_loop3A_302 : i32
        %parallel_loop3A_304 = arith.constant 0 : i32
        %parallel_loop3A_305 = arith.index_cast %parallel_loop3A_304 : i32 to index
        %parallel_loop3A_306 = arith.index_cast %parallel_loop3A_303 : i32 to index
        %parallel_loop3A_307 = tpu.vector_load %arg7[%parallel_loop3A_305, %parallel_loop3A_306] {strides = array<i32>} : memref<2x32768xf32, #tpu.memory_space<vmem>>, vector<16xf32>,
        tpu.vector_store %arg7[%parallel_loop3A_305, %parallel_loop3A_306], %parallel_loop3A_299 {strides = array<i32>} : memref<2x32768xf32, #tpu.memory_space<vmem>>, vector<16xf32>,
        %parallel_loop3A_308 = arith.addi %parallel_loop3A_207, %add3A_35 : vector<16xi32>
        %parallel_loop3A_309 = tpu.vector_load_idx %arg6[%parallel_loop3A_308] : memref<4096xf32, #tpu.memory_space<vmem>>[vector<16xi32>], vector<16xf32>,
        %parallel_loop3A_310 = arith.constant 256 : i32
        %parallel_loop3A_311 = arith.muli %parallel_loop3A_197, %parallel_loop3A_310 : i32
        %parallel_loop3A_312 = arith.constant 160 : i32
        %parallel_loop3A_313 = arith.addi %parallel_loop3A_311, %parallel_loop3A_312 : i32
        %parallel_loop3A_314 = arith.constant 0 : i32
        %parallel_loop3A_315 = arith.index_cast %parallel_loop3A_314 : i32 to index
        %parallel_loop3A_316 = arith.index_cast %parallel_loop3A_313 : i32 to index
        %parallel_loop3A_317 = tpu.vector_load %arg7[%parallel_loop3A_315, %parallel_loop3A_316] {strides = array<i32>} : memref<2x32768xf32, #tpu.memory_space<vmem>>, vector<16xf32>,
        tpu.vector_store %arg7[%parallel_loop3A_315, %parallel_loop3A_316], %parallel_loop3A_309 {strides = array<i32>} : memref<2x32768xf32, #tpu.memory_space<vmem>>, vector<16xf32>,
        %parallel_loop3A_318 = arith.addi %parallel_loop3A_207, %add3A_38 : vector<16xi32>
        %parallel_loop3A_319 = tpu.vector_load_idx %arg6[%parallel_loop3A_318] : memref<4096xf32, #tpu.memory_space<vmem>>[vector<16xi32>], vector<16xf32>,
        %parallel_loop3A_320 = arith.constant 256 : i32
        %parallel_loop3A_321 = arith.muli %parallel_loop3A_197, %parallel_loop3A_320 : i32
        %parallel_loop3A_322 = arith.constant 176 : i32
        %parallel_loop3A_323 = arith.addi %parallel_loop3A_321, %parallel_loop3A_322 : i32
        %parallel_loop3A_324 = arith.constant 0 : i32
        %parallel_loop3A_325 = arith.index_cast %parallel_loop3A_324 : i32 to index
        %parallel_loop3A_326 = arith.index_cast %parallel_loop3A_323 : i32 to index
        %parallel_loop3A_327 = tpu.vector_load %arg7[%parallel_loop3A_325, %parallel_loop3A_326] {strides = array<i32>} : memref<2x32768xf32, #tpu.memory_space<vmem>>, vector<16xf32>,
        tpu.vector_store %arg7[%parallel_loop3A_325, %parallel_loop3A_326], %parallel_loop3A_319 {strides = array<i32>} : memref<2x32768xf32, #tpu.memory_space<vmem>>, vector<16xf32>,
        %parallel_loop3A_328 = arith.addi %parallel_loop3A_207, %add3A_41 : vector<16xi32>
        %parallel_loop3A_329 = tpu.vector_load_idx %arg6[%parallel_loop3A_328] : memref<4096xf32, #tpu.memory_space<vmem>>[vector<16xi32>], vector<16xf32>,
        %parallel_loop3A_330 = arith.constant 256 : i32
        %parallel_loop3A_331 = arith.muli %parallel_loop3A_197, %parallel_loop3A_330 : i32
        %parallel_loop3A_332 = arith.constant 192 : i32
        %parallel_loop3A_333 = arith.addi %parallel_loop3A_331, %parallel_loop3A_332 : i32
        %parallel_loop3A_334 = arith.constant 0 : i32
        %parallel_loop3A_335 = arith.index_cast %parallel_loop3A_334 : i32 to index
        %parallel_loop3A_336 = arith.index_cast %parallel_loop3A_333 : i32 to index
        %parallel_loop3A_337 = tpu.vector_load %arg7[%parallel_loop3A_335, %parallel_loop3A_336] {strides = array<i32>} : memref<2x32768xf32, #tpu.memory_space<vmem>>, vector<16xf32>,
        tpu.vector_store %arg7[%parallel_loop3A_335, %parallel_loop3A_336], %parallel_loop3A_329 {strides = array<i32>} : memref<2x32768xf32, #tpu.memory_space<vmem>>, vector<16xf32>,
        %parallel_loop3A_338 = arith.addi %parallel_loop3A_207, %add3A_44 : vector<16xi32>
        %parallel_loop3A_339 = tpu.vector_load_idx %arg6[%parallel_loop3A_338] : memref<4096xf32, #tpu.memory_space<vmem>>[vector<16xi32>], vector<16xf32>,
        %parallel_loop3A_340 = arith.constant 256 : i32
        %parallel_loop3A_341 = arith.muli %parallel_loop3A_197, %parallel_loop3A_340 : i32
        %parallel_loop3A_342 = arith.constant 208 : i32
        %parallel_loop3A_343 = arith.addi %parallel_loop3A_341, %parallel_loop3A_342 : i32
        %parallel_loop3A_344 = arith.constant 0 : i32
        %parallel_loop3A_345 = arith.index_cast %parallel_loop3A_344 : i32 to index
        %parallel_loop3A_346 = arith.index_cast %parallel_loop3A_343 : i32 to index
        %parallel_loop3A_347 = tpu.vector_load %arg7[%parallel_loop3A_345, %parallel_loop3A_346] {strides = array<i32>} : memref<2x32768xf32, #tpu.memory_space<vmem>>, vector<16xf32>,
        tpu.vector_store %arg7[%parallel_loop3A_345, %parallel_loop3A_346], %parallel_loop3A_339 {strides = array<i32>} : memref<2x32768xf32, #tpu.memory_space<vmem>>, vector<16xf32>,
        %parallel_loop3A_348 = arith.addi %parallel_loop3A_207, %add3A_47 : vector<16xi32>
        %parallel_loop3A_349 = tpu.vector_load_idx %arg6[%parallel_loop3A_348] : memref<4096xf32, #tpu.memory_space<vmem>>[vector<16xi32>], vector<16xf32>,
        %parallel_loop3A_350 = arith.constant 256 : i32
        %parallel_loop3A_351 = arith.muli %parallel_loop3A_197, %parallel_loop3A_350 : i32
        %parallel_loop3A_352 = arith.constant 224 : i32
        %parallel_loop3A_353 = arith.addi %parallel_loop3A_351, %parallel_loop3A_352 : i32
        %parallel_loop3A_354 = arith.constant 0 : i32
        %parallel_loop3A_355 = arith.index_cast %parallel_loop3A_354 : i32 to index
        %parallel_loop3A_356 = arith.index_cast %parallel_loop3A_353 : i32 to index
        %parallel_loop3A_357 = tpu.vector_load %arg7[%parallel_loop3A_355, %parallel_loop3A_356] {strides = array<i32>} : memref<2x32768xf32, #tpu.memory_space<vmem>>, vector<16xf32>,
        tpu.vector_store %arg7[%parallel_loop3A_355, %parallel_loop3A_356], %parallel_loop3A_349 {strides = array<i32>} : memref<2x32768xf32, #tpu.memory_space<vmem>>, vector<16xf32>,
        %parallel_loop3A_358 = arith.addi %parallel_loop3A_207, %add3A_50 : vector<16xi32>
        %parallel_loop3A_359 = tpu.vector_load_idx %arg6[%parallel_loop3A_358] : memref<4096xf32, #tpu.memory_space<vmem>>[vector<16xi32>], vector<16xf32>,
        %parallel_loop3A_360 = arith.constant 256 : i32
        %parallel_loop3A_361 = arith.muli %parallel_loop3A_197, %parallel_loop3A_360 : i32
        %parallel_loop3A_362 = arith.constant 240 : i32
        %parallel_loop3A_363 = arith.addi %parallel_loop3A_361, %parallel_loop3A_362 : i32
        %parallel_loop3A_364 = arith.constant 0 : i32
        %parallel_loop3A_365 = arith.index_cast %parallel_loop3A_364 : i32 to index
        %parallel_loop3A_366 = arith.index_cast %parallel_loop3A_363 : i32 to index
        %parallel_loop3A_367 = tpu.vector_load %arg7[%parallel_loop3A_365, %parallel_loop3A_366] {strides = array<i32>} : memref<2x32768xf32, #tpu.memory_space<vmem>>, vector<16xf32>,
        tpu.vector_store %arg7[%parallel_loop3A_365, %parallel_loop3A_366], %parallel_loop3A_359 {strides = array<i32>} : memref<2x32768xf32, #tpu.memory_space<vmem>>, vector<16xf32>,
      } {sc.loop_unroll_factor = 2 : i64, sc.parallel_access}
      %mul3A_142 = arith.constant 128 : i32
      %mul3A_143 = arith.muli %add3A_138, %mul3A_142 : i32
      %add3A_144 = arith.addi %mul3A_2, %mul3A_143 : i32
      %mul3A_145 = arith.constant 256 : i32
      %mul3A_146 = arith.muli %add3A_144, %mul3A_145 : i32
      %dma_start3A_147 = arith.constant 0 : i32
      %dma_start3A_148 = arith.constant 0 : i32
      %dma_start3A_149 = arith.constant 0 : i32
      %dma_start3A_150 = tpu.memref_slice %arg7[%dma_start3A_147, %dma_start3A_149] : memref<2x32768xf32, #tpu.memory_space<vmem>> -> memref<1x32768xf32, #tpu.memory_space<vmem>>
      %dma_start3A_151 = tpu.memref_squeeze %dma_start3A_150 : memref<1x32768xf32, #tpu.memory_space<vmem>> -> memref<32768xf32, #tpu.memory_space<vmem>>
      %dma_start3A_152 = tpu.memref_slice %arg4[%mul3A_146] : memref<8388608xf32, #tpu.memory_space<hbm>> -> memref<32768xf32, #tpu.memory_space<hbm>>
      %dma_start3A_153 = tpu.memref_slice %arg8[%dma_start3A_148] : memref<2x!tpu.dma_semaphore, #tpu.memory_space<semaphore_mem>> -> memref<1x!tpu.dma_semaphore, #tpu.memory_space<semaphore_mem>>
      %dma_start3A_154 = tpu.memref_squeeze %dma_start3A_153 : memref<1x!tpu.dma_semaphore, #tpu.memory_space<semaphore_mem>> -> memref<!tpu.dma_semaphore, #tpu.memory_space<semaphore_mem>>
      %dma_start3A_155 = tpu.memref_slice %arg4[%mul3A_146] : memref<8388608xf32, #tpu.memory_space<hbm>> -> memref<32768xf32, #tpu.memory_space<hbm>>
      %dma_start3A_156 = arith.constant 0 : i32
      %dma_start3A_157 = tpu.memref_slice %arg7[%dma_start3A_147, %dma_start3A_156] : memref<2x32768xf32, #tpu.memory_space<vmem>> -> memref<1x32768xf32, #tpu.memory_space<vmem>>
      %dma_start3A_158 = tpu.memref_squeeze %dma_start3A_157 : memref<1x32768xf32, #tpu.memory_space<vmem>> -> memref<32768xf32, #tpu.memory_space<vmem>>
      tpu.enqueue_dma source(%dma_start3A_158 : memref<32768xf32, #tpu.memory_space<vmem>>) target(%dma_start3A_155 : memref<32768xf32, #tpu.memory_space<hbm>>) target_semaphore(%dma_start3A_154 : memref<!tpu.dma_semaphore, #tpu.memory_space<semaphore_mem>>)
      %mul3A_159 = arith.constant 256 : i32
      %mul3A_160 = arith.muli %mul3A_2, %mul3A_159 : i32
      %dma_wait3A_161 = arith.constant 1 : i32
      %dma_wait3A_162 = arith.constant 1 : i32
      %dma_wait3A_163 = arith.constant 0 : i32
      %dma_wait3A_164 = tpu.memref_slice %arg7[%dma_wait3A_161, %dma_wait3A_163] : memref<2x32768xf32, #tpu.memory_space<vmem>> -> memref<1x32768xf32, #tpu.memory_space<vmem>>
      %dma_wait3A_165 = tpu.memref_squeeze %dma_wait3A_164 : memref<1x32768xf32, #tpu.memory_space<vmem>> -> memref<32768xf32, #tpu.memory_space<vmem>>
      %dma_wait3A_166 = tpu.memref_slice %arg4[%mul3A_160] : memref<8388608xf32, #tpu.memory_space<hbm>> -> memref<32768xf32, #tpu.memory_space<hbm>>
      %dma_wait3A_167 = tpu.memref_slice %arg8[%dma_wait3A_162] : memref<2x!tpu.dma_semaphore, #tpu.memory_space<semaphore_mem>> -> memref<1x!tpu.dma_semaphore, #tpu.memory_space<semaphore_mem>>
      %dma_wait3A_168 = tpu.memref_squeeze %dma_wait3A_167 : memref<1x!tpu.dma_semaphore, #tpu.memory_space<semaphore_mem>> -> memref<!tpu.dma_semaphore, #tpu.memory_space<semaphore_mem>>
      %dma_wait3A_169 = tpu.memref_slice %arg4[%mul3A_160] : memref<8388608xf32, #tpu.memory_space<hbm>> -> memref<32768xf32, #tpu.memory_space<hbm>>
      %dma_wait3A_170 = arith.constant 0 : i32
      %dma_wait3A_171 = tpu.memref_slice %arg7[%dma_wait3A_161, %dma_wait3A_170] : memref<2x32768xf32, #tpu.memory_space<vmem>> -> memref<1x32768xf32, #tpu.memory_space<vmem>>
      %dma_wait3A_172 = tpu.memref_squeeze %dma_wait3A_171 : memref<1x32768xf32, #tpu.memory_space<vmem>> -> memref<32768xf32, #tpu.memory_space<vmem>>
      tpu.wait_dma2 semaphore(%dma_wait3A_168 : memref<!tpu.dma_semaphore, #tpu.memory_space<semaphore_mem>>) src(%dma_wait3A_172 : memref<32768xf32, #tpu.memory_space<vmem>>) dst(%dma_wait3A_169 : memref<32768xf32, #tpu.memory_space<hbm>>)
      %mul3A_173 = arith.constant 2 : i32
      %mul3A_174 = arith.muli %scan3A_120, %mul3A_173 : i32
      %add3A_175 = arith.constant 1 : i32
      %add3A_176 = arith.addi %mul3A_174, %add3A_175 : i32
      %parallel_loop3A_177 = arith.constant 0 : i32
      %parallel_loop3A_178 = arith.constant 128 : i32
      %parallel_loop3A_179 = arith.constant 1 : i32
      scf.for %parallel_loop3A_197 = %parallel_loop3A_177 to %parallel_loop3A_178 step %parallel_loop3A_179  : i32 {
        %parallel_loop3A_198 = arith.constant 128 : i32
        %parallel_loop3A_199 = arith.muli %add3A_176, %parallel_loop3A_198 : i32
        %parallel_loop3A_200 = arith.addi %parallel_loop3A_199, %parallel_loop3A_197 : i32
        %parallel_loop3A_201 = arith.index_cast %parallel_loop3A_200 : i32 to index
        %parallel_loop3A_202 = tpu.vector_load %arg5[%parallel_loop3A_201] {strides = array<i32>} : memref<1040xi32, #tpu.memory_space<vmem>>, vector<16xi32>,
        %parallel_loop3A_203 = vector.shape_cast %broadcast_in_dim3A_51 : vector<16x1xi32> to vector<16xi32>
        %parallel_loop3A_204 = tpu.dynamic_gather %parallel_loop3A_202[%parallel_loop3A_203] in [0] : vector<16xi32>, vector<16xi32> -> vector<16xi32>
        %parallel_loop3A_205 = arith.constant 256 : i32
        %parallel_loop3A_206 = vector.broadcast %parallel_loop3A_205 : i32 to vector<16xi32>
        %parallel_loop3A_207 = arith.muli %parallel_loop3A_204, %parallel_loop3A_206 : vector<16xi32>
        %parallel_loop3A_208 = arith.addi %parallel_loop3A_207, %add3A_5 : vector<16xi32>
        %parallel_loop3A_209 = tpu.vector_load_idx %arg6[%parallel_loop3A_208] : memref<4096xf32, #tpu.memory_space<vmem>>[vector<16xi32>], vector<16xf32>,
        %parallel_loop3A_210 = arith.constant 256 : i32
        %parallel_loop3A_211 = arith.muli %parallel_loop3A_197, %parallel_loop3A_210 : i32
        %parallel_loop3A_212 = arith.constant 0 : i32
        %parallel_loop3A_213 = arith.addi %parallel_loop3A_211, %parallel_loop3A_212 : i32
        %parallel_loop3A_214 = arith.constant 1 : i32
        %parallel_loop3A_215 = arith.index_cast %parallel_loop3A_214 : i32 to index
        %parallel_loop3A_216 = arith.index_cast %parallel_loop3A_213 : i32 to index
        %parallel_loop3A_217 = tpu.vector_load %arg7[%parallel_loop3A_215, %parallel_loop3A_216] {strides = array<i32>} : memref<2x32768xf32, #tpu.memory_space<vmem>>, vector<16xf32>,
        tpu.vector_store %arg7[%parallel_loop3A_215, %parallel_loop3A_216], %parallel_loop3A_209 {strides = array<i32>} : memref<2x32768xf32, #tpu.memory_space<vmem>>, vector<16xf32>,
        %parallel_loop3A_218 = arith.addi %parallel_loop3A_207, %add3A_8 : vector<16xi32>
        %parallel_loop3A_219 = tpu.vector_load_idx %arg6[%parallel_loop3A_218] : memref<4096xf32, #tpu.memory_space<vmem>>[vector<16xi32>], vector<16xf32>,
        %parallel_loop3A_220 = arith.constant 256 : i32
        %parallel_loop3A_221 = arith.muli %parallel_loop3A_197, %parallel_loop3A_220 : i32
        %parallel_loop3A_222 = arith.constant 16 : i32
        %parallel_loop3A_223 = arith.addi %parallel_loop3A_221, %parallel_loop3A_222 : i32
        %parallel_loop3A_224 = arith.constant 1 : i32
        %parallel_loop3A_225 = arith.index_cast %parallel_loop3A_224 : i32 to index
        %parallel_loop3A_226 = arith.index_cast %parallel_loop3A_223 : i32 to index
        %parallel_loop3A_227 = tpu.vector_load %arg7[%parallel_loop3A_225, %parallel_loop3A_226] {strides = array<i32>} : memref<2x32768xf32, #tpu.memory_space<vmem>>, vector<16xf32>,
        tpu.vector_store %arg7[%parallel_loop3A_225, %parallel_loop3A_226], %parallel_loop3A_219 {strides = array<i32>} : memref<2x32768xf32, #tpu.memory_space<vmem>>, vector<16xf32>,
        %parallel_loop3A_228 = arith.addi %parallel_loop3A_207, %add3A_11 : vector<16xi32>
        %parallel_loop3A_229 = tpu.vector_load_idx %arg6[%parallel_loop3A_228] : memref<4096xf32, #tpu.memory_space<vmem>>[vector<16xi32>], vector<16xf32>,
        %parallel_loop3A_230 = arith.constant 256 : i32
        %parallel_loop3A_231 = arith.muli %parallel_loop3A_197, %parallel_loop3A_230 : i32
        %parallel_loop3A_232 = arith.constant 32 : i32
        %parallel_loop3A_233 = arith.addi %parallel_loop3A_231, %parallel_loop3A_232 : i32
        %parallel_loop3A_234 = arith.constant 1 : i32
        %parallel_loop3A_235 = arith.index_cast %parallel_loop3A_234 : i32 to index
        %parallel_loop3A_236 = arith.index_cast %parallel_loop3A_233 : i32 to index
        %parallel_loop3A_237 = tpu.vector_load %arg7[%parallel_loop3A_235, %parallel_loop3A_236] {strides = array<i32>} : memref<2x32768xf32, #tpu.memory_space<vmem>>, vector<16xf32>,
        tpu.vector_store %arg7[%parallel_loop3A_235, %parallel_loop3A_236], %parallel_loop3A_229 {strides = array<i32>} : memref<2x32768xf32, #tpu.memory_space<vmem>>, vector<16xf32>,
        %parallel_loop3A_238 = arith.addi %parallel_loop3A_207, %add3A_14 : vector<16xi32>
        %parallel_loop3A_239 = tpu.vector_load_idx %arg6[%parallel_loop3A_238] : memref<4096xf32, #tpu.memory_space<vmem>>[vector<16xi32>], vector<16xf32>,
        %parallel_loop3A_240 = arith.constant 256 : i32
        %parallel_loop3A_241 = arith.muli %parallel_loop3A_197, %parallel_loop3A_240 : i32
        %parallel_loop3A_242 = arith.constant 48 : i32
        %parallel_loop3A_243 = arith.addi %parallel_loop3A_241, %parallel_loop3A_242 : i32
        %parallel_loop3A_244 = arith.constant 1 : i32
        %parallel_loop3A_245 = arith.index_cast %parallel_loop3A_244 : i32 to index
        %parallel_loop3A_246 = arith.index_cast %parallel_loop3A_243 : i32 to index
        %parallel_loop3A_247 = tpu.vector_load %arg7[%parallel_loop3A_245, %parallel_loop3A_246] {strides = array<i32>} : memref<2x32768xf32, #tpu.memory_space<vmem>>, vector<16xf32>,
        tpu.vector_store %arg7[%parallel_loop3A_245, %parallel_loop3A_246], %parallel_loop3A_239 {strides = array<i32>} : memref<2x32768xf32, #tpu.memory_space<vmem>>, vector<16xf32>,
        %parallel_loop3A_248 = arith.addi %parallel_loop3A_207, %add3A_17 : vector<16xi32>
        %parallel_loop3A_249 = tpu.vector_load_idx %arg6[%parallel_loop3A_248] : memref<4096xf32, #tpu.memory_space<vmem>>[vector<16xi32>], vector<16xf32>,
        %parallel_loop3A_250 = arith.constant 256 : i32
        %parallel_loop3A_251 = arith.muli %parallel_loop3A_197, %parallel_loop3A_250 : i32
        %parallel_loop3A_252 = arith.constant 64 : i32
        %parallel_loop3A_253 = arith.addi %parallel_loop3A_251, %parallel_loop3A_252 : i32
        %parallel_loop3A_254 = arith.constant 1 : i32
        %parallel_loop3A_255 = arith.index_cast %parallel_loop3A_254 : i32 to index
        %parallel_loop3A_256 = arith.index_cast %parallel_loop3A_253 : i32 to index
        %parallel_loop3A_257 = tpu.vector_load %arg7[%parallel_loop3A_255, %parallel_loop3A_256] {strides = array<i32>} : memref<2x32768xf32, #tpu.memory_space<vmem>>, vector<16xf32>,
        tpu.vector_store %arg7[%parallel_loop3A_255, %parallel_loop3A_256], %parallel_loop3A_249 {strides = array<i32>} : memref<2x32768xf32, #tpu.memory_space<vmem>>, vector<16xf32>,
        %parallel_loop3A_258 = arith.addi %parallel_loop3A_207, %add3A_20 : vector<16xi32>
        %parallel_loop3A_259 = tpu.vector_load_idx %arg6[%parallel_loop3A_258] : memref<4096xf32, #tpu.memory_space<vmem>>[vector<16xi32>], vector<16xf32>,
        %parallel_loop3A_260 = arith.constant 256 : i32
        %parallel_loop3A_261 = arith.muli %parallel_loop3A_197, %parallel_loop3A_260 : i32
        %parallel_loop3A_262 = arith.constant 80 : i32
        %parallel_loop3A_263 = arith.addi %parallel_loop3A_261, %parallel_loop3A_262 : i32
        %parallel_loop3A_264 = arith.constant 1 : i32
        %parallel_loop3A_265 = arith.index_cast %parallel_loop3A_264 : i32 to index
        %parallel_loop3A_266 = arith.index_cast %parallel_loop3A_263 : i32 to index
        %parallel_loop3A_267 = tpu.vector_load %arg7[%parallel_loop3A_265, %parallel_loop3A_266] {strides = array<i32>} : memref<2x32768xf32, #tpu.memory_space<vmem>>, vector<16xf32>,
        tpu.vector_store %arg7[%parallel_loop3A_265, %parallel_loop3A_266], %parallel_loop3A_259 {strides = array<i32>} : memref<2x32768xf32, #tpu.memory_space<vmem>>, vector<16xf32>,
        %parallel_loop3A_268 = arith.addi %parallel_loop3A_207, %add3A_23 : vector<16xi32>
        %parallel_loop3A_269 = tpu.vector_load_idx %arg6[%parallel_loop3A_268] : memref<4096xf32, #tpu.memory_space<vmem>>[vector<16xi32>], vector<16xf32>,
        %parallel_loop3A_270 = arith.constant 256 : i32
        %parallel_loop3A_271 = arith.muli %parallel_loop3A_197, %parallel_loop3A_270 : i32
        %parallel_loop3A_272 = arith.constant 96 : i32
        %parallel_loop3A_273 = arith.addi %parallel_loop3A_271, %parallel_loop3A_272 : i32
        %parallel_loop3A_274 = arith.constant 1 : i32
        %parallel_loop3A_275 = arith.index_cast %parallel_loop3A_274 : i32 to index
        %parallel_loop3A_276 = arith.index_cast %parallel_loop3A_273 : i32 to index
        %parallel_loop3A_277 = tpu.vector_load %arg7[%parallel_loop3A_275, %parallel_loop3A_276] {strides = array<i32>} : memref<2x32768xf32, #tpu.memory_space<vmem>>, vector<16xf32>,
        tpu.vector_store %arg7[%parallel_loop3A_275, %parallel_loop3A_276], %parallel_loop3A_269 {strides = array<i32>} : memref<2x32768xf32, #tpu.memory_space<vmem>>, vector<16xf32>,
        %parallel_loop3A_278 = arith.addi %parallel_loop3A_207, %add3A_26 : vector<16xi32>
        %parallel_loop3A_279 = tpu.vector_load_idx %arg6[%parallel_loop3A_278] : memref<4096xf32, #tpu.memory_space<vmem>>[vector<16xi32>], vector<16xf32>,
        %parallel_loop3A_280 = arith.constant 256 : i32
        %parallel_loop3A_281 = arith.muli %parallel_loop3A_197, %parallel_loop3A_280 : i32
        %parallel_loop3A_282 = arith.constant 112 : i32
        %parallel_loop3A_283 = arith.addi %parallel_loop3A_281, %parallel_loop3A_282 : i32
        %parallel_loop3A_284 = arith.constant 1 : i32
        %parallel_loop3A_285 = arith.index_cast %parallel_loop3A_284 : i32 to index
        %parallel_loop3A_286 = arith.index_cast %parallel_loop3A_283 : i32 to index
        %parallel_loop3A_287 = tpu.vector_load %arg7[%parallel_loop3A_285, %parallel_loop3A_286] {strides = array<i32>} : memref<2x32768xf32, #tpu.memory_space<vmem>>, vector<16xf32>,
        tpu.vector_store %arg7[%parallel_loop3A_285, %parallel_loop3A_286], %parallel_loop3A_279 {strides = array<i32>} : memref<2x32768xf32, #tpu.memory_space<vmem>>, vector<16xf32>,
        %parallel_loop3A_288 = arith.addi %parallel_loop3A_207, %add3A_29 : vector<16xi32>
        %parallel_loop3A_289 = tpu.vector_load_idx %arg6[%parallel_loop3A_288] : memref<4096xf32, #tpu.memory_space<vmem>>[vector<16xi32>], vector<16xf32>,
        %parallel_loop3A_290 = arith.constant 256 : i32
        %parallel_loop3A_291 = arith.muli %parallel_loop3A_197, %parallel_loop3A_290 : i32
        %parallel_loop3A_292 = arith.constant 128 : i32
        %parallel_loop3A_293 = arith.addi %parallel_loop3A_291, %parallel_loop3A_292 : i32
        %parallel_loop3A_294 = arith.constant 1 : i32
        %parallel_loop3A_295 = arith.index_cast %parallel_loop3A_294 : i32 to index
        %parallel_loop3A_296 = arith.index_cast %parallel_loop3A_293 : i32 to index
        %parallel_loop3A_297 = tpu.vector_load %arg7[%parallel_loop3A_295, %parallel_loop3A_296] {strides = array<i32>} : memref<2x32768xf32, #tpu.memory_space<vmem>>, vector<16xf32>,
        tpu.vector_store %arg7[%parallel_loop3A_295, %parallel_loop3A_296], %parallel_loop3A_289 {strides = array<i32>} : memref<2x32768xf32, #tpu.memory_space<vmem>>, vector<16xf32>,
        %parallel_loop3A_298 = arith.addi %parallel_loop3A_207, %add3A_32 : vector<16xi32>
        %parallel_loop3A_299 = tpu.vector_load_idx %arg6[%parallel_loop3A_298] : memref<4096xf32, #tpu.memory_space<vmem>>[vector<16xi32>], vector<16xf32>,
        %parallel_loop3A_300 = arith.constant 256 : i32
        %parallel_loop3A_301 = arith.muli %parallel_loop3A_197, %parallel_loop3A_300 : i32
        %parallel_loop3A_302 = arith.constant 144 : i32
        %parallel_loop3A_303 = arith.addi %parallel_loop3A_301, %parallel_loop3A_302 : i32
        %parallel_loop3A_304 = arith.constant 1 : i32
        %parallel_loop3A_305 = arith.index_cast %parallel_loop3A_304 : i32 to index
        %parallel_loop3A_306 = arith.index_cast %parallel_loop3A_303 : i32 to index
        %parallel_loop3A_307 = tpu.vector_load %arg7[%parallel_loop3A_305, %parallel_loop3A_306] {strides = array<i32>} : memref<2x32768xf32, #tpu.memory_space<vmem>>, vector<16xf32>,
        tpu.vector_store %arg7[%parallel_loop3A_305, %parallel_loop3A_306], %parallel_loop3A_299 {strides = array<i32>} : memref<2x32768xf32, #tpu.memory_space<vmem>>, vector<16xf32>,
        %parallel_loop3A_308 = arith.addi %parallel_loop3A_207, %add3A_35 : vector<16xi32>
        %parallel_loop3A_309 = tpu.vector_load_idx %arg6[%parallel_loop3A_308] : memref<4096xf32, #tpu.memory_space<vmem>>[vector<16xi32>], vector<16xf32>,
        %parallel_loop3A_310 = arith.constant 256 : i32
        %parallel_loop3A_311 = arith.muli %parallel_loop3A_197, %parallel_loop3A_310 : i32
        %parallel_loop3A_312 = arith.constant 160 : i32
        %parallel_loop3A_313 = arith.addi %parallel_loop3A_311, %parallel_loop3A_312 : i32
        %parallel_loop3A_314 = arith.constant 1 : i32
        %parallel_loop3A_315 = arith.index_cast %parallel_loop3A_314 : i32 to index
        %parallel_loop3A_316 = arith.index_cast %parallel_loop3A_313 : i32 to index
        %parallel_loop3A_317 = tpu.vector_load %arg7[%parallel_loop3A_315, %parallel_loop3A_316] {strides = array<i32>} : memref<2x32768xf32, #tpu.memory_space<vmem>>, vector<16xf32>,
        tpu.vector_store %arg7[%parallel_loop3A_315, %parallel_loop3A_316], %parallel_loop3A_309 {strides = array<i32>} : memref<2x32768xf32, #tpu.memory_space<vmem>>, vector<16xf32>,
        %parallel_loop3A_318 = arith.addi %parallel_loop3A_207, %add3A_38 : vector<16xi32>
        %parallel_loop3A_319 = tpu.vector_load_idx %arg6[%parallel_loop3A_318] : memref<4096xf32, #tpu.memory_space<vmem>>[vector<16xi32>], vector<16xf32>,
        %parallel_loop3A_320 = arith.constant 256 : i32
        %parallel_loop3A_321 = arith.muli %parallel_loop3A_197, %parallel_loop3A_320 : i32
        %parallel_loop3A_322 = arith.constant 176 : i32
        %parallel_loop3A_323 = arith.addi %parallel_loop3A_321, %parallel_loop3A_322 : i32
        %parallel_loop3A_324 = arith.constant 1 : i32
        %parallel_loop3A_325 = arith.index_cast %parallel_loop3A_324 : i32 to index
        %parallel_loop3A_326 = arith.index_cast %parallel_loop3A_323 : i32 to index
        %parallel_loop3A_327 = tpu.vector_load %arg7[%parallel_loop3A_325, %parallel_loop3A_326] {strides = array<i32>} : memref<2x32768xf32, #tpu.memory_space<vmem>>, vector<16xf32>,
        tpu.vector_store %arg7[%parallel_loop3A_325, %parallel_loop3A_326], %parallel_loop3A_319 {strides = array<i32>} : memref<2x32768xf32, #tpu.memory_space<vmem>>, vector<16xf32>,
        %parallel_loop3A_328 = arith.addi %parallel_loop3A_207, %add3A_41 : vector<16xi32>
        %parallel_loop3A_329 = tpu.vector_load_idx %arg6[%parallel_loop3A_328] : memref<4096xf32, #tpu.memory_space<vmem>>[vector<16xi32>], vector<16xf32>,
        %parallel_loop3A_330 = arith.constant 256 : i32
        %parallel_loop3A_331 = arith.muli %parallel_loop3A_197, %parallel_loop3A_330 : i32
        %parallel_loop3A_332 = arith.constant 192 : i32
        %parallel_loop3A_333 = arith.addi %parallel_loop3A_331, %parallel_loop3A_332 : i32
        %parallel_loop3A_334 = arith.constant 1 : i32
        %parallel_loop3A_335 = arith.index_cast %parallel_loop3A_334 : i32 to index
        %parallel_loop3A_336 = arith.index_cast %parallel_loop3A_333 : i32 to index
        %parallel_loop3A_337 = tpu.vector_load %arg7[%parallel_loop3A_335, %parallel_loop3A_336] {strides = array<i32>} : memref<2x32768xf32, #tpu.memory_space<vmem>>, vector<16xf32>,
        tpu.vector_store %arg7[%parallel_loop3A_335, %parallel_loop3A_336], %parallel_loop3A_329 {strides = array<i32>} : memref<2x32768xf32, #tpu.memory_space<vmem>>, vector<16xf32>,
        %parallel_loop3A_338 = arith.addi %parallel_loop3A_207, %add3A_44 : vector<16xi32>
        %parallel_loop3A_339 = tpu.vector_load_idx %arg6[%parallel_loop3A_338] : memref<4096xf32, #tpu.memory_space<vmem>>[vector<16xi32>], vector<16xf32>,
        %parallel_loop3A_340 = arith.constant 256 : i32
        %parallel_loop3A_341 = arith.muli %parallel_loop3A_197, %parallel_loop3A_340 : i32
        %parallel_loop3A_342 = arith.constant 208 : i32
        %parallel_loop3A_343 = arith.addi %parallel_loop3A_341, %parallel_loop3A_342 : i32
        %parallel_loop3A_344 = arith.constant 1 : i32
        %parallel_loop3A_345 = arith.index_cast %parallel_loop3A_344 : i32 to index
        %parallel_loop3A_346 = arith.index_cast %parallel_loop3A_343 : i32 to index
        %parallel_loop3A_347 = tpu.vector_load %arg7[%parallel_loop3A_345, %parallel_loop3A_346] {strides = array<i32>} : memref<2x32768xf32, #tpu.memory_space<vmem>>, vector<16xf32>,
        tpu.vector_store %arg7[%parallel_loop3A_345, %parallel_loop3A_346], %parallel_loop3A_339 {strides = array<i32>} : memref<2x32768xf32, #tpu.memory_space<vmem>>, vector<16xf32>,
        %parallel_loop3A_348 = arith.addi %parallel_loop3A_207, %add3A_47 : vector<16xi32>
        %parallel_loop3A_349 = tpu.vector_load_idx %arg6[%parallel_loop3A_348] : memref<4096xf32, #tpu.memory_space<vmem>>[vector<16xi32>], vector<16xf32>,
        %parallel_loop3A_350 = arith.constant 256 : i32
        %parallel_loop3A_351 = arith.muli %parallel_loop3A_197, %parallel_loop3A_350 : i32
        %parallel_loop3A_352 = arith.constant 224 : i32
        %parallel_loop3A_353 = arith.addi %parallel_loop3A_351, %parallel_loop3A_352 : i32
        %parallel_loop3A_354 = arith.constant 1 : i32
        %parallel_loop3A_355 = arith.index_cast %parallel_loop3A_354 : i32 to index
        %parallel_loop3A_356 = arith.index_cast %parallel_loop3A_353 : i32 to index
        %parallel_loop3A_357 = tpu.vector_load %arg7[%parallel_loop3A_355, %parallel_loop3A_356] {strides = array<i32>} : memref<2x32768xf32, #tpu.memory_space<vmem>>, vector<16xf32>,
        tpu.vector_store %arg7[%parallel_loop3A_355, %parallel_loop3A_356], %parallel_loop3A_349 {strides = array<i32>} : memref<2x32768xf32, #tpu.memory_space<vmem>>, vector<16xf32>,
        %parallel_loop3A_358 = arith.addi %parallel_loop3A_207, %add3A_50 : vector<16xi32>
        %parallel_loop3A_359 = tpu.vector_load_idx %arg6[%parallel_loop3A_358] : memref<4096xf32, #tpu.memory_space<vmem>>[vector<16xi32>], vector<16xf32>,
        %parallel_loop3A_360 = arith.constant 256 : i32
        %parallel_loop3A_361 = arith.muli %parallel_loop3A_197, %parallel_loop3A_360 : i32
        %parallel_loop3A_362 = arith.constant 240 : i32
        %parallel_loop3A_363 = arith.addi %parallel_loop3A_361, %parallel_loop3A_362 : i32
        %parallel_loop3A_364 = arith.constant 1 : i32
        %parallel_loop3A_365 = arith.index_cast %parallel_loop3A_364 : i32 to index
        %parallel_loop3A_366 = arith.index_cast %parallel_loop3A_363 : i32 to index
        %parallel_loop3A_367 = tpu.vector_load %arg7[%parallel_loop3A_365, %parallel_loop3A_366] {strides = array<i32>} : memref<2x32768xf32, #tpu.memory_space<vmem>>, vector<16xf32>,
        tpu.vector_store %arg7[%parallel_loop3A_365, %parallel_loop3A_366], %parallel_loop3A_359 {strides = array<i32>} : memref<2x32768xf32, #tpu.memory_space<vmem>>, vector<16xf32>,
      } {sc.loop_unroll_factor = 2 : i64, sc.parallel_access}
      %mul3A_180 = arith.constant 128 : i32
      %mul3A_181 = arith.muli %add3A_176, %mul3A_180 : i32
      %add3A_182 = arith.addi %mul3A_2, %mul3A_181 : i32
      %mul3A_183 = arith.constant 256 : i32
      %mul3A_184 = arith.muli %add3A_182, %mul3A_183 : i32
      %dma_start3A_185 = arith.constant 1 : i32
      %dma_start3A_186 = arith.constant 1 : i32
      %dma_start3A_187 = arith.constant 0 : i32
      %dma_start3A_188 = tpu.memref_slice %arg7[%dma_start3A_185, %dma_start3A_187] : memref<2x32768xf32, #tpu.memory_space<vmem>> -> memref<1x32768xf32, #tpu.memory_space<vmem>>
      %dma_start3A_189 = tpu.memref_squeeze %dma_start3A_188 : memref<1x32768xf32, #tpu.memory_space<vmem>> -> memref<32768xf32, #tpu.memory_space<vmem>>
      %dma_start3A_190 = tpu.memref_slice %arg4[%mul3A_184] : memref<8388608xf32, #tpu.memory_space<hbm>> -> memref<32768xf32, #tpu.memory_space<hbm>>
      %dma_start3A_191 = tpu.memref_slice %arg8[%dma_start3A_186] : memref<2x!tpu.dma_semaphore, #tpu.memory_space<semaphore_mem>> -> memref<1x!tpu.dma_semaphore, #tpu.memory_space<semaphore_mem>>
      %dma_start3A_192 = tpu.memref_squeeze %dma_start3A_191 : memref<1x!tpu.dma_semaphore, #tpu.memory_space<semaphore_mem>> -> memref<!tpu.dma_semaphore, #tpu.memory_space<semaphore_mem>>
      %dma_start3A_193 = tpu.memref_slice %arg4[%mul3A_184] : memref<8388608xf32, #tpu.memory_space<hbm>> -> memref<32768xf32, #tpu.memory_space<hbm>>
      %dma_start3A_194 = arith.constant 0 : i32
      %dma_start3A_195 = tpu.memref_slice %arg7[%dma_start3A_185, %dma_start3A_194] : memref<2x32768xf32, #tpu.memory_space<vmem>> -> memref<1x32768xf32, #tpu.memory_space<vmem>>
      %dma_start3A_196 = tpu.memref_squeeze %dma_start3A_195 : memref<1x32768xf32, #tpu.memory_space<vmem>> -> memref<32768xf32, #tpu.memory_space<vmem>>
      tpu.enqueue_dma source(%dma_start3A_196 : memref<32768xf32, #tpu.memory_space<vmem>>) target(%dma_start3A_193 : memref<32768xf32, #tpu.memory_space<hbm>>) target_semaphore(%dma_start3A_192 : memref<!tpu.dma_semaphore, #tpu.memory_space<semaphore_mem>>)
    }
    %scan3A_92 = arith.constant 3 : i32
    %mul3A_93 = arith.constant 256 : i32
    %mul3A_94 = arith.muli %mul3A_2, %mul3A_93 : i32
    %dma_wait3A = arith.constant 0 : i32
    %dma_wait3A_95 = arith.constant 0 : i32
    %dma_wait3A_96 = arith.constant 0 : i32
    %dma_wait3A_97 = tpu.memref_slice %arg7[%dma_wait3A, %dma_wait3A_96] : memref<2x32768xf32, #tpu.memory_space<vmem>> -> memref<1x32768xf32, #tpu.memory_space<vmem>>
    %dma_wait3A_98 = tpu.memref_squeeze %dma_wait3A_97 : memref<1x32768xf32, #tpu.memory_space<vmem>> -> memref<32768xf32, #tpu.memory_space<vmem>>
    %dma_wait3A_99 = tpu.memref_slice %arg4[%mul3A_94] : memref<8388608xf32, #tpu.memory_space<hbm>> -> memref<32768xf32, #tpu.memory_space<hbm>>
    %dma_wait3A_100 = tpu.memref_slice %arg8[%dma_wait3A_95] : memref<2x!tpu.dma_semaphore, #tpu.memory_space<semaphore_mem>> -> memref<1x!tpu.dma_semaphore, #tpu.memory_space<semaphore_mem>>
    %dma_wait3A_101 = tpu.memref_squeeze %dma_wait3A_100 : memref<1x!tpu.dma_semaphore, #tpu.memory_space<semaphore_mem>> -> memref<!tpu.dma_semaphore, #tpu.memory_space<semaphore_mem>>
    %dma_wait3A_102 = tpu.memref_slice %arg4[%mul3A_94] : memref<8388608xf32, #tpu.memory_space<hbm>> -> memref<32768xf32, #tpu.memory_space<hbm>>
    %dma_wait3A_103 = arith.constant 0 : i32
    %dma_wait3A_104 = tpu.memref_slice %arg7[%dma_wait3A, %dma_wait3A_103] : memref<2x32768xf32, #tpu.memory_space<vmem>> -> memref<1x32768xf32, #tpu.memory_space<vmem>>
    %dma_wait3A_105 = tpu.memref_squeeze %dma_wait3A_104 : memref<1x32768xf32, #tpu.memory_space<vmem>> -> memref<32768xf32, #tpu.memory_space<vmem>>
    tpu.wait_dma2 semaphore(%dma_wait3A_101 : memref<!tpu.dma_semaphore, #tpu.memory_space<semaphore_mem>>) src(%dma_wait3A_105 : memref<32768xf32, #tpu.memory_space<vmem>>) dst(%dma_wait3A_102 : memref<32768xf32, #tpu.memory_space<hbm>>)
    %mul3A_106 = arith.constant 256 : i32
    %mul3A_107 = arith.muli %mul3A_2, %mul3A_106 : i32
    %dma_wait3A_108 = arith.constant 1 : i32
    %dma_wait3A_109 = arith.constant 1 : i32
    %dma_wait3A_110 = arith.constant 0 : i32
    %dma_wait3A_111 = tpu.memref_slice %arg7[%dma_wait3A_108, %dma_wait3A_110] : memref<2x32768xf32, #tpu.memory_space<vmem>> -> memref<1x32768xf32, #tpu.memory_space<vmem>>
    %dma_wait3A_112 = tpu.memref_squeeze %dma_wait3A_111 : memref<1x32768xf32, #tpu.memory_space<vmem>> -> memref<32768xf32, #tpu.memory_space<vmem>>
    %dma_wait3A_113 = tpu.memref_slice %arg4[%mul3A_107] : memref<8388608xf32, #tpu.memory_space<hbm>> -> memref<32768xf32, #tpu.memory_space<hbm>>
    %dma_wait3A_114 = tpu.memref_slice %arg8[%dma_wait3A_109] : memref<2x!tpu.dma_semaphore, #tpu.memory_space<semaphore_mem>> -> memref<1x!tpu.dma_semaphore, #tpu.memory_space<semaphore_mem>>
    %dma_wait3A_115 = tpu.memref_squeeze %dma_wait3A_114 : memref<1x!tpu.dma_semaphore, #tpu.memory_space<semaphore_mem>> -> memref<!tpu.dma_semaphore, #tpu.memory_space<semaphore_mem>>
    %dma_wait3A_116 = tpu.memref_slice %arg4[%mul3A_107] : memref<8388608xf32, #tpu.memory_space<hbm>> -> memref<32768xf32, #tpu.memory_space<hbm>>
    %dma_wait3A_117 = arith.constant 0 : i32
    %dma_wait3A_118 = tpu.memref_slice %arg7[%dma_wait3A_108, %dma_wait3A_117] : memref<2x32768xf32, #tpu.memory_space<vmem>> -> memref<1x32768xf32, #tpu.memory_space<vmem>>
    %dma_wait3A_119 = tpu.memref_squeeze %dma_wait3A_118 : memref<1x32768xf32, #tpu.memory_space<vmem>> -> memref<32768xf32, #tpu.memory_space<vmem>>
    tpu.wait_dma2 semaphore(%dma_wait3A_115 : memref<!tpu.dma_semaphore, #tpu.memory_space<semaphore_mem>>) src(%dma_wait3A_119 : memref<32768xf32, #tpu.memory_space<vmem>>) dst(%dma_wait3A_116 : memref<32768xf32, #tpu.memory_space<hbm>>)
    return
  }
}

</mosaic_0001>

<sc_bundles>
// kernel: _emb.3.cloned.1.call-start
scs
__scs_entry_jumppad:
0x0: {  	(pc) =	sbr.rel $0x88, $3  }
0x1: {  	(tag) =	ssettag $0x0;
	lr =	simm.s32 $0x1  }
0x2: {  	[smem:$0x3F9F] =	sst lr;
	_ =	strace $0xD0000000  }
0x3: {  	_ = 	snop  }
0x4: {  	_ = 	snop  }
0x5: {  	_ = 	snop  }
0x6: {  	_ = 	snop  }
0x7: {  	_ = 	snop  }
__scs_overlays_trampoline_lowered:
0x8: {  	[smem:$0x3FAE] =	sst s0  }
0x9: {  	[smem:$0x3FAF] =	sst s1  }
0xa: {  	[smem:$0x3FB0] =	sst s2  }
0xb: {  	[smem:$0x3FB1] =	sst s3  }
0xc: {  	[smem:$0x3FB2] =	sst s4  }
0xd: {  	[smem:$0x3FB3] =	sst s5  }
0xe: {  	[smem:$0x3FB4] =	sst s6  }
0xf: {  	[smem:$0x3FB5] =	sst s7  }
0x10: {  	[smem:$0x3FB6] =	sst s8  }
0x11: {  	[smem:$0x3FB7] =	sst s9;
	s0 =	simm.s32 @!p0 $0x0  }
0x12: {  	s1 =	sld [smem:$0x3F9D];
	s0 =	simm.s32 @p0 $0x1  }
0x13: {  	[smem:$0x3FB8] =	sst s0;
	s0 =	simm.s32 @!p1 $0x0  }
0x14: {  	s2 =	sld [smem:$0x3F9C];
	s0 =	simm.s32 @p1 $0x1  }
0x15: {  	[smem:$0x3FB9] =	sst s0;
	s0 =	simm.s32 @!p2 $0x0  }
0x16: {  	s3 =	sld [smem:$0x3FDB];
	s0 =	simm.s32 @p2 $0x1  }
0x17: {  	s4 =	simm.s32 $0x1BF5;
	[smem:$0x3FBB] =	sst s0  }
0x18: {  	s0 =	sld [smem:$0x3F9E];
	_ =	swait.ge [sflag:s4], $0x0  }
0x19: {  	s7 =	sld [smem:$0x3F9F]  }
0x1a: {  	s8 =	sadd.s32 $0xFFFFE003, lr  }
0x1b: {  	s9 =	sadd.s32 $0xFFFFFEF7, lr;
	s5 =	simm.s32 $0xFFFFFFFF;
	p2 =	slt.u32 s8, $0xFFFFF086  }
0x1c: {  	p1 =	slt.u32 s9, $0xF7A;
	s5 =	simm.s32 @!p2 $0x0  }
0x1d: {  	s5 =	simm.s32 @p1 $0x1;
	p0 =	seq.s32 s7, s2  }
0x1e: {  	s7 =	smul.u32 @!p0 $0xF7A, s2;
	p2 =	seq.s32 @!p0 s5, $0x0  }
0x1f: {  	s9 =	smul.u32 $0xF7A, s1;
	s8 =	simm.s32 @!p0 $0x1BF5;
	p2 =	por !p2, p0  }
0x20: {  	[sflag:s8] =	ssyncset.s32 @!p0 $0xFFFFF086;
	s6 =	sadd.s32 @!p0 s3, s7;
	s7 =	simm.s32 @!p0 $0x108  }
0x21: {  	s3 =	sadd.s32 s3, s9;
	s6 =	sadd.s32 @!p0 $0x88, s6;
	s7 =	simm.s32 @p2 $0x1082  }
0x22: {  	[simem:s7], [sflag:s8] =	dma.local @!p0 [hbm:s6], $0xF7A  }
0x23: {  	s9 =	sor.u32 $0xD0000000, s2;
	s6 =	simm.s32 $0x108;
	_ =	swait.ge @!p0 [sflag:s8], $0x0  }
0x24: {  	s3 =	sadd.s32 $0x88, s3;
	s6 =	simm.s32 @!p1 $0x1082;
	[sflag:s4] =	ssyncset.s32 $0xFFFFF086  }
0x25: {  	[simem:s6], [sflag:s4] =	dma.local [hbm:s3], $0xF7A  }
0x26: {  	[smem:$0x3F9F] =	sst s1;
	(tag) =	ssettag s2;
	_ =	strace s9  }
0x27: {  	s1 =	sld [smem:$0x3FAF]  }
0x28: {  	s2 =	sld [smem:$0x3FB0]  }
0x29: {  	s4 =	sld [smem:$0x3FB2]  }
0x2a: {  	p0 =	seq.s32 s5, $0x0;
	s5 =	sld [smem:$0x3FB3]  }
0x2b: {  	s6 =	sld [smem:$0x3FB4]  }
0x2c: {  	s7 =	sld [smem:$0x3FB5]  }
0x2d: {  	s3 =	simm.s32 $0x108;
	s8 =	sld [smem:$0x3FB6]  }
0x2e: {  	s3 =	simm.s32 @!p0 $0x1082;
	s9 =	sld [smem:$0x3FB7]  }
0x2f: {  	lr =	sadd.s32 s0, s3;
	s0 =	sld [smem:$0x3FAE]  }
0x30: {  	s3 =	sld [smem:$0x3FB1]  }
0x31: {  	[smem:$0x3FBA] =	sst s10  }
0x32: {  	s10 =	sld [smem:$0x3FB8];
	_ =	sdelay $0x3  }
0x33: {  	p0 =	seq.s32 s10, $0x1;
	s10 =	sld [smem:$0x3FBA];
	_ =	sdelay $0x3  }
0x34: {  	[smem:$0x3FBA] =	sst s10  }
0x35: {  	s10 =	sld [smem:$0x3FB9];
	_ =	sdelay $0x3  }
0x36: {  	p1 =	seq.s32 s10, $0x1;
	s10 =	sld [smem:$0x3FBA];
	_ =	sdelay $0x3  }
0x37: {  	[smem:$0x3FBA] =	sst s10  }
0x38: {  	s10 =	sld [smem:$0x3FBB]  }
0x39: {  	_ = 	snop;
	(pc) =	sbr.ind lr, $3  }
0x3a: {  	_ = 	snop  }
0x3b: {  	_ = 	snop  }
0x3c: {  	p2 =	seq.s32 s10, $0x1;
	s10 =	sld [smem:$0x3FBA]  }
0x3d: {  	_ =	shalt  }
0x3e: {  	_ =	shalt  }
0x3f: {  	_ =	shalt  }
0x40: {  	_ =	shalt  }
0x41: {  	_ =	shalt  }
0x42: {  	_ =	shalt  }
0x43: {  	_ =	shalt  }
0x44: {  	_ =	shalt  }
0x45: {  	_ =	shalt  }
0x46: {  	_ =	shalt  }
0x47: {  	_ =	shalt  }
0x48: {  	_ =	shalt  }
0x49: {  	_ =	shalt  }
0x4a: {  	_ =	shalt  }
0x4b: {  	_ =	shalt  }
0x4c: {  	_ =	shalt  }
0x4d: {  	_ =	shalt  }
0x4e: {  	_ =	shalt  }
0x4f: {  	_ =	shalt  }
0x50: {  	_ =	shalt  }
0x51: {  	_ =	shalt  }
0x52: {  	_ =	shalt  }
0x53: {  	_ =	shalt  }
0x54: {  	_ =	shalt  }
0x55: {  	_ =	shalt  }
0x56: {  	_ =	shalt  }
0x57: {  	_ =	shalt  }
0x58: {  	_ =	shalt  }
0x59: {  	_ =	shalt  }
0x5a: {  	_ =	shalt  }
0x5b: {  	_ =	shalt  }
0x5c: {  	_ =	shalt  }
0x5d: {  	_ =	shalt  }
0x5e: {  	_ =	shalt  }
0x5f: {  	_ =	shalt  }
0x60: {  	_ =	shalt  }
0x61: {  	_ =	shalt  }
0x62: {  	_ =	shalt  }
0x63: {  	_ =	shalt  }
0x64: {  	_ =	shalt  }
0x65: {  	_ =	shalt  }
0x66: {  	_ =	shalt  }
0x67: {  	_ =	shalt  }
0x68: {  	_ =	shalt  }
0x69: {  	_ =	shalt  }
0x6a: {  	_ =	shalt  }
0x6b: {  	_ =	shalt  }
0x6c: {  	_ =	shalt  }
0x6d: {  	_ =	shalt  }
0x6e: {  	_ =	shalt  }
0x6f: {  	_ =	shalt  }
0x70: {  	_ =	shalt  }
0x71: {  	_ =	shalt  }
0x72: {  	_ =	shalt  }
0x73: {  	_ =	shalt  }
0x74: {  	_ =	shalt  }
0x75: {  	_ =	shalt  }
0x76: {  	_ =	shalt  }
0x77: {  	_ =	shalt  }
0x78: {  	_ =	shalt  }
0x79: {  	_ =	shalt  }
0x7a: {  	_ =	shalt  }
0x7b: {  	_ =	shalt  }
0x7c: {  	_ =	shalt  }
0x7d: {  	_ =	shalt  }
0x7e: {  	_ =	shalt  }
0x7f: {  	_ =	shalt  }
0x80: {  	_ =	shalt  }
0x81: {  	_ =	shalt  }
0x82: {  	_ =	shalt  }
0x83: {  	_ =	shalt  }
0x84: {  	_ =	shalt  }
0x85: {  	_ =	shalt  }
0x86: {  	_ =	shalt  }
0x87: {  	_ =	shalt  }
.Lfunc_end0:
.L_simem_size_0:
called_computation_lowered:
.L_overlay_start_0:
0x88: {  	s2 =	sld [smem:$0x3FD9]  }
0x89: {  	s3 =	sld [smem:$0x3FFE];
	_ =	sdelay $0x1  }
0x8a: {  	s1 =	srdreg.scid  }
0x8b: {  	s0 =	sand.u32 $0x1, s1  }
0x8c: {  	s18 =	sshll.u32 s0, $0xA;
	s2 =	sadd.s32 s3, s2  }
0x8d: {  	s2 =	sadd.s32 s2, s18  }
0x8e: {  	[smem:$0x3FC6] =	sst s2  }
0x8f: {  	_ = 	snop  }
0x90: {  	s2 =	sld [smem:$0x3FC9]  }
0x91: {  	s19 =	sld [smem:$0x3FC8]  }
0x92: {  	s4 =	sld [smem:$0x3FD0];
	(tm) =	ssettm $0x1  }
0x93: {  	s5 =	sld [smem:$0x3FFB];
	_ =	sdelay $0x3  }
0x94: {  	_ =	strace s5  }
0x95: {  	s5 =	sld [smem:$0x3FFC];
	_ =	sdelay $0x3  }
0x96: {  	_ =	strace s5  }
0x97: {  	s5 =	sld [smem:$0x3FFD];
	_ =	sdelay $0x3  }
0x98: {  	_ =	strace s5  }
0x99: {  	_ =	strace $0x8FFFFFFF  }
0x9a: {  	s20 =	sld [smem:$0x3FDB];
	_ =	sdelay $0x1  }
0x9b: {  	s6 =	simm.s32 $_scs_section_size  }
0x9c: {  	s7 =	simm.s32 $_size__tile_overlayer_lowered;
	s8 =	simm.s32 $_tile_overlayer_lowered  }
0x9d: {  	s23 =	simm.s32 $0x1BFF;
	s22 =	sshll.u32 s8, $0x1;
	s5 =	sadd.s32 s6, s20  }
0x9e: {  	s9 =	simm.s32 $0x0;
	s21 =	sshll.u32 s7, $0x1;
	s7 =	sadd.s32 s22, s5  }
0x9f: {  	[timem:s9], [sflag:s23] =	dma.local [hbm:s7], s21  }
0xa0: {  	_ =	swait.ge [sflag:s23], s21  }
0xa1: {  	s6 =	ssub.s32 $0x0, s21;
	[sflag:s23] =	ssyncset.done $0x0  }
0xa2: {  	[sflag:s23] =	ssyncadd.s32 s6;
	_ =	sdelay $0x1  }
0xa3: {  	s24 =	simm.s32 $0x1B8B  }
0xa4: {  	_ =	swait.ge [sflag:s24], $0x1  }
0xa5: {  	[sflag:s24] =	ssyncset.done $0x0  }
0xa6: {  	s25 =	simm.s32 $0x1B8E;
	[sflag:s24] =	ssyncadd.s32 $0xFFFFFFFF  }
0xa7: {  	s26 =	simm.s32 $execute0_lowered;
	[smem:$0x3FD2] =	sst s25  }
0xa8: {  	s6 =	sshll.u32 s26, $0x1;
	_ =	strace $0x80000046;
	[dreg:$0x1] =	wrdreg $0xFFFFFFFF  }
0xa9: {  	s28 =	simm.s32 $_size_execute0_lowered;
	s5 =	sadd.s32 s5, s6;
	[dreg:$0x0] =	wrdreg $0x0  }
0xaa: {  	s6 =	sshll.u32 s28, $0x1;
	[dreg:$0x2] =	wrdreg s5  }
0xab: {  	[dreg:$0x3] =	wrdreg s6  }
0xac: {  	[dreg:$0x4] =	wrdreg $0xC0  }
0xad: {  	_ =	task [dreg:s9], $0x5FFFF  }
0xae: {  	[dreg:$0x1] =	wrdreg $0xFFFFFFFF  }
0xaf: {  	[dreg:$0x0] =	wrdreg $0x60  }
0xb0: {  	[dreg:$0x2] =	wrdreg s2  }
0xb1: {  	[dreg:$0x3] =	wrdreg s19  }
0xb2: {  	[dreg:$0x4] =	wrdreg s4  }
0xb3: {  	[dreg:$0x5] =	wrdreg $0x9  }
0xb4: {  	_ =	task.clear_ibuf [dreg:s9], $0x6FFFF;
	_ =	strace $0x90000046  }
0xb5: {  	s29 =	simm.s32 $0x9;
	_ =	strace $0x80000048  }
0xb6: {  	_ =	swait.ge [sflag:s29], $0x1  }
0xb7: {  	[sflag:s29] =	ssyncadd.s32 $0xFFFFFFFF  }
0xb8: {  	_ =	strace $0x90000048  }
0xb9: {  	_ =	sfence  }
0xba: {  	s30 =	sld [smem:$0x0];
	_ =	sdelay $0x2  }
0xbb: {  	s31 =	sshll.u32 s1, $0xD;
	s1 =	sshrl.u32 s1, $0x2  }
0xbc: {  	s3 =	sand.u32 $0x4000, s31;
	s1 =	sadd.s32 s1, s30  }
0xbd: {  	s0 =	sor.u32 s3, s0;
	s1 =	sshll.u32 s1, $0x11  }
0xbe: {  	s0 =	sor.u32 s1, s0  }
0xbf: {  	s0 =	sadd.s32 $0x8F2B, s0  }
0xc0: {  	[sflag:s0] =	ssyncadd.remote.s32 $0x1  }
0xc1: {  	_ =	sfence.sel $0xFFFF  }
0xc2: {  	[dreg:$0x0] =	wrdreg $0xFFFFFFFF;
	(pc) =	sbr.abs _section_cstart, $3  }
0xc3: {  	[dreg:$0x1] =	wrdreg $0xFFFFFFFF  }
0xc4: {  	_ =	task.clear_ibuf [dreg:s9], $0x2FFFF;
	_ =	strace $0x9FFFFFFF  }
0xc5: {  	(tm) =	ssettm $0x7FFFFFFF  }
tec
execute0_lowered:
.L_overlay_start_1:
0x0: {  	(tag) =	ssettag $0x1  }
0x1: {  	s5 =	rddreg [dreg:$0x0]  }
0x2: {  	s2 =	rddreg [dreg:$0x1]  }
0x3: {  	s4 =	rddreg [dreg:$0x2]  }
0x4: {  	s0 =	rddreg [dreg:$0x3];
	s6 =	srdreg.scid  }
0x5: {  	s1 =	stileid.u32;
	s3 =	simm.s32 $0x0;
	s10 =	simm.s32 $0x1  }
0x6: {  	v0 =	vimm.s32 $0x0;
	v1 =	vlaneseq.u32;
	s11 =	simm.s32 $0x2;
	s6 =	sand.u32 $0x1, s6;
	s7 =	sshll.u32 s1, $0x1  }
0x7: {  	s12 =	simm.s32 $0x0;
	[smem:$0x7FF] =	sst s3;
	v2 =	vor.u32 $0x10, v1;
	v3 =	vor.u32 $0x20, v1;
	v4 =	vor.u32 $0x30, v1;
	s7 =	sor.u32 s6, s7  }
0x8: {  	v5 =	vor.u32 $0x40, v1;
	v6 =	vor.u32 $0x50, v1;
	v7 =	vor.u32 $0x60, v1;
	_ =	strace $0x80000047;
	s6 =	ssub.s32 $0x2, s6;
	s8 =	sshll.u32 s7, $0xF  }
0x9: {  	v8 =	vor.u32 $0x70, v1;
	v9 =	vor.u32 $0x80, v1;
	v10 =	vor.u32 $0x90, v1;
	s9 =	sshrl.u32 s6, $0x1;
	s7 =	sshll.u32 s7, $0x7;
	s4 =	sadd.s32 s4, s8  }
0xa: {  	v11 =	vor.u32 $0xA0, v1;
	v12 =	vor.u32 $0xB0, v1;
	v13 =	vor.u32 $0xC0, v1;
	s31 =	ssub.s32 s6, s9;
	s5 =	sadd.s32 s5, s7;
	s8 =	simm.s32 $0x480  }
0xb: {  	v14 =	vor.u32 $0xD0, v1;
	v15 =	vor.u32 $0xE0, v1;
	v16 =	vor.u32 $0xF0, v1;
	s9 =	simm.s32 $0x3;
	s6 =	sadd.s32 $0x1000, s4;
	s7 =	smax.u32 s31, $0x1  }
.LBB2_1:
0xc: {  	[tilespmem:s8], [sflag:$0x3] =	stream.linear.gather [hbm4b:s2+s3], $0x1000, $0x38;
	[tilespmem:$0x11480] =	vst v63  }
0xd: {  	_ =	swait.ge [sflag:s9], $0x1000  }
0xe: {  	[sflag:s9] =	ssyncset.done $0x0  }
0xf: {  	[sflag:s9] =	ssyncadd.s32 $0xFFFFF000  }
0x10: {  	[tilespmem:s3], [sflag:$0x3] =	stream.linear.gather [hbm4b:s5+s3], $0x400, $0x38;
	[tilespmem:$0x11480] =	vst v63  }
0x11: {  	_ =	swait.ge [sflag:s9], $0x400  }
0x12: {  	[sflag:s9] =	ssyncset.done $0x0  }
0x13: {  	[sflag:s9] =	ssyncadd.s32 $0xFFFFFC00  }
0x14: {  	v17 =	vld [tilespmem:s10+$0xFFFFFFFF];
	_ =	sdelay $0x4  }
0x15: {  	v18 =	vld [tilespmem:s10+$0x0];
	v17 =	vperm.xlane v17, v0;
	_ =	sdelay $0x1  }
0x16: {  	v23 =	vshll.u32 v17, $0x8  }
0x17: {  	v17 =	vor.u32 v1, v23;
	_ =	sdelay $0x1  }
0x18: {  	v18 =	vperm.xlane v18, v0;
	_ =	sdelay $0x1  }
0x19: {  	v24 =	vshll.u32 v18, $0x8  }
0x1a: {  	v18 =	vor.u32 v1, v24;
	v17 =	vld.idx.msk [tilespmem:v17+s8+$0x0], $0xffff  }
0x1b: {  	v19 =	vor.u32 v2, v23;
	_ =	sdelay $0x2  }
0x1c: {  	s16 =	simm.s32 $0x1680  }
0x1d: {  	v18 =	vld.idx.msk [tilespmem:v18+s8+$0x0], $0xffff;
	[tilespmem:s16+$0xFFFFFE00] =	vst v17  }
0x1e: {  	v17 =	vld.idx.msk [tilespmem:v19+s8+$0x0], $0xffff;
	v19 =	vor.u32 v2, v24  }
0x1f: {  	v20 =	vor.u32 v3, v23;
	_ =	sdelay $0x1  }
0x20: {  	s13 =	simm.s32 $0x3  }
0x21: {  	v21 =	vld [tilespmem:s13+$0xFFFFFFFF];
	[tilespmem:s16+$0x0] =	vst v18  }
0x22: {  	[tilespmem:s16+$0xFFFFFE10] =	vst v17;
	v17 =	vld.idx.msk [tilespmem:v19+s8+$0x0], $0xffff  }
0x23: {  	v19 =	vor.u32 v3, v24;
	v18 =	vld.idx.msk [tilespmem:v20+s8+$0x0], $0xffff  }
0x24: {  	v22 =	vor.u32 v4, v23;
	v20 =	vld [tilespmem:s13+$0x0];
	_ =	sdelay $0x2  }
0x25: {  	[tilespmem:s16+$0x10] =	vst v17  }
0x26: {  	v17 =	vperm.xlane v21, v0;
	[tilespmem:s16+$0xFFFFFE20] =	vst v18;
	v18 =	vld.idx.msk [tilespmem:v19+s8+$0x0], $0xffff  }
0x27: {  	v19 =	vperm.xlane v20, v0;
	v21 =	vld.idx.msk [tilespmem:v22+s8+$0x0], $0xffff;
	v22 =	vor.u32 v4, v24  }
0x28: {  	v20 =	vshll.u32 v17, $0x8;
	v17 =	vor.u32 v5, v23  }
0x29: {  	v25 =	vor.u32 v1, v20;
	v19 =	vshll.u32 v19, $0x8  }
0x2a: {  	v26 =	vor.u32 v1, v19  }
0x2b: {  	[tilespmem:s16+$0x20] =	vst v18  }
0x2c: {  	[tilespmem:s16+$0xFFFFFE30] =	vst v21;
	v18 =	vld.idx.msk [tilespmem:v22+s8+$0x0], $0xffff  }
0x2d: {  	v21 =	vor.u32 v5, v24;
	v17 =	vld.idx.msk [tilespmem:v17+s8+$0x0], $0xffff  }
0x2e: {  	v22 =	vld.idx.msk [tilespmem:v25+s8+$0x0], $0xffff;
	v25 =	vor.u32 v6, v23  }
0x2f: {  	v27 =	vor.u32 v2, v20;
	v26 =	vld.idx.msk [tilespmem:v26+s8+$0x0], $0xffff  }
0x30: {  	s31 =	simm.s32 $0x5  }
0x31: {  	v28 =	vor.u32 v2, v19;
	[tilespmem:s16+$0x30] =	vst v18;
	v18 =	vld [tilespmem:s31+$0xFFFFFFFF]  }
0x32: {  	s14 =	simm.s32 $0x1A80;
	[tilespmem:s16+$0xFFFFFE40] =	vst v17;
	v17 =	vld.idx.msk [tilespmem:v21+s8+$0x0], $0xffff  }
0x33: {  	[tilespmem:s14+$0xFFFFFE00] =	vst v22;
	v22 =	vor.u32 v6, v24;
	v21 =	vld.idx.msk [tilespmem:v25+s8+$0x0], $0xffff  }
0x34: {  	v25 =	vld.idx.msk [tilespmem:v27+s8+$0x0], $0xffff;
	[tilespmem:s14+$0x0] =	vst v26;
	v26 =	vor.u32 v7, v23  }
0x35: {  	v27 =	vor.u32 v3, v20  }
0x36: {  	v28 =	vld.idx.msk [tilespmem:v28+s8+$0x0], $0xffff  }
0x37: {  	v29 =	vld [tilespmem:s31+$0x0];
	v30 =	vor.u32 v3, v19;
	[tilespmem:s16+$0x40] =	vst v17  }
0x38: {  	[tilespmem:s16+$0xFFFFFE50] =	vst v21;
	v21 =	vld.idx.msk [tilespmem:v22+s8+$0x0], $0xffff  }
0x39: {  	v17 =	vperm.xlane v18, v0;
	[tilespmem:s14+$0xFFFFFE10] =	vst v25;
	v25 =	vor.u32 v7, v24;
	v22 =	vld.idx.msk [tilespmem:v26+s8+$0x0], $0xffff  }
0x3a: {  	v26 =	vld.idx.msk [tilespmem:v27+s8+$0x0], $0xffff;
	v27 =	vor.u32 v8, v23  }
0x3b: {  	[tilespmem:s14+$0x10] =	vst v28;
	v28 =	vor.u32 v4, v20;
	v17 =	vshll.u32 v17, $0x8  }
0x3c: {  	s15 =	simm.s32 $0x7;
	v18 =	vperm.xlane v29, v0;
	v29 =	vld.idx.msk [tilespmem:v30+s8+$0x0], $0xffff;
	v31 =	vor.u32 v1, v17  }
0x3d: {  	v34 =	vld [tilespmem:s15+$0xFFFFFFFF];
	v30 =	vor.u32 v4, v19;
	[tilespmem:s16+$0x50] =	vst v21  }
0x3e: {  	v18 =	vshll.u32 v18, $0x8;
	[tilespmem:s16+$0xFFFFFE60] =	vst v22;
	v22 =	vld.idx.msk [tilespmem:v25+s8+$0x0], $0xffff  }
0x3f: {  	v21 =	vor.u32 v1, v18;
	[tilespmem:s14+$0xFFFFFE20] =	vst v26;
	v25 =	vld.idx.msk [tilespmem:v27+s8+$0x0], $0xffff  }
0x40: {  	v26 =	vor.u32 v8, v24;
	v27 =	vld.idx.msk [tilespmem:v28+s8+$0x0], $0xffff  }
0x41: {  	[tilespmem:s14+$0x20] =	vst v29;
	v28 =	vor.u32 v9, v23;
	v31 =	vld.idx.msk [tilespmem:v31+s8+$0x0], $0xffff  }
0x42: {  	s18 =	simm.s32 $0x9;
	v29 =	vld.idx.msk [tilespmem:v30+s8+$0x0], $0xffff;
	v30 =	vor.u32 v5, v20  }
0x43: {  	v48 =	vld [tilespmem:s18+$0x0];
	v32 =	vor.u32 v2, v17  }
0x44: {  	v21 =	vld.idx.msk [tilespmem:v21+s8+$0x0], $0xffff;
	[tilespmem:s16+$0x60] =	vst v22  }
0x45: {  	v57 =	vor.u32 v2, v18;
	[tilespmem:s16+$0xFFFFFE70] =	vst v25;
	v22 =	vld.idx.msk [tilespmem:v26+s8+$0x0], $0xffff  }
0x46: {  	s13 =	simm.s32 $0x1E80;
	[tilespmem:s14+$0xFFFFFE30] =	vst v27;
	v26 =	vor.u32 v9, v24;
	v25 =	vld.idx.msk [tilespmem:v28+s8+$0x0], $0xffff  }
0x47: {  	[tilespmem:s13+$0xFFFFFE00] =	vst v31;
	v27 =	vld.idx.msk [tilespmem:v30+s8+$0x0], $0xffff;
	v28 =	vor.u32 v10, v23  }
0x48: {  	v33 =	vor.u32 v6, v20;
	v31 =	vld.idx.msk [tilespmem:v32+s8+$0x0], $0xffff  }
0x49: {  	v35 =	vor.u32 v3, v17;
	v30 =	vld [tilespmem:s15+$0x0];
	[tilespmem:s13+$0x0] =	vst v21  }
0x4a: {  	v21 =	vld.idx.msk [tilespmem:v57+s8+$0x0], $0xffff;
	[tilespmem:s16+$0x70] =	vst v22;
	v22 =	vor.u32 v5, v19  }
0x4b: {  	[tilespmem:s16+$0xFFFFFF00] =	vst v25;
	v25 =	vld.idx.msk [tilespmem:v26+s8+$0x0], $0xffff  }
0x4c: {  	[tilespmem:s14+$0xFFFFFE40] =	vst v27;
	v27 =	vor.u32 v10, v24;
	v26 =	vld.idx.msk [tilespmem:v28+s8+$0x0], $0xffff  }
0x4d: {  	v58 =	vor.u32 v11, v23;
	[tilespmem:s13+$0xFFFFFE10] =	vst v31;
	v28 =	vld.idx.msk [tilespmem:v33+s8+$0x0], $0xffff  }
0x4e: {  	[tilespmem:s14+$0x30] =	vst v29;
	v31 =	vor.u32 v7, v20;
	v29 =	vld.idx.msk [tilespmem:v35+s8+$0x0], $0xffff  }
0x4f: {  	v59 =	vor.u32 v3, v18;
	[tilespmem:s13+$0x10] =	vst v21;
	v22 =	vld.idx.msk [tilespmem:v22+s8+$0x0], $0xffff  }
0x50: {  	v38 =	vld [tilespmem:s18+$0xFFFFFFFF];
	[tilespmem:s16+$0x100] =	vst v25;
	v25 =	vor.u32 v6, v19  }
0x51: {  	v60 =	vor.u32 v4, v17;
	[tilespmem:s16+$0xFFFFFF10] =	vst v26;
	v26 =	vld.idx.msk [tilespmem:v27+s8+$0x0], $0xffff  }
0x52: {  	[tilespmem:s14+$0xFFFFFE50] =	vst v28;
	v28 =	vor.u32 v11, v24;
	v27 =	vld.idx.msk [tilespmem:v58+s8+$0x0], $0xffff  }
0x53: {  	v61 =	vor.u32 v12, v23;
	v62 =	vor.u32 v8, v20;
	[tilespmem:s13+$0xFFFFFE20] =	vst v29;
	v31 =	vld.idx.msk [tilespmem:v31+s8+$0x0], $0xffff  }
0x54: {  	v30 =	vperm.xlane v30, v0;
	v29 =	vld.idx.msk [tilespmem:v59+s8+$0x0], $0xffff;
	[tilespmem:s14+$0x40] =	vst v22;
	v22 =	vperm.xlane v34, v0  }
0x55: {  	v63 =	vor.u32 v4, v18;
	v25 =	vld.idx.msk [tilespmem:v25+s8+$0x0], $0xffff  }
0x56: {  	v21 =	vshll.u32 v30, $0x8;
	v30 =	vld.idx.msk [tilespmem:v60+s8+$0x0], $0xffff;
	[tilespmem:s16+$0x110] =	vst v26;
	v26 =	vor.u32 v7, v19;
	v22 =	vshll.u32 v22, $0x8  }
0x57: {  	[tilespmem:s16+$0xFFFFFF20] =	vst v27;
	v27 =	vld.idx.msk [tilespmem:v28+s8+$0x0], $0xffff;
	v41 =	vor.u32 v1, v22  }
0x58: {  	[tilespmem:s14+$0xFFFFFE60] =	vst v31;
	v31 =	vor.u32 v12, v24;
	v28 =	vld.idx.msk [tilespmem:v61+s8+$0x0], $0xffff  }
0x59: {  	v44 =	vor.u32 v5, v17;
	[tilespmem:s13+$0x20] =	vst v29;
	v29 =	vld.idx.msk [tilespmem:v62+s8+$0x0], $0xffff  }
0x5a: {  	v43 =	vor.u32 v9, v20;
	v42 =	vld.idx.msk [tilespmem:v63+s8+$0x0], $0xffff;
	[tilespmem:s14+$0x50] =	vst v25  }
0x5b: {  	v40 =	vor.u32 v13, v23;
	[tilespmem:s13+$0xFFFFFE30] =	vst v30;
	v26 =	vld.idx.msk [tilespmem:v26+s8+$0x0], $0xffff  }
0x5c: {  	v36 =	vor.u32 v1, v21;
	[tilespmem:s16+$0x120] =	vst v27;
	v45 =	vld.idx.msk [tilespmem:v41+s8+$0x0], $0xffff  }
0x5d: {  	[tilespmem:s16+$0xFFFFFF30] =	vst v28;
	v27 =	vld.idx.msk [tilespmem:v31+s8+$0x0], $0xffff;
	v28 =	vor.u32 v8, v19  }
0x5e: {  	v46 =	vor.u32 v2, v22;
	v47 =	vld.idx.msk [tilespmem:v44+s8+$0x0], $0xffff;
	[tilespmem:s14+$0xFFFFFE70] =	vst v29  }
0x5f: {  	v29 =	vor.u32 v13, v24;
	v30 =	vld.idx.msk [tilespmem:v43+s8+$0x0], $0xffff  }
0x60: {  	v37 =	vor.u32 v10, v20;
	s15 =	simm.s32 $0x2280;
	v31 =	vld.idx.msk [tilespmem:v40+s8+$0x0], $0xffff;
	[tilespmem:s14+$0x60] =	vst v26  }
0x61: {  	v25 =	vld.idx.msk [tilespmem:v36+s8+$0x0], $0xffff;
	v26 =	vor.u32 v6, v17;
	[tilespmem:s15+$0xFFFFFE00] =	vst v45  }
0x62: {  	v28 =	vld.idx.msk [tilespmem:v28+s8+$0x0], $0xffff;
	[tilespmem:s16+$0x130] =	vst v27;
	v27 =	vor.u32 v14, v23  }
0x63: {  	v49 =	vor.u32 v9, v19;
	[tilespmem:s13+$0xFFFFFE40] =	vst v47;
	v33 =	vld.idx.msk [tilespmem:v46+s8+$0x0], $0xffff  }
0x64: {  	v29 =	vld.idx.msk [tilespmem:v29+s8+$0x0], $0xffff;
	[tilespmem:s14+$0xFFFFFF00] =	vst v30;
	v30 =	vor.u32 v2, v21  }
0x65: {  	[tilespmem:s16+$0xFFFFFF40] =	vst v31;
	v31 =	vor.u32 v3, v22;
	v51 =	vld.idx.msk [tilespmem:v37+s8+$0x0], $0xffff  }
0x66: {  	v50 =	vor.u32 v14, v24;
	[tilespmem:s13+$0x30] =	vst v42;
	v26 =	vld.idx.msk [tilespmem:v26+s8+$0x0], $0xffff  }
0x67: {  	v52 =	vor.u32 v11, v20;
	[tilespmem:s14+$0x70] =	vst v28;
	v27 =	vld.idx.msk [tilespmem:v27+s8+$0x0], $0xffff  }
0x68: {  	[tilespmem:s15+$0x0] =	vst v25;
	v28 =	vor.u32 v5, v18;
	v34 =	vld.idx.msk [tilespmem:v49+s8+$0x0], $0xffff  }
0x69: {  	v25 =	vor.u32 v15, v23;
	[tilespmem:s15+$0xFFFFFE10] =	vst v33;
	v30 =	vld.idx.msk [tilespmem:v30+s8+$0x0], $0xffff  }
0x6a: {  	v53 =	vor.u32 v10, v19;
	[tilespmem:s16+$0x140] =	vst v29;
	v31 =	vld.idx.msk [tilespmem:v31+s8+$0x0], $0xffff  }
0x6b: {  	v55 =	vor.u32 v3, v21;
	v29 =	vld.idx.msk [tilespmem:v50+s8+$0x0], $0xffff;
	[tilespmem:s14+$0xFFFFFF10] =	vst v51  }
0x6c: {  	v54 =	vor.u32 v15, v24;
	[tilespmem:s13+$0xFFFFFE50] =	vst v26;
	v35 =	vld.idx.msk [tilespmem:v52+s8+$0x0], $0xffff  }
0x6d: {  	v26 =	vor.u32 v7, v17;
	v28 =	vld.idx.msk [tilespmem:v28+s8+$0x0], $0xffff;
	[tilespmem:s16+$0xFFFFFF50] =	vst v27  }
0x6e: {  	v27 =	vor.u32 v4, v22;
	[tilespmem:s14+$0x100] =	vst v34;
	v25 =	vld.idx.msk [tilespmem:v25+s8+$0x0], $0xffff  }
0x6f: {  	v56 =	vor.u32 v6, v18;
	[tilespmem:s15+$0x10] =	vst v30;
	v32 =	vld.idx.msk [tilespmem:v53+s8+$0x0], $0xffff  }
0x70: {  	[tilespmem:s16+$0x150] =	vst v29;
	v29 =	vor.u32 v12, v20;
	v57 =	vld.idx.msk [tilespmem:v55+s8+$0x0], $0xffff  }
0x71: {  	[tilespmem:s15+$0xFFFFFE20] =	vst v31;
	v31 =	vor.u32 v11, v19;
	v30 =	vld.idx.msk [tilespmem:v54+s8+$0x0], $0xffff  }
0x72: {  	v58 =	vor.u32 v16, v23;
	v26 =	vld.idx.msk [tilespmem:v26+s8+$0x0], $0xffff;
	[tilespmem:s14+$0xFFFFFF20] =	vst v35  }
0x73: {  	v59 =	vor.u32 v8, v17;
	v23 =	vperm.xlane v48, v0;
	v27 =	vld.idx.msk [tilespmem:v27+s8+$0x0], $0xffff;
	[tilespmem:s13+$0x40] =	vst v28  }
0x74: {  	v28 =	vor.u32 v4, v21;
	v34 =	vld.idx.msk [tilespmem:v56+s8+$0x0], $0xffff;
	[tilespmem:s16+$0xFFFFFF60] =	vst v25  }
0x75: {  	v23 =	vshll.u32 v23, $0x8;
	v25 =	vor.u32 v16, v24;
	v29 =	vld.idx.msk [tilespmem:v29+s8+$0x0], $0xffff;
	[tilespmem:s14+$0x110] =	vst v32  }
0x76: {  	v60 =	vor.u32 v1, v23;
	[tilespmem:s15+$0x20] =	vst v57;
	v31 =	vld.idx.msk [tilespmem:v31+s8+$0x0], $0xffff  }
0x77: {  	v61 =	vor.u32 v7, v18;
	v24 =	vperm.xlane v38, v0;
	[tilespmem:s13+$0xFFFFFE60] =	vst v26;
	v26 =	vld.idx.msk [tilespmem:v58+s8+$0x0], $0xffff  }
0x78: {  	v39 =	vor.u32 v13, v20;
	[tilespmem:s16+$0x160] =	vst v30;
	v36 =	vld.idx.msk [tilespmem:v59+s8+$0x0], $0xffff  }
0x79: {  	v62 =	vor.u32 v12, v19;
	v24 =	vshll.u32 v24, $0x8;
	[tilespmem:s15+$0xFFFFFE30] =	vst v27;
	v63 =	vld.idx.msk [tilespmem:v28+s8+$0x0], $0xffff  }
0x7a: {  	v40 =	vor.u32 v1, v24;
	[tilespmem:s13+$0x50] =	vst v34;
	v30 =	vld.idx.msk [tilespmem:v25+s8+$0x0], $0xffff  }
0x7b: {  	v33 =	vor.u32 v9, v17;
	v25 =	vld.idx.msk [tilespmem:v60+s8+$0x0], $0xffff;
	[tilespmem:s14+$0xFFFFFF30] =	vst v29  }
0x7c: {  	v32 =	vor.u32 v5, v22;
	v28 =	vld.idx.msk [tilespmem:v61+s8+$0x0], $0xffff;
	[tilespmem:s14+$0x120] =	vst v31  }
0x7d: {  	[tilespmem:s16+$0xFFFFFF70] =	vst v26;
	v29 =	vld.idx.msk [tilespmem:v39+s8+$0x0], $0xffff  }
0x7e: {  	v31 =	vor.u32 v8, v18;
	v27 =	vld.idx.msk [tilespmem:v62+s8+$0x0], $0xffff;
	[tilespmem:s13+$0xFFFFFE70] =	vst v36  }
0x7f: {  	s19 =	simm.s32 $0x8;
	s17 =	simm.s32 $0x2680;
	v26 =	vor.u32 v13, v19;
	v34 =	vld.idx.msk [tilespmem:v40+s8+$0x0], $0xffff;
	[tilespmem:s15+$0x30] =	vst v63  }
.LBB2_2:
0x80: {  	s19 =	sadd.s32 $0x2, s19;
	s18 =	sadd.s32 $0x2, s18;
	v33 =	vld.idx.msk [tilespmem:v33+s8+$0x0], $0xffff;
	[tilespmem:s16+$0x170] =	vst v30;
	s16 =	smov.u32 s14  }
0x81: {  	v30 =	vor.u32 v2, v24;
	s14 =	smov.u32 s13;
	s13 =	smov.u32 s15;
	p0 =	slt.u32 s19, $0x7E;
	v32 =	vld.idx.msk [tilespmem:v32+s8+$0x0], $0xffff  }
0x82: {  	v36 =	vor.u32 v10, v17;
	s15 =	smov.u32 s17;
	v35 =	vld [tilespmem:s18+$0x0];
	[tilespmem:s14+$0x60] =	vst v28  }
0x83: {  	v28 =	vor.u32 v6, v22;
	v31 =	vld.idx.msk [tilespmem:v31+s8+$0x0], $0xffff;
	[tilespmem:s16+$0x130] =	vst v27  }
0x84: {  	v27 =	vor.u32 v9, v18;
	[tilespmem:s16+$0xFFFFFF40] =	vst v29;
	v29 =	vor.u32 v14, v20;
	v26 =	vld.idx.msk [tilespmem:v26+s8+$0x0], $0xffff  }
0x85: {  	v37 =	vld [tilespmem:s18+$0xFFFFFFFF];
	[tilespmem:s17+$0xFFFFFE00] =	vst v34;
	v34 =	vor.u32 v14, v19  }
0x86: {  	v30 =	vld.idx.msk [tilespmem:v30+s8+$0x0], $0xffff;
	[tilespmem:s14+$0xFFFFFF00] =	vst v33  }
0x87: {  	v33 =	vor.u32 v2, v23;
	[tilespmem:s13+$0xFFFFFE40] =	vst v32;
	v32 =	vld.idx.msk [tilespmem:v36+s8+$0x0], $0xffff  }
0x88: {  	v36 =	vor.u32 v3, v24;
	v28 =	vld.idx.msk [tilespmem:v28+s8+$0x0], $0xffff  }
0x89: {  	v38 =	vor.u32 v11, v17;
	[tilespmem:s14+$0x70] =	vst v31;
	v29 =	vld.idx.msk [tilespmem:v29+s8+$0x0], $0xffff  }
0x8a: {  	v31 =	vor.u32 v5, v21;
	v27 =	vld.idx.msk [tilespmem:v27+s8+$0x0], $0xffff;
	[tilespmem:s16+$0x140] =	vst v26  }
0x8b: {  	v26 =	vor.u32 v15, v20;
	[tilespmem:s17+$0x0] =	vst v25;
	v25 =	vor.u32 v10, v18;
	v34 =	vld.idx.msk [tilespmem:v34+s8+$0x0], $0xffff  }
0x8c: {  	[tilespmem:s17+$0xFFFFFE10] =	vst v30;
	v30 =	vld.idx.msk [tilespmem:v33+s8+$0x0], $0xffff;
	v33 =	vor.u32 v15, v19  }
0x8d: {  	v36 =	vld.idx.msk [tilespmem:v36+s8+$0x0], $0xffff;
	[tilespmem:s14+$0xFFFFFF10] =	vst v32  }
0x8e: {  	[tilespmem:s13+$0xFFFFFE50] =	vst v28;
	v28 =	vor.u32 v7, v22;
	v32 =	vld.idx.msk [tilespmem:v38+s8+$0x0], $0xffff  }
0x8f: {  	v38 =	vor.u32 v3, v23;
	v31 =	vld.idx.msk [tilespmem:v31+s8+$0x0], $0xffff;
	[tilespmem:s16+$0xFFFFFF50] =	vst v29  }
0x90: {  	v29 =	vperm.xlane v37, v0;
	v37 =	vor.u32 v4, v24;
	[tilespmem:s14+$0x100] =	vst v27;
	v26 =	vld.idx.msk [tilespmem:v26+s8+$0x0], $0xffff  }
0x91: {  	v27 =	vperm.xlane v35, v0;
	v35 =	vor.u32 v6, v21;
	v25 =	vld.idx.msk [tilespmem:v25+s8+$0x0], $0xffff;
	[tilespmem:s16+$0x150] =	vst v34  }
0x92: {  	v29 =	vshll.u32 v29, $0x8;
	[tilespmem:s17+$0x10] =	vst v30;
	v30 =	vor.u32 v12, v17;
	v33 =	vld.idx.msk [tilespmem:v33+s8+$0x0], $0xffff  }
0x93: {  	v34 =	vor.u32 v1, v29;
	v27 =	vshll.u32 v27, $0x8;
	[tilespmem:s17+$0xFFFFFE20] =	vst v36;
	v28 =	vld.idx.msk [tilespmem:v28+s8+$0x0], $0xffff;
	v36 =	vor.u32 v11, v18  }
0x94: {  	v39 =	vor.u32 v1, v27;
	v38 =	vld.idx.msk [tilespmem:v38+s8+$0x0], $0xffff;
	[tilespmem:s14+$0xFFFFFF20] =	vst v32;
	v32 =	vor.u32 v16, v20;
	v20 =	vmov v17  }
0x95: {  	v40 =	vor.u32 v8, v22;
	v17 =	vmovc v22;
	v22 =	vmov v24;
	v24 =	vmov v29;
	v37 =	vld.idx.msk [tilespmem:v37+s8+$0x0], $0xffff;
	[tilespmem:s13+$0x40] =	vst v31  }
0x96: {  	v29 =	vor.u32 v4, v23;
	v31 =	vld.idx.msk [tilespmem:v35+s8+$0x0], $0xffff;
	[tilespmem:s16+$0xFFFFFF60] =	vst v26;
	v26 =	vor.u32 v16, v19;
	v19 =	vmov v18  }
0x97: {  	v18 =	vmov v21;
	v21 =	vmov v23;
	v23 =	vmov v27;
	v35 =	vld.idx.msk [tilespmem:v30+s8+$0x0], $0xffff;
	[tilespmem:s14+$0x110] =	vst v25  }
0x98: {  	v27 =	vor.u32 v7, v18;
	v36 =	vld.idx.msk [tilespmem:v36+s8+$0x0], $0xffff;
	[tilespmem:s16+$0x160] =	vst v33  }
0x99: {  	v41 =	vor.u32 v12, v19;
	[tilespmem:s13+$0xFFFFFE60] =	vst v28;
	v42 =	vld.idx.msk [tilespmem:v32+s8+$0x0], $0xffff  }
0x9a: {  	[tilespmem:s17+$0x20] =	vst v38;
	v38 =	vld.idx.msk [tilespmem:v40+s8+$0x0], $0xffff  }
0x9b: {  	[tilespmem:s17+$0xFFFFFE30] =	vst v37;
	v37 =	vld.idx.msk [tilespmem:v29+s8+$0x0], $0xffff;
	v29 =	vor.u32 v13, v20  }
0x9c: {  	[tilespmem:s13+$0x50] =	vst v31;
	v30 =	vld.idx.msk [tilespmem:v26+s8+$0x0], $0xffff  }
.Ltmp0:
0x9d: {  	v33 =	vor.u32 v9, v17;
	s17 =	sadd.s32 $0x400, s17;
	v25 =	vld.idx.msk [tilespmem:v39+s8+$0x0], $0xffff;
	[tilespmem:s14+$0xFFFFFF30] =	vst v35;
	(pc) =	sbr.rel @p0 .LBB2_2-.Ltmp0, $4  }
0x9e: {  	v32 =	vor.u32 v5, v22;
	v28 =	vld.idx.msk [tilespmem:v27+s8+$0x0], $0xffff;
	[tilespmem:s14+$0x120] =	vst v36  }
0x9f: {  	v31 =	vor.u32 v8, v18;
	v27 =	vld.idx.msk [tilespmem:v41+s8+$0x0], $0xffff;
	[tilespmem:s16+$0xFFFFFF70] =	vst v42  }
0xa0: {  	v26 =	vor.u32 v13, v19;
	[tilespmem:s13+$0xFFFFFE70] =	vst v38;
	v29 =	vld.idx.msk [tilespmem:v29+s8+$0x0], $0xffff  }
0xa1: {  	v34 =	vld.idx.msk [tilespmem:v34+s8+$0x0], $0xffff;
	[tilespmem:s15+$0x30] =	vst v37  }
0xa2: {  	v35 =	vor.u32 v2, v24  }
0xa3: {  	v36 =	vor.u32 v2, v23;
	_ =	sdelay $0x2  }
0xa4: {  	[tilespmem:s17+$0xFFFFFE00] =	vst v34  }
0xa5: {  	[tilespmem:s17+$0x0] =	vst v25;
	v34 =	vld.idx.msk [tilespmem:v35+s8+$0x0], $0xffff  }
0xa6: {  	v41 =	vor.u32 v3, v24;
	v42 =	vld.idx.msk [tilespmem:v36+s8+$0x0], $0xffff  }
0xa7: {  	v43 =	vor.u32 v3, v23;
	_ =	sdelay $0x2  }
0xa8: {  	[tilespmem:s17+$0xFFFFFE10] =	vst v34  }
0xa9: {  	[tilespmem:s17+$0x10] =	vst v42;
	v25 =	vld.idx.msk [tilespmem:v41+s8+$0x0], $0xffff  }
0xaa: {  	v44 =	vor.u32 v4, v24;
	v35 =	vld.idx.msk [tilespmem:v43+s8+$0x0], $0xffff  }
0xab: {  	v45 =	vor.u32 v4, v23;
	_ =	sdelay $0x2  }
0xac: {  	[tilespmem:s17+$0xFFFFFE20] =	vst v25  }
0xad: {  	v46 =	vor.u32 v5, v21;
	[tilespmem:s17+$0x20] =	vst v35;
	v34 =	vld.idx.msk [tilespmem:v44+s8+$0x0], $0xffff  }
0xae: {  	[tilespmem:s16+$0x170] =	vst v30;
	v48 =	vor.u32 v5, v24;
	v47 =	vld.idx.msk [tilespmem:v45+s8+$0x0], $0xffff  }
0xaf: {  	v33 =	vld.idx.msk [tilespmem:v33+s8+$0x0], $0xffff;
	v49 =	vor.u32 v5, v23;
	[tilespmem:s13+$0x60] =	vst v28  }
0xb0: {  	v32 =	vld.idx.msk [tilespmem:v32+s8+$0x0], $0xffff;
	[tilespmem:s14+$0x130] =	vst v27  }
0xb1: {  	v56 =	vor.u32 v14, v20;
	v31 =	vld.idx.msk [tilespmem:v31+s8+$0x0], $0xffff;
	[tilespmem:s14+$0xFFFFFF40] =	vst v29  }
0xb2: {  	v51 =	vor.u32 v6, v22;
	v25 =	vld.idx.msk [tilespmem:v46+s8+$0x0], $0xffff;
	[tilespmem:s17+$0xFFFFFE30] =	vst v34  }
0xb3: {  	v52 =	vor.u32 v6, v21;
	[tilespmem:s17+$0x30] =	vst v47;
	v53 =	vld.idx.msk [tilespmem:v48+s8+$0x0], $0xffff  }
0xb4: {  	v54 =	vor.u32 v6, v24;
	[tilespmem:s13+$0xFFFFFF00] =	vst v33;
	v28 =	vld.idx.msk [tilespmem:v49+s8+$0x0], $0xffff  }
0xb5: {  	v55 =	vor.u32 v6, v23;
	v26 =	vld.idx.msk [tilespmem:v26+s8+$0x0], $0xffff;
	[tilespmem:s15+$0xFFFFFE40] =	vst v32  }
0xb6: {  	v50 =	vor.u32 v10, v17;
	v61 =	vld.idx.msk [tilespmem:v56+s8+$0x0], $0xffff;
	[tilespmem:s13+$0x70] =	vst v31  }
0xb7: {  	v57 =	vor.u32 v9, v18;
	v29 =	vld.idx.msk [tilespmem:v51+s8+$0x0], $0xffff;
	[tilespmem:s15+$0x40] =	vst v25  }
0xb8: {  	v58 =	vor.u32 v7, v22;
	v34 =	vld.idx.msk [tilespmem:v52+s8+$0x0], $0xffff;
	[tilespmem:s17+$0xFFFFFE40] =	vst v53  }
0xb9: {  	v59 =	vor.u32 v7, v21;
	[tilespmem:s17+$0x40] =	vst v28;
	v33 =	vld.idx.msk [tilespmem:v54+s8+$0x0], $0xffff  }
0xba: {  	v60 =	vor.u32 v7, v24;
	[tilespmem:s14+$0x140] =	vst v26;
	v28 =	vld.idx.msk [tilespmem:v55+s8+$0x0], $0xffff  }
0xbb: {  	v62 =	vor.u32 v7, v23;
	v27 =	vld.idx.msk [tilespmem:v50+s8+$0x0], $0xffff;
	[tilespmem:s14+$0xFFFFFF50] =	vst v61  }
0xbc: {  	v63 =	vor.u32 v14, v19;
	v31 =	vld.idx.msk [tilespmem:v57+s8+$0x0], $0xffff;
	[tilespmem:s15+$0xFFFFFE50] =	vst v29  }
0xbd: {  	v36 =	vor.u32 v11, v17;
	v25 =	vld.idx.msk [tilespmem:v58+s8+$0x0], $0xffff;
	[tilespmem:s15+$0x50] =	vst v34  }
0xbe: {  	v37 =	vor.u32 v8, v22;
	v30 =	vld.idx.msk [tilespmem:v59+s8+$0x0], $0xffff;
	[tilespmem:s17+$0xFFFFFE50] =	vst v33  }
0xbf: {  	v38 =	vor.u32 v8, v21;
	[tilespmem:s17+$0x50] =	vst v28;
	v26 =	vld.idx.msk [tilespmem:v60+s8+$0x0], $0xffff  }
0xc0: {  	v39 =	vor.u32 v8, v24;
	[tilespmem:s13+$0xFFFFFF10] =	vst v27;
	v27 =	vld.idx.msk [tilespmem:v62+s8+$0x0], $0xffff  }
0xc1: {  	v40 =	vld.idx.msk [tilespmem:v63+s8+$0x0], $0xffff;
	v41 =	vor.u32 v8, v23;
	[tilespmem:s13+$0x100] =	vst v31  }
0xc2: {  	v42 =	vor.u32 v15, v20;
	v29 =	vld.idx.msk [tilespmem:v36+s8+$0x0], $0xffff;
	[tilespmem:s15+$0xFFFFFE60] =	vst v25  }
0xc3: {  	v43 =	vor.u32 v10, v18;
	v34 =	vld.idx.msk [tilespmem:v37+s8+$0x0], $0xffff;
	[tilespmem:s15+$0x60] =	vst v30  }
0xc4: {  	v44 =	vor.u32 v9, v22;
	v33 =	vld.idx.msk [tilespmem:v38+s8+$0x0], $0xffff;
	[tilespmem:s17+$0xFFFFFE60] =	vst v26  }
0xc5: {  	v45 =	vor.u32 v9, v21;
	[tilespmem:s17+$0x60] =	vst v27;
	v28 =	vld.idx.msk [tilespmem:v39+s8+$0x0], $0xffff  }
0xc6: {  	[tilespmem:s14+$0x150] =	vst v40;
	v46 =	vor.u32 v9, v24;
	v31 =	vld.idx.msk [tilespmem:v41+s8+$0x0], $0xffff  }
0xc7: {  	[tilespmem:s13+$0xFFFFFF20] =	vst v29;
	v47 =	vld.idx.msk [tilespmem:v42+s8+$0x0], $0xffff;
	v48 =	vor.u32 v9, v23  }
0xc8: {  	v57 =	vor.u32 v16, v20;
	v25 =	vld.idx.msk [tilespmem:v43+s8+$0x0], $0xffff;
	[tilespmem:s15+$0xFFFFFE70] =	vst v34  }
0xc9: {  	v49 =	vor.u32 v15, v19;
	v30 =	vld.idx.msk [tilespmem:v44+s8+$0x0], $0xffff;
	[tilespmem:s15+$0x70] =	vst v33  }
0xca: {  	v51 =	vor.u32 v10, v22;
	v26 =	vld.idx.msk [tilespmem:v45+s8+$0x0], $0xffff;
	[tilespmem:s17+$0xFFFFFE70] =	vst v28  }
0xcb: {  	v52 =	vor.u32 v10, v21;
	[tilespmem:s17+$0x70] =	vst v31;
	v27 =	vld.idx.msk [tilespmem:v46+s8+$0x0], $0xffff  }
0xcc: {  	[tilespmem:s14+$0xFFFFFF60] =	vst v47;
	v53 =	vor.u32 v10, v24;
	v29 =	vld.idx.msk [tilespmem:v48+s8+$0x0], $0xffff  }
0xcd: {  	v20 =	vld.idx.msk [tilespmem:v57+s8+$0x0], $0xffff;
	v55 =	vor.u32 v10, v23;
	[tilespmem:s13+$0x110] =	vst v25  }
0xce: {  	v50 =	vor.u32 v12, v17;
	v54 =	vld.idx.msk [tilespmem:v49+s8+$0x0], $0xffff;
	[tilespmem:s15+$0xFFFFFF00] =	vst v30  }
0xcf: {  	v56 =	vor.u32 v11, v18;
	v30 =	vld.idx.msk [tilespmem:v51+s8+$0x0], $0xffff;
	[tilespmem:s15+$0x100] =	vst v26  }
0xd0: {  	v58 =	vor.u32 v11, v22;
	v28 =	vld.idx.msk [tilespmem:v52+s8+$0x0], $0xffff;
	[tilespmem:s17+$0xFFFFFF00] =	vst v27  }
0xd1: {  	v59 =	vor.u32 v11, v21;
	[tilespmem:s17+$0x100] =	vst v29;
	v31 =	vld.idx.msk [tilespmem:v53+s8+$0x0], $0xffff  }
0xd2: {  	[tilespmem:s14+$0xFFFFFF70] =	vst v20;
	v60 =	vor.u32 v11, v24;
	v25 =	vld.idx.msk [tilespmem:v55+s8+$0x0], $0xffff  }
0xd3: {  	v34 =	vld.idx.msk [tilespmem:v50+s8+$0x0], $0xffff;
	[tilespmem:s14+$0x160] =	vst v54;
	v62 =	vor.u32 v11, v23  }
0xd4: {  	v19 =	vor.u32 v16, v19;
	v61 =	vld.idx.msk [tilespmem:v56+s8+$0x0], $0xffff;
	[tilespmem:s15+$0xFFFFFF10] =	vst v30  }
0xd5: {  	v63 =	vor.u32 v12, v18;
	v26 =	vld.idx.msk [tilespmem:v58+s8+$0x0], $0xffff;
	[tilespmem:s15+$0x110] =	vst v28  }
0xd6: {  	v36 =	vor.u32 v12, v22;
	v27 =	vld.idx.msk [tilespmem:v59+s8+$0x0], $0xffff;
	[tilespmem:s17+$0xFFFFFF10] =	vst v31  }
0xd7: {  	v37 =	vor.u32 v12, v21;
	[tilespmem:s17+$0x110] =	vst v25;
	v29 =	vld.idx.msk [tilespmem:v60+s8+$0x0], $0xffff  }
0xd8: {  	v38 =	vor.u32 v12, v24;
	[tilespmem:s13+$0xFFFFFF30] =	vst v34;
	v39 =	vld.idx.msk [tilespmem:v62+s8+$0x0], $0xffff  }
0xd9: {  	v40 =	vor.u32 v12, v23;
	v19 =	vld.idx.msk [tilespmem:v19+s8+$0x0], $0xffff;
	[tilespmem:s13+$0x120] =	vst v61  }
0xda: {  	v41 =	vor.u32 v13, v17;
	v30 =	vld.idx.msk [tilespmem:v63+s8+$0x0], $0xffff;
	[tilespmem:s15+$0xFFFFFF20] =	vst v26  }
0xdb: {  	v42 =	vor.u32 v13, v18;
	v28 =	vld.idx.msk [tilespmem:v36+s8+$0x0], $0xffff;
	[tilespmem:s15+$0x120] =	vst v27  }
0xdc: {  	v43 =	vor.u32 v13, v22;
	v31 =	vld.idx.msk [tilespmem:v37+s8+$0x0], $0xffff;
	[tilespmem:s17+$0xFFFFFF20] =	vst v29  }
0xdd: {  	v44 =	vor.u32 v13, v21;
	[tilespmem:s17+$0x120] =	vst v39;
	v25 =	vld.idx.msk [tilespmem:v38+s8+$0x0], $0xffff  }
0xde: {  	[tilespmem:s14+$0x170] =	vst v19;
	v19 =	vor.u32 v13, v24;
	v20 =	vld.idx.msk [tilespmem:v40+s8+$0x0], $0xffff  }
0xdf: {  	v45 =	vld.idx.msk [tilespmem:v41+s8+$0x0], $0xffff;
	v46 =	vor.u32 v13, v23;
	[tilespmem:s13+$0x130] =	vst v30  }
0xe0: {  	v47 =	vor.u32 v14, v17;
	v26 =	vld.idx.msk [tilespmem:v42+s8+$0x0], $0xffff;
	[tilespmem:s15+$0xFFFFFF30] =	vst v28  }
0xe1: {  	v48 =	vor.u32 v14, v18;
	v27 =	vld.idx.msk [tilespmem:v43+s8+$0x0], $0xffff;
	[tilespmem:s15+$0x130] =	vst v31  }
0xe2: {  	v49 =	vor.u32 v14, v22;
	v29 =	vld.idx.msk [tilespmem:v44+s8+$0x0], $0xffff;
	[tilespmem:s17+$0xFFFFFF30] =	vst v25  }
0xe3: {  	v50 =	vor.u32 v14, v21;
	[tilespmem:s17+$0x130] =	vst v20;
	v19 =	vld.idx.msk [tilespmem:v19+s8+$0x0], $0xffff  }
0xe4: {  	v51 =	vor.u32 v14, v24;
	[tilespmem:s13+$0xFFFFFF40] =	vst v45;
	v30 =	vld.idx.msk [tilespmem:v46+s8+$0x0], $0xffff  }
0xe5: {  	v52 =	vor.u32 v14, v23;
	v32 =	vld.idx.msk [tilespmem:v47+s8+$0x0], $0xffff;
	[tilespmem:s13+$0x140] =	vst v26  }
0xe6: {  	v53 =	vor.u32 v15, v17;
	v28 =	vld.idx.msk [tilespmem:v48+s8+$0x0], $0xffff;
	[tilespmem:s15+$0xFFFFFF40] =	vst v27  }
0xe7: {  	v54 =	vor.u32 v15, v18;
	v31 =	vld.idx.msk [tilespmem:v49+s8+$0x0], $0xffff;
	[tilespmem:s15+$0x140] =	vst v29  }
0xe8: {  	v55 =	vor.u32 v15, v22;
	v25 =	vld.idx.msk [tilespmem:v50+s8+$0x0], $0xffff;
	[tilespmem:s17+$0xFFFFFF40] =	vst v19  }
0xe9: {  	v19 =	vor.u32 v15, v21;
	[tilespmem:s17+$0x140] =	vst v30;
	v20 =	vld.idx.msk [tilespmem:v51+s8+$0x0], $0xffff  }
0xea: {  	v56 =	vor.u32 v15, v24;
	[tilespmem:s13+$0xFFFFFF50] =	vst v32;
	v26 =	vld.idx.msk [tilespmem:v52+s8+$0x0], $0xffff  }
0xeb: {  	v57 =	vor.u32 v15, v23;
	v32 =	vld.idx.msk [tilespmem:v53+s8+$0x0], $0xffff;
	[tilespmem:s13+$0x150] =	vst v28  }
0xec: {  	v17 =	vor.u32 v16, v17;
	v27 =	vld.idx.msk [tilespmem:v54+s8+$0x0], $0xffff;
	[tilespmem:s15+$0xFFFFFF50] =	vst v31  }
0xed: {  	v18 =	vor.u32 v16, v18;
	v29 =	vld.idx.msk [tilespmem:v55+s8+$0x0], $0xffff;
	[tilespmem:s15+$0x150] =	vst v25  }
0xee: {  	v58 =	vor.u32 v16, v22;
	v19 =	vld.idx.msk [tilespmem:v19+s8+$0x0], $0xffff;
	[tilespmem:s17+$0xFFFFFF50] =	vst v20  }
0xef: {  	v59 =	vor.u32 v16, v21;
	[tilespmem:s17+$0x150] =	vst v26;
	v60 =	vld.idx.msk [tilespmem:v56+s8+$0x0], $0xffff  }
0xf0: {  	v62 =	vor.u32 v16, v24;
	[tilespmem:s13+$0xFFFFFF60] =	vst v32;
	v61 =	vld.idx.msk [tilespmem:v57+s8+$0x0], $0xffff  }
0xf1: {  	v63 =	vor.u32 v16, v23;
	v17 =	vld.idx.msk [tilespmem:v17+s8+$0x0], $0xffff;
	[tilespmem:s13+$0x160] =	vst v27  }
0xf2: {  	v18 =	vld.idx.msk [tilespmem:v18+s8+$0x0], $0xffff;
	[tilespmem:s15+$0xFFFFFF60] =	vst v29  }
0xf3: {  	[tilespmem:s15+$0x160] =	vst v19;
	v19 =	vld.idx.msk [tilespmem:v58+s8+$0x0], $0xffff  }
0xf4: {  	v20 =	vld.idx.msk [tilespmem:v59+s8+$0x0], $0xffff;
	[tilespmem:s17+$0xFFFFFF60] =	vst v60  }
0xf5: {  	[tilespmem:s17+$0x160] =	vst v61;
	v21 =	vld.idx.msk [tilespmem:v62+s8+$0x0], $0xffff  }
0xf6: {  	[tilespmem:s13+$0xFFFFFF70] =	vst v17;
	v17 =	vld.idx.msk [tilespmem:v63+s8+$0x0], $0xffff  }
0xf7: {  	[tilespmem:s13+$0x170] =	vst v18  }
0xf8: {  	[tilespmem:s15+$0xFFFFFF70] =	vst v19  }
0xf9: {  	[tilespmem:s15+$0x170] =	vst v20  }
0xfa: {  	[tilespmem:s17+$0xFFFFFF70] =	vst v21  }
0xfb: {  	s14 =	simm.s32 $0x1480;
	s13 =	simm.s32 $0x0;
	[tilespmem:s17+$0x170] =	vst v17  }
.LBB2_4:
0xfc: {  	p0 =	sne.s32 s13, $0xFF0  }
.Ltmp1:
0xfd: {  	_ = 	snop;
	(pc) =	sbr.rel @p0 .LBB2_4-.Ltmp1, $4  }
0xfe: {  	_ = 	snop  }
0xff: {  	s15 =	sadd.s32 s13, s4  }
0x100: {  	[hbm4b:s15+s3] =	stream.linear.scatter [tilespmem:s14], [sflag:$0x1], $0x80, $0x38;
	[tilespmem:$0x11480] =	vst v63  }
0x101: {  	s13 =	sadd.s32 $0x10, s13;
	s14 =	sadd.s32 $0x100, s14  }
0x102: {  	s13 =	simm.s32 $0x81  }
0x103: {  	v17 =	vld [tilespmem:s13+$0xFFFFFFFF];
	_ =	sdelay $0x4  }
0x104: {  	v18 =	vld [tilespmem:s13+$0x0];
	v17 =	vperm.xlane v17, v0;
	_ =	sdelay $0x1  }
0x105: {  	v23 =	vshll.u32 v17, $0x8  }
0x106: {  	v17 =	vor.u32 v1, v23;
	_ =	sdelay $0x1  }
0x107: {  	v18 =	vperm.xlane v18, v0;
	_ =	sdelay $0x1  }
0x108: {  	v24 =	vshll.u32 v18, $0x8  }
0x109: {  	v18 =	vor.u32 v1, v24;
	v17 =	vld.idx.msk [tilespmem:v17+s8+$0x0], $0xffff  }
0x10a: {  	v19 =	vor.u32 v2, v23;
	_ =	sdelay $0x2  }
0x10b: {  	s16 =	simm.s32 $0x1700  }
0x10c: {  	v18 =	vld.idx.msk [tilespmem:v18+s8+$0x0], $0xffff;
	[tilespmem:s16+$0xFFFFFE00] =	vst v17  }
0x10d: {  	v17 =	vld.idx.msk [tilespmem:v19+s8+$0x0], $0xffff;
	v19 =	vor.u32 v2, v24  }
0x10e: {  	v20 =	vor.u32 v3, v23;
	_ =	sdelay $0x1  }
0x10f: {  	s30 =	simm.s32 $0x83  }
0x110: {  	v21 =	vld [tilespmem:s30+$0xFFFFFFFF];
	[tilespmem:s16+$0x0] =	vst v18  }
0x111: {  	[tilespmem:s16+$0xFFFFFE10] =	vst v17;
	v17 =	vld.idx.msk [tilespmem:v19+s8+$0x0], $0xffff  }
0x112: {  	v19 =	vor.u32 v3, v24;
	v18 =	vld.idx.msk [tilespmem:v20+s8+$0x0], $0xffff  }
0x113: {  	v22 =	vor.u32 v4, v23;
	v20 =	vld [tilespmem:s30+$0x0];
	_ =	sdelay $0x2  }
0x114: {  	[tilespmem:s16+$0x10] =	vst v17  }
0x115: {  	v17 =	vperm.xlane v21, v0;
	[tilespmem:s16+$0xFFFFFE20] =	vst v18;
	v18 =	vld.idx.msk [tilespmem:v19+s8+$0x0], $0xffff  }
0x116: {  	v19 =	vperm.xlane v20, v0;
	v21 =	vld.idx.msk [tilespmem:v22+s8+$0x0], $0xffff;
	v22 =	vor.u32 v4, v24  }
0x117: {  	v20 =	vshll.u32 v17, $0x8;
	v17 =	vor.u32 v5, v23  }
0x118: {  	v25 =	vor.u32 v1, v20;
	v19 =	vshll.u32 v19, $0x8  }
0x119: {  	v26 =	vor.u32 v1, v19  }
0x11a: {  	[tilespmem:s16+$0x20] =	vst v18  }
0x11b: {  	[tilespmem:s16+$0xFFFFFE30] =	vst v21;
	v18 =	vld.idx.msk [tilespmem:v22+s8+$0x0], $0xffff  }
0x11c: {  	v21 =	vor.u32 v5, v24;
	v17 =	vld.idx.msk [tilespmem:v17+s8+$0x0], $0xffff  }
0x11d: {  	v22 =	vld.idx.msk [tilespmem:v25+s8+$0x0], $0xffff;
	v25 =	vor.u32 v6, v23  }
0x11e: {  	v27 =	vor.u32 v2, v20;
	v26 =	vld.idx.msk [tilespmem:v26+s8+$0x0], $0xffff  }
0x11f: {  	s31 =	simm.s32 $0x85  }
0x120: {  	v28 =	vor.u32 v2, v19;
	[tilespmem:s16+$0x30] =	vst v18;
	v18 =	vld [tilespmem:s31+$0xFFFFFFFF]  }
0x121: {  	s14 =	simm.s32 $0x1B00;
	[tilespmem:s16+$0xFFFFFE40] =	vst v17;
	v17 =	vld.idx.msk [tilespmem:v21+s8+$0x0], $0xffff  }
0x122: {  	[tilespmem:s14+$0xFFFFFE00] =	vst v22;
	v22 =	vor.u32 v6, v24;
	v21 =	vld.idx.msk [tilespmem:v25+s8+$0x0], $0xffff  }
0x123: {  	v25 =	vld.idx.msk [tilespmem:v27+s8+$0x0], $0xffff;
	[tilespmem:s14+$0x0] =	vst v26;
	v26 =	vor.u32 v7, v23  }
0x124: {  	v27 =	vor.u32 v3, v20  }
0x125: {  	v28 =	vld.idx.msk [tilespmem:v28+s8+$0x0], $0xffff  }
0x126: {  	v29 =	vld [tilespmem:s31+$0x0];
	v30 =	vor.u32 v3, v19;
	[tilespmem:s16+$0x40] =	vst v17  }
0x127: {  	[tilespmem:s16+$0xFFFFFE50] =	vst v21;
	v21 =	vld.idx.msk [tilespmem:v22+s8+$0x0], $0xffff  }
0x128: {  	v17 =	vperm.xlane v18, v0;
	[tilespmem:s14+$0xFFFFFE10] =	vst v25;
	v25 =	vor.u32 v7, v24;
	v22 =	vld.idx.msk [tilespmem:v26+s8+$0x0], $0xffff  }
0x129: {  	v26 =	vld.idx.msk [tilespmem:v27+s8+$0x0], $0xffff;
	v27 =	vor.u32 v8, v23  }
0x12a: {  	[tilespmem:s14+$0x10] =	vst v28;
	v28 =	vor.u32 v4, v20;
	v17 =	vshll.u32 v17, $0x8  }
0x12b: {  	s15 =	simm.s32 $0x87;
	v18 =	vperm.xlane v29, v0;
	v29 =	vld.idx.msk [tilespmem:v30+s8+$0x0], $0xffff;
	v31 =	vor.u32 v1, v17  }
0x12c: {  	v34 =	vld [tilespmem:s15+$0xFFFFFFFF];
	v30 =	vor.u32 v4, v19;
	[tilespmem:s16+$0x50] =	vst v21  }
0x12d: {  	v18 =	vshll.u32 v18, $0x8;
	[tilespmem:s16+$0xFFFFFE60] =	vst v22;
	v22 =	vld.idx.msk [tilespmem:v25+s8+$0x0], $0xffff  }
0x12e: {  	v21 =	vor.u32 v1, v18;
	[tilespmem:s14+$0xFFFFFE20] =	vst v26;
	v25 =	vld.idx.msk [tilespmem:v27+s8+$0x0], $0xffff  }
0x12f: {  	v26 =	vor.u32 v8, v24;
	v27 =	vld.idx.msk [tilespmem:v28+s8+$0x0], $0xffff  }
0x130: {  	[tilespmem:s14+$0x20] =	vst v29;
	v28 =	vor.u32 v9, v23;
	v31 =	vld.idx.msk [tilespmem:v31+s8+$0x0], $0xffff  }
0x131: {  	s18 =	simm.s32 $0x89;
	v29 =	vld.idx.msk [tilespmem:v30+s8+$0x0], $0xffff;
	v30 =	vor.u32 v5, v20  }
0x132: {  	v48 =	vld [tilespmem:s18+$0x0];
	v32 =	vor.u32 v2, v17  }
0x133: {  	v21 =	vld.idx.msk [tilespmem:v21+s8+$0x0], $0xffff;
	[tilespmem:s16+$0x60] =	vst v22  }
0x134: {  	v57 =	vor.u32 v2, v18;
	[tilespmem:s16+$0xFFFFFE70] =	vst v25;
	v22 =	vld.idx.msk [tilespmem:v26+s8+$0x0], $0xffff  }
0x135: {  	s13 =	simm.s32 $0x1F00;
	[tilespmem:s14+$0xFFFFFE30] =	vst v27;
	v26 =	vor.u32 v9, v24;
	v25 =	vld.idx.msk [tilespmem:v28+s8+$0x0], $0xffff  }
0x136: {  	[tilespmem:s13+$0xFFFFFE00] =	vst v31;
	v27 =	vld.idx.msk [tilespmem:v30+s8+$0x0], $0xffff;
	v28 =	vor.u32 v10, v23  }
0x137: {  	v33 =	vor.u32 v6, v20;
	v31 =	vld.idx.msk [tilespmem:v32+s8+$0x0], $0xffff  }
0x138: {  	v35 =	vor.u32 v3, v17;
	v30 =	vld [tilespmem:s15+$0x0];
	[tilespmem:s13+$0x0] =	vst v21  }
0x139: {  	v21 =	vld.idx.msk [tilespmem:v57+s8+$0x0], $0xffff;
	[tilespmem:s16+$0x70] =	vst v22;
	v22 =	vor.u32 v5, v19  }
0x13a: {  	[tilespmem:s16+$0xFFFFFF00] =	vst v25;
	v25 =	vld.idx.msk [tilespmem:v26+s8+$0x0], $0xffff  }
0x13b: {  	[tilespmem:s14+$0xFFFFFE40] =	vst v27;
	v27 =	vor.u32 v10, v24;
	v26 =	vld.idx.msk [tilespmem:v28+s8+$0x0], $0xffff  }
0x13c: {  	v58 =	vor.u32 v11, v23;
	[tilespmem:s13+$0xFFFFFE10] =	vst v31;
	v28 =	vld.idx.msk [tilespmem:v33+s8+$0x0], $0xffff  }
0x13d: {  	[tilespmem:s14+$0x30] =	vst v29;
	v31 =	vor.u32 v7, v20;
	v29 =	vld.idx.msk [tilespmem:v35+s8+$0x0], $0xffff  }
0x13e: {  	v59 =	vor.u32 v3, v18;
	[tilespmem:s13+$0x10] =	vst v21;
	v22 =	vld.idx.msk [tilespmem:v22+s8+$0x0], $0xffff  }
0x13f: {  	v38 =	vld [tilespmem:s18+$0xFFFFFFFF];
	[tilespmem:s16+$0x100] =	vst v25;
	v25 =	vor.u32 v6, v19  }
0x140: {  	v60 =	vor.u32 v4, v17;
	[tilespmem:s16+$0xFFFFFF10] =	vst v26;
	v26 =	vld.idx.msk [tilespmem:v27+s8+$0x0], $0xffff  }
0x141: {  	[tilespmem:s14+$0xFFFFFE50] =	vst v28;
	v28 =	vor.u32 v11, v24;
	v27 =	vld.idx.msk [tilespmem:v58+s8+$0x0], $0xffff  }
0x142: {  	v61 =	vor.u32 v12, v23;
	v62 =	vor.u32 v8, v20;
	[tilespmem:s13+$0xFFFFFE20] =	vst v29;
	v31 =	vld.idx.msk [tilespmem:v31+s8+$0x0], $0xffff  }
0x143: {  	v30 =	vperm.xlane v30, v0;
	v29 =	vld.idx.msk [tilespmem:v59+s8+$0x0], $0xffff;
	[tilespmem:s14+$0x40] =	vst v22;
	v22 =	vperm.xlane v34, v0  }
0x144: {  	v63 =	vor.u32 v4, v18;
	v25 =	vld.idx.msk [tilespmem:v25+s8+$0x0], $0xffff  }
0x145: {  	v21 =	vshll.u32 v30, $0x8;
	v30 =	vld.idx.msk [tilespmem:v60+s8+$0x0], $0xffff;
	[tilespmem:s16+$0x110] =	vst v26;
	v26 =	vor.u32 v7, v19;
	v22 =	vshll.u32 v22, $0x8  }
0x146: {  	[tilespmem:s16+$0xFFFFFF20] =	vst v27;
	v27 =	vld.idx.msk [tilespmem:v28+s8+$0x0], $0xffff;
	v41 =	vor.u32 v1, v22  }
0x147: {  	[tilespmem:s14+$0xFFFFFE60] =	vst v31;
	v31 =	vor.u32 v12, v24;
	v28 =	vld.idx.msk [tilespmem:v61+s8+$0x0], $0xffff  }
0x148: {  	v44 =	vor.u32 v5, v17;
	[tilespmem:s13+$0x20] =	vst v29;
	v29 =	vld.idx.msk [tilespmem:v62+s8+$0x0], $0xffff  }
0x149: {  	v43 =	vor.u32 v9, v20;
	v42 =	vld.idx.msk [tilespmem:v63+s8+$0x0], $0xffff;
	[tilespmem:s14+$0x50] =	vst v25  }
0x14a: {  	v40 =	vor.u32 v13, v23;
	[tilespmem:s13+$0xFFFFFE30] =	vst v30;
	v26 =	vld.idx.msk [tilespmem:v26+s8+$0x0], $0xffff  }
0x14b: {  	v36 =	vor.u32 v1, v21;
	[tilespmem:s16+$0x120] =	vst v27;
	v45 =	vld.idx.msk [tilespmem:v41+s8+$0x0], $0xffff  }
0x14c: {  	[tilespmem:s16+$0xFFFFFF30] =	vst v28;
	v27 =	vld.idx.msk [tilespmem:v31+s8+$0x0], $0xffff;
	v28 =	vor.u32 v8, v19  }
0x14d: {  	v46 =	vor.u32 v2, v22;
	v47 =	vld.idx.msk [tilespmem:v44+s8+$0x0], $0xffff;
	[tilespmem:s14+$0xFFFFFE70] =	vst v29  }
0x14e: {  	v29 =	vor.u32 v13, v24;
	v30 =	vld.idx.msk [tilespmem:v43+s8+$0x0], $0xffff  }
0x14f: {  	v37 =	vor.u32 v10, v20;
	s15 =	simm.s32 $0x2300;
	v31 =	vld.idx.msk [tilespmem:v40+s8+$0x0], $0xffff;
	[tilespmem:s14+$0x60] =	vst v26  }
0x150: {  	v25 =	vld.idx.msk [tilespmem:v36+s8+$0x0], $0xffff;
	v26 =	vor.u32 v6, v17;
	[tilespmem:s15+$0xFFFFFE00] =	vst v45  }
0x151: {  	v28 =	vld.idx.msk [tilespmem:v28+s8+$0x0], $0xffff;
	[tilespmem:s16+$0x130] =	vst v27;
	v27 =	vor.u32 v14, v23  }
0x152: {  	v49 =	vor.u32 v9, v19;
	[tilespmem:s13+$0xFFFFFE40] =	vst v47;
	v33 =	vld.idx.msk [tilespmem:v46+s8+$0x0], $0xffff  }
0x153: {  	v29 =	vld.idx.msk [tilespmem:v29+s8+$0x0], $0xffff;
	[tilespmem:s14+$0xFFFFFF00] =	vst v30;
	v30 =	vor.u32 v2, v21  }
0x154: {  	[tilespmem:s16+$0xFFFFFF40] =	vst v31;
	v31 =	vor.u32 v3, v22;
	v51 =	vld.idx.msk [tilespmem:v37+s8+$0x0], $0xffff  }
0x155: {  	v50 =	vor.u32 v14, v24;
	[tilespmem:s13+$0x30] =	vst v42;
	v26 =	vld.idx.msk [tilespmem:v26+s8+$0x0], $0xffff  }
0x156: {  	v52 =	vor.u32 v11, v20;
	[tilespmem:s14+$0x70] =	vst v28;
	v27 =	vld.idx.msk [tilespmem:v27+s8+$0x0], $0xffff  }
0x157: {  	[tilespmem:s15+$0x0] =	vst v25;
	v28 =	vor.u32 v5, v18;
	v34 =	vld.idx.msk [tilespmem:v49+s8+$0x0], $0xffff  }
0x158: {  	v25 =	vor.u32 v15, v23;
	[tilespmem:s15+$0xFFFFFE10] =	vst v33;
	v30 =	vld.idx.msk [tilespmem:v30+s8+$0x0], $0xffff  }
0x159: {  	v53 =	vor.u32 v10, v19;
	[tilespmem:s16+$0x140] =	vst v29;
	v31 =	vld.idx.msk [tilespmem:v31+s8+$0x0], $0xffff  }
0x15a: {  	v55 =	vor.u32 v3, v21;
	v29 =	vld.idx.msk [tilespmem:v50+s8+$0x0], $0xffff;
	[tilespmem:s14+$0xFFFFFF10] =	vst v51  }
0x15b: {  	v54 =	vor.u32 v15, v24;
	[tilespmem:s13+$0xFFFFFE50] =	vst v26;
	v35 =	vld.idx.msk [tilespmem:v52+s8+$0x0], $0xffff  }
0x15c: {  	v26 =	vor.u32 v7, v17;
	v28 =	vld.idx.msk [tilespmem:v28+s8+$0x0], $0xffff;
	[tilespmem:s16+$0xFFFFFF50] =	vst v27  }
0x15d: {  	v27 =	vor.u32 v4, v22;
	[tilespmem:s14+$0x100] =	vst v34;
	v25 =	vld.idx.msk [tilespmem:v25+s8+$0x0], $0xffff  }
0x15e: {  	v56 =	vor.u32 v6, v18;
	[tilespmem:s15+$0x10] =	vst v30;
	v32 =	vld.idx.msk [tilespmem:v53+s8+$0x0], $0xffff  }
0x15f: {  	[tilespmem:s16+$0x150] =	vst v29;
	v29 =	vor.u32 v12, v20;
	v57 =	vld.idx.msk [tilespmem:v55+s8+$0x0], $0xffff  }
0x160: {  	[tilespmem:s15+$0xFFFFFE20] =	vst v31;
	v31 =	vor.u32 v11, v19;
	v30 =	vld.idx.msk [tilespmem:v54+s8+$0x0], $0xffff  }
0x161: {  	v58 =	vor.u32 v16, v23;
	v26 =	vld.idx.msk [tilespmem:v26+s8+$0x0], $0xffff;
	[tilespmem:s14+$0xFFFFFF20] =	vst v35  }
0x162: {  	v59 =	vor.u32 v8, v17;
	v23 =	vperm.xlane v48, v0;
	v27 =	vld.idx.msk [tilespmem:v27+s8+$0x0], $0xffff;
	[tilespmem:s13+$0x40] =	vst v28  }
0x163: {  	v28 =	vor.u32 v4, v21;
	v34 =	vld.idx.msk [tilespmem:v56+s8+$0x0], $0xffff;
	[tilespmem:s16+$0xFFFFFF60] =	vst v25  }
0x164: {  	v23 =	vshll.u32 v23, $0x8;
	v25 =	vor.u32 v16, v24;
	v29 =	vld.idx.msk [tilespmem:v29+s8+$0x0], $0xffff;
	[tilespmem:s14+$0x110] =	vst v32  }
0x165: {  	v60 =	vor.u32 v1, v23;
	[tilespmem:s15+$0x20] =	vst v57;
	v31 =	vld.idx.msk [tilespmem:v31+s8+$0x0], $0xffff  }
0x166: {  	v61 =	vor.u32 v7, v18;
	v24 =	vperm.xlane v38, v0;
	[tilespmem:s13+$0xFFFFFE60] =	vst v26;
	v26 =	vld.idx.msk [tilespmem:v58+s8+$0x0], $0xffff  }
0x167: {  	v39 =	vor.u32 v13, v20;
	[tilespmem:s16+$0x160] =	vst v30;
	v36 =	vld.idx.msk [tilespmem:v59+s8+$0x0], $0xffff  }
0x168: {  	v62 =	vor.u32 v12, v19;
	v24 =	vshll.u32 v24, $0x8;
	[tilespmem:s15+$0xFFFFFE30] =	vst v27;
	v63 =	vld.idx.msk [tilespmem:v28+s8+$0x0], $0xffff  }
0x169: {  	v40 =	vor.u32 v1, v24;
	[tilespmem:s13+$0x50] =	vst v34;
	v30 =	vld.idx.msk [tilespmem:v25+s8+$0x0], $0xffff  }
0x16a: {  	v33 =	vor.u32 v9, v17;
	v25 =	vld.idx.msk [tilespmem:v60+s8+$0x0], $0xffff;
	[tilespmem:s14+$0xFFFFFF30] =	vst v29  }
0x16b: {  	v32 =	vor.u32 v5, v22;
	v28 =	vld.idx.msk [tilespmem:v61+s8+$0x0], $0xffff;
	[tilespmem:s14+$0x120] =	vst v31  }
0x16c: {  	[tilespmem:s16+$0xFFFFFF70] =	vst v26;
	v29 =	vld.idx.msk [tilespmem:v39+s8+$0x0], $0xffff  }
0x16d: {  	v31 =	vor.u32 v8, v18;
	v27 =	vld.idx.msk [tilespmem:v62+s8+$0x0], $0xffff;
	[tilespmem:s13+$0xFFFFFE70] =	vst v36  }
0x16e: {  	s19 =	simm.s32 $0x8;
	s17 =	simm.s32 $0x2700;
	v26 =	vor.u32 v13, v19;
	v34 =	vld.idx.msk [tilespmem:v40+s8+$0x0], $0xffff;
	[tilespmem:s15+$0x30] =	vst v63  }
.LBB2_6:
0x16f: {  	s19 =	sadd.s32 $0x2, s19;
	s18 =	sadd.s32 $0x2, s18;
	v33 =	vld.idx.msk [tilespmem:v33+s8+$0x0], $0xffff;
	[tilespmem:s16+$0x170] =	vst v30;
	s16 =	smov.u32 s14  }
0x170: {  	v30 =	vor.u32 v2, v24;
	s14 =	smov.u32 s13;
	s13 =	smov.u32 s15;
	p0 =	slt.u32 s19, $0x7E;
	v32 =	vld.idx.msk [tilespmem:v32+s8+$0x0], $0xffff  }
0x171: {  	v36 =	vor.u32 v10, v17;
	s15 =	smov.u32 s17;
	v35 =	vld [tilespmem:s18+$0x0];
	[tilespmem:s14+$0x60] =	vst v28  }
0x172: {  	v28 =	vor.u32 v6, v22;
	v31 =	vld.idx.msk [tilespmem:v31+s8+$0x0], $0xffff;
	[tilespmem:s16+$0x130] =	vst v27  }
0x173: {  	v27 =	vor.u32 v9, v18;
	[tilespmem:s16+$0xFFFFFF40] =	vst v29;
	v29 =	vor.u32 v14, v20;
	v26 =	vld.idx.msk [tilespmem:v26+s8+$0x0], $0xffff  }
0x174: {  	v37 =	vld [tilespmem:s18+$0xFFFFFFFF];
	[tilespmem:s17+$0xFFFFFE00] =	vst v34;
	v34 =	vor.u32 v14, v19  }
0x175: {  	v30 =	vld.idx.msk [tilespmem:v30+s8+$0x0], $0xffff;
	[tilespmem:s14+$0xFFFFFF00] =	vst v33  }
0x176: {  	v33 =	vor.u32 v2, v23;
	[tilespmem:s13+$0xFFFFFE40] =	vst v32;
	v32 =	vld.idx.msk [tilespmem:v36+s8+$0x0], $0xffff  }
0x177: {  	v36 =	vor.u32 v3, v24;
	v28 =	vld.idx.msk [tilespmem:v28+s8+$0x0], $0xffff  }
0x178: {  	v38 =	vor.u32 v11, v17;
	[tilespmem:s14+$0x70] =	vst v31;
	v29 =	vld.idx.msk [tilespmem:v29+s8+$0x0], $0xffff  }
0x179: {  	v31 =	vor.u32 v5, v21;
	v27 =	vld.idx.msk [tilespmem:v27+s8+$0x0], $0xffff;
	[tilespmem:s16+$0x140] =	vst v26  }
0x17a: {  	v26 =	vor.u32 v15, v20;
	[tilespmem:s17+$0x0] =	vst v25;
	v25 =	vor.u32 v10, v18;
	v34 =	vld.idx.msk [tilespmem:v34+s8+$0x0], $0xffff  }
0x17b: {  	[tilespmem:s17+$0xFFFFFE10] =	vst v30;
	v30 =	vld.idx.msk [tilespmem:v33+s8+$0x0], $0xffff;
	v33 =	vor.u32 v15, v19  }
0x17c: {  	v36 =	vld.idx.msk [tilespmem:v36+s8+$0x0], $0xffff;
	[tilespmem:s14+$0xFFFFFF10] =	vst v32  }
0x17d: {  	[tilespmem:s13+$0xFFFFFE50] =	vst v28;
	v28 =	vor.u32 v7, v22;
	v32 =	vld.idx.msk [tilespmem:v38+s8+$0x0], $0xffff  }
0x17e: {  	v38 =	vor.u32 v3, v23;
	v31 =	vld.idx.msk [tilespmem:v31+s8+$0x0], $0xffff;
	[tilespmem:s16+$0xFFFFFF50] =	vst v29  }
0x17f: {  	v29 =	vperm.xlane v37, v0;
	v37 =	vor.u32 v4, v24;
	[tilespmem:s14+$0x100] =	vst v27;
	v26 =	vld.idx.msk [tilespmem:v26+s8+$0x0], $0xffff  }
0x180: {  	v27 =	vperm.xlane v35, v0;
	v35 =	vor.u32 v6, v21;
	v25 =	vld.idx.msk [tilespmem:v25+s8+$0x0], $0xffff;
	[tilespmem:s16+$0x150] =	vst v34  }
0x181: {  	v29 =	vshll.u32 v29, $0x8;
	[tilespmem:s17+$0x10] =	vst v30;
	v30 =	vor.u32 v12, v17;
	v33 =	vld.idx.msk [tilespmem:v33+s8+$0x0], $0xffff  }
0x182: {  	v34 =	vor.u32 v1, v29;
	v27 =	vshll.u32 v27, $0x8;
	[tilespmem:s17+$0xFFFFFE20] =	vst v36;
	v28 =	vld.idx.msk [tilespmem:v28+s8+$0x0], $0xffff;
	v36 =	vor.u32 v11, v18  }
0x183: {  	v39 =	vor.u32 v1, v27;
	v38 =	vld.idx.msk [tilespmem:v38+s8+$0x0], $0xffff;
	[tilespmem:s14+$0xFFFFFF20] =	vst v32;
	v32 =	vor.u32 v16, v20;
	v20 =	vmov v17  }
0x184: {  	v40 =	vor.u32 v8, v22;
	v17 =	vmovc v22;
	v22 =	vmov v24;
	v24 =	vmov v29;
	v37 =	vld.idx.msk [tilespmem:v37+s8+$0x0], $0xffff;
	[tilespmem:s13+$0x40] =	vst v31  }
0x185: {  	v29 =	vor.u32 v4, v23;
	v31 =	vld.idx.msk [tilespmem:v35+s8+$0x0], $0xffff;
	[tilespmem:s16+$0xFFFFFF60] =	vst v26;
	v26 =	vor.u32 v16, v19;
	v19 =	vmov v18  }
0x186: {  	v18 =	vmov v21;
	v21 =	vmov v23;
	v23 =	vmov v27;
	v35 =	vld.idx.msk [tilespmem:v30+s8+$0x0], $0xffff;
	[tilespmem:s14+$0x110] =	vst v25  }
0x187: {  	v27 =	vor.u32 v7, v18;
	v36 =	vld.idx.msk [tilespmem:v36+s8+$0x0], $0xffff;
	[tilespmem:s16+$0x160] =	vst v33  }
0x188: {  	v41 =	vor.u32 v12, v19;
	[tilespmem:s13+$0xFFFFFE60] =	vst v28;
	v42 =	vld.idx.msk [tilespmem:v32+s8+$0x0], $0xffff  }
0x189: {  	[tilespmem:s17+$0x20] =	vst v38;
	v38 =	vld.idx.msk [tilespmem:v40+s8+$0x0], $0xffff  }
0x18a: {  	[tilespmem:s17+$0xFFFFFE30] =	vst v37;
	v37 =	vld.idx.msk [tilespmem:v29+s8+$0x0], $0xffff;
	v29 =	vor.u32 v13, v20  }
0x18b: {  	[tilespmem:s13+$0x50] =	vst v31;
	v30 =	vld.idx.msk [tilespmem:v26+s8+$0x0], $0xffff  }
.Ltmp2:
0x18c: {  	v33 =	vor.u32 v9, v17;
	s17 =	sadd.s32 $0x400, s17;
	v25 =	vld.idx.msk [tilespmem:v39+s8+$0x0], $0xffff;
	[tilespmem:s14+$0xFFFFFF30] =	vst v35;
	(pc) =	sbr.rel @p0 .LBB2_6-.Ltmp2, $4  }
0x18d: {  	v32 =	vor.u32 v5, v22;
	v28 =	vld.idx.msk [tilespmem:v27+s8+$0x0], $0xffff;
	[tilespmem:s14+$0x120] =	vst v36  }
0x18e: {  	v31 =	vor.u32 v8, v18;
	v27 =	vld.idx.msk [tilespmem:v41+s8+$0x0], $0xffff;
	[tilespmem:s16+$0xFFFFFF70] =	vst v42  }
0x18f: {  	v26 =	vor.u32 v13, v19;
	[tilespmem:s13+$0xFFFFFE70] =	vst v38;
	v29 =	vld.idx.msk [tilespmem:v29+s8+$0x0], $0xffff  }
0x190: {  	v34 =	vld.idx.msk [tilespmem:v34+s8+$0x0], $0xffff;
	[tilespmem:s15+$0x30] =	vst v37  }
0x191: {  	v35 =	vor.u32 v2, v24  }
0x192: {  	v36 =	vor.u32 v2, v23;
	_ =	sdelay $0x2  }
0x193: {  	[tilespmem:s17+$0xFFFFFE00] =	vst v34  }
0x194: {  	[tilespmem:s17+$0x0] =	vst v25;
	v34 =	vld.idx.msk [tilespmem:v35+s8+$0x0], $0xffff  }
0x195: {  	v41 =	vor.u32 v3, v24;
	v42 =	vld.idx.msk [tilespmem:v36+s8+$0x0], $0xffff  }
0x196: {  	v43 =	vor.u32 v3, v23;
	_ =	sdelay $0x2  }
0x197: {  	[tilespmem:s17+$0xFFFFFE10] =	vst v34  }
0x198: {  	[tilespmem:s17+$0x10] =	vst v42;
	v25 =	vld.idx.msk [tilespmem:v41+s8+$0x0], $0xffff  }
0x199: {  	v44 =	vor.u32 v4, v24;
	v35 =	vld.idx.msk [tilespmem:v43+s8+$0x0], $0xffff  }
0x19a: {  	v45 =	vor.u32 v4, v23;
	_ =	sdelay $0x2  }
0x19b: {  	[tilespmem:s17+$0xFFFFFE20] =	vst v25  }
0x19c: {  	v46 =	vor.u32 v5, v21;
	[tilespmem:s17+$0x20] =	vst v35;
	v34 =	vld.idx.msk [tilespmem:v44+s8+$0x0], $0xffff  }
0x19d: {  	[tilespmem:s16+$0x170] =	vst v30;
	v48 =	vor.u32 v5, v24;
	v47 =	vld.idx.msk [tilespmem:v45+s8+$0x0], $0xffff  }
0x19e: {  	v33 =	vld.idx.msk [tilespmem:v33+s8+$0x0], $0xffff;
	v49 =	vor.u32 v5, v23;
	[tilespmem:s13+$0x60] =	vst v28  }
0x19f: {  	v32 =	vld.idx.msk [tilespmem:v32+s8+$0x0], $0xffff;
	[tilespmem:s14+$0x130] =	vst v27  }
0x1a0: {  	v56 =	vor.u32 v14, v20;
	v31 =	vld.idx.msk [tilespmem:v31+s8+$0x0], $0xffff;
	[tilespmem:s14+$0xFFFFFF40] =	vst v29  }
0x1a1: {  	v51 =	vor.u32 v6, v22;
	v25 =	vld.idx.msk [tilespmem:v46+s8+$0x0], $0xffff;
	[tilespmem:s17+$0xFFFFFE30] =	vst v34  }
0x1a2: {  	v52 =	vor.u32 v6, v21;
	[tilespmem:s17+$0x30] =	vst v47;
	v53 =	vld.idx.msk [tilespmem:v48+s8+$0x0], $0xffff  }
0x1a3: {  	v54 =	vor.u32 v6, v24;
	[tilespmem:s13+$0xFFFFFF00] =	vst v33;
	v28 =	vld.idx.msk [tilespmem:v49+s8+$0x0], $0xffff  }
0x1a4: {  	v55 =	vor.u32 v6, v23;
	v26 =	vld.idx.msk [tilespmem:v26+s8+$0x0], $0xffff;
	[tilespmem:s15+$0xFFFFFE40] =	vst v32  }
0x1a5: {  	v50 =	vor.u32 v10, v17;
	v61 =	vld.idx.msk [tilespmem:v56+s8+$0x0], $0xffff;
	[tilespmem:s13+$0x70] =	vst v31  }
0x1a6: {  	v57 =	vor.u32 v9, v18;
	v29 =	vld.idx.msk [tilespmem:v51+s8+$0x0], $0xffff;
	[tilespmem:s15+$0x40] =	vst v25  }
0x1a7: {  	v58 =	vor.u32 v7, v22;
	v34 =	vld.idx.msk [tilespmem:v52+s8+$0x0], $0xffff;
	[tilespmem:s17+$0xFFFFFE40] =	vst v53  }
0x1a8: {  	v59 =	vor.u32 v7, v21;
	[tilespmem:s17+$0x40] =	vst v28;
	v33 =	vld.idx.msk [tilespmem:v54+s8+$0x0], $0xffff  }
0x1a9: {  	v60 =	vor.u32 v7, v24;
	[tilespmem:s14+$0x140] =	vst v26;
	v28 =	vld.idx.msk [tilespmem:v55+s8+$0x0], $0xffff  }
0x1aa: {  	v62 =	vor.u32 v7, v23;
	v27 =	vld.idx.msk [tilespmem:v50+s8+$0x0], $0xffff;
	[tilespmem:s14+$0xFFFFFF50] =	vst v61  }
0x1ab: {  	v63 =	vor.u32 v14, v19;
	v31 =	vld.idx.msk [tilespmem:v57+s8+$0x0], $0xffff;
	[tilespmem:s15+$0xFFFFFE50] =	vst v29  }
0x1ac: {  	v36 =	vor.u32 v11, v17;
	v25 =	vld.idx.msk [tilespmem:v58+s8+$0x0], $0xffff;
	[tilespmem:s15+$0x50] =	vst v34  }
0x1ad: {  	v37 =	vor.u32 v8, v22;
	v30 =	vld.idx.msk [tilespmem:v59+s8+$0x0], $0xffff;
	[tilespmem:s17+$0xFFFFFE50] =	vst v33  }
0x1ae: {  	v38 =	vor.u32 v8, v21;
	[tilespmem:s17+$0x50] =	vst v28;
	v26 =	vld.idx.msk [tilespmem:v60+s8+$0x0], $0xffff  }
0x1af: {  	v39 =	vor.u32 v8, v24;
	[tilespmem:s13+$0xFFFFFF10] =	vst v27;
	v27 =	vld.idx.msk [tilespmem:v62+s8+$0x0], $0xffff  }
0x1b0: {  	v40 =	vld.idx.msk [tilespmem:v63+s8+$0x0], $0xffff;
	v41 =	vor.u32 v8, v23;
	[tilespmem:s13+$0x100] =	vst v31  }
0x1b1: {  	v42 =	vor.u32 v15, v20;
	v29 =	vld.idx.msk [tilespmem:v36+s8+$0x0], $0xffff;
	[tilespmem:s15+$0xFFFFFE60] =	vst v25  }
0x1b2: {  	v43 =	vor.u32 v10, v18;
	v34 =	vld.idx.msk [tilespmem:v37+s8+$0x0], $0xffff;
	[tilespmem:s15+$0x60] =	vst v30  }
0x1b3: {  	v44 =	vor.u32 v9, v22;
	v33 =	vld.idx.msk [tilespmem:v38+s8+$0x0], $0xffff;
	[tilespmem:s17+$0xFFFFFE60] =	vst v26  }
0x1b4: {  	v45 =	vor.u32 v9, v21;
	[tilespmem:s17+$0x60] =	vst v27;
	v28 =	vld.idx.msk [tilespmem:v39+s8+$0x0], $0xffff  }
0x1b5: {  	[tilespmem:s14+$0x150] =	vst v40;
	v46 =	vor.u32 v9, v24;
	v31 =	vld.idx.msk [tilespmem:v41+s8+$0x0], $0xffff  }
0x1b6: {  	[tilespmem:s13+$0xFFFFFF20] =	vst v29;
	v47 =	vld.idx.msk [tilespmem:v42+s8+$0x0], $0xffff;
	v48 =	vor.u32 v9, v23  }
0x1b7: {  	v57 =	vor.u32 v16, v20;
	v25 =	vld.idx.msk [tilespmem:v43+s8+$0x0], $0xffff;
	[tilespmem:s15+$0xFFFFFE70] =	vst v34  }
0x1b8: {  	v49 =	vor.u32 v15, v19;
	v30 =	vld.idx.msk [tilespmem:v44+s8+$0x0], $0xffff;
	[tilespmem:s15+$0x70] =	vst v33  }
0x1b9: {  	v51 =	vor.u32 v10, v22;
	v26 =	vld.idx.msk [tilespmem:v45+s8+$0x0], $0xffff;
	[tilespmem:s17+$0xFFFFFE70] =	vst v28  }
0x1ba: {  	v52 =	vor.u32 v10, v21;
	[tilespmem:s17+$0x70] =	vst v31;
	v27 =	vld.idx.msk [tilespmem:v46+s8+$0x0], $0xffff  }
0x1bb: {  	[tilespmem:s14+$0xFFFFFF60] =	vst v47;
	v53 =	vor.u32 v10, v24;
	v29 =	vld.idx.msk [tilespmem:v48+s8+$0x0], $0xffff  }
0x1bc: {  	v20 =	vld.idx.msk [tilespmem:v57+s8+$0x0], $0xffff;
	v55 =	vor.u32 v10, v23;
	[tilespmem:s13+$0x110] =	vst v25  }
0x1bd: {  	v50 =	vor.u32 v12, v17;
	v54 =	vld.idx.msk [tilespmem:v49+s8+$0x0], $0xffff;
	[tilespmem:s15+$0xFFFFFF00] =	vst v30  }
0x1be: {  	v56 =	vor.u32 v11, v18;
	v30 =	vld.idx.msk [tilespmem:v51+s8+$0x0], $0xffff;
	[tilespmem:s15+$0x100] =	vst v26  }
0x1bf: {  	v58 =	vor.u32 v11, v22;
	v28 =	vld.idx.msk [tilespmem:v52+s8+$0x0], $0xffff;
	[tilespmem:s17+$0xFFFFFF00] =	vst v27  }
0x1c0: {  	v59 =	vor.u32 v11, v21;
	[tilespmem:s17+$0x100] =	vst v29;
	v31 =	vld.idx.msk [tilespmem:v53+s8+$0x0], $0xffff  }
0x1c1: {  	[tilespmem:s14+$0xFFFFFF70] =	vst v20;
	v60 =	vor.u32 v11, v24;
	v25 =	vld.idx.msk [tilespmem:v55+s8+$0x0], $0xffff  }
0x1c2: {  	v34 =	vld.idx.msk [tilespmem:v50+s8+$0x0], $0xffff;
	[tilespmem:s14+$0x160] =	vst v54;
	v62 =	vor.u32 v11, v23  }
0x1c3: {  	v19 =	vor.u32 v16, v19;
	v61 =	vld.idx.msk [tilespmem:v56+s8+$0x0], $0xffff;
	[tilespmem:s15+$0xFFFFFF10] =	vst v30  }
0x1c4: {  	v63 =	vor.u32 v12, v18;
	v26 =	vld.idx.msk [tilespmem:v58+s8+$0x0], $0xffff;
	[tilespmem:s15+$0x110] =	vst v28  }
0x1c5: {  	v36 =	vor.u32 v12, v22;
	v27 =	vld.idx.msk [tilespmem:v59+s8+$0x0], $0xffff;
	[tilespmem:s17+$0xFFFFFF10] =	vst v31  }
0x1c6: {  	v37 =	vor.u32 v12, v21;
	[tilespmem:s17+$0x110] =	vst v25;
	v29 =	vld.idx.msk [tilespmem:v60+s8+$0x0], $0xffff  }
0x1c7: {  	v38 =	vor.u32 v12, v24;
	[tilespmem:s13+$0xFFFFFF30] =	vst v34;
	v39 =	vld.idx.msk [tilespmem:v62+s8+$0x0], $0xffff  }
0x1c8: {  	v40 =	vor.u32 v12, v23;
	v19 =	vld.idx.msk [tilespmem:v19+s8+$0x0], $0xffff;
	[tilespmem:s13+$0x120] =	vst v61  }
0x1c9: {  	v41 =	vor.u32 v13, v17;
	v30 =	vld.idx.msk [tilespmem:v63+s8+$0x0], $0xffff;
	[tilespmem:s15+$0xFFFFFF20] =	vst v26  }
0x1ca: {  	v42 =	vor.u32 v13, v18;
	v28 =	vld.idx.msk [tilespmem:v36+s8+$0x0], $0xffff;
	[tilespmem:s15+$0x120] =	vst v27  }
0x1cb: {  	v43 =	vor.u32 v13, v22;
	v31 =	vld.idx.msk [tilespmem:v37+s8+$0x0], $0xffff;
	[tilespmem:s17+$0xFFFFFF20] =	vst v29  }
0x1cc: {  	v44 =	vor.u32 v13, v21;
	[tilespmem:s17+$0x120] =	vst v39;
	v25 =	vld.idx.msk [tilespmem:v38+s8+$0x0], $0xffff  }
0x1cd: {  	[tilespmem:s14+$0x170] =	vst v19;
	v19 =	vor.u32 v13, v24;
	v20 =	vld.idx.msk [tilespmem:v40+s8+$0x0], $0xffff  }
0x1ce: {  	v45 =	vld.idx.msk [tilespmem:v41+s8+$0x0], $0xffff;
	v46 =	vor.u32 v13, v23;
	[tilespmem:s13+$0x130] =	vst v30  }
0x1cf: {  	v47 =	vor.u32 v14, v17;
	v26 =	vld.idx.msk [tilespmem:v42+s8+$0x0], $0xffff;
	[tilespmem:s15+$0xFFFFFF30] =	vst v28  }
0x1d0: {  	v48 =	vor.u32 v14, v18;
	v27 =	vld.idx.msk [tilespmem:v43+s8+$0x0], $0xffff;
	[tilespmem:s15+$0x130] =	vst v31  }
0x1d1: {  	v49 =	vor.u32 v14, v22;
	v29 =	vld.idx.msk [tilespmem:v44+s8+$0x0], $0xffff;
	[tilespmem:s17+$0xFFFFFF30] =	vst v25  }
0x1d2: {  	v50 =	vor.u32 v14, v21;
	[tilespmem:s17+$0x130] =	vst v20;
	v19 =	vld.idx.msk [tilespmem:v19+s8+$0x0], $0xffff  }
0x1d3: {  	v51 =	vor.u32 v14, v24;
	[tilespmem:s13+$0xFFFFFF40] =	vst v45;
	v30 =	vld.idx.msk [tilespmem:v46+s8+$0x0], $0xffff  }
0x1d4: {  	v52 =	vor.u32 v14, v23;
	v32 =	vld.idx.msk [tilespmem:v47+s8+$0x0], $0xffff;
	[tilespmem:s13+$0x140] =	vst v26  }
0x1d5: {  	v53 =	vor.u32 v15, v17;
	v28 =	vld.idx.msk [tilespmem:v48+s8+$0x0], $0xffff;
	[tilespmem:s15+$0xFFFFFF40] =	vst v27  }
0x1d6: {  	v54 =	vor.u32 v15, v18;
	v31 =	vld.idx.msk [tilespmem:v49+s8+$0x0], $0xffff;
	[tilespmem:s15+$0x140] =	vst v29  }
0x1d7: {  	v55 =	vor.u32 v15, v22;
	v25 =	vld.idx.msk [tilespmem:v50+s8+$0x0], $0xffff;
	[tilespmem:s17+$0xFFFFFF40] =	vst v19  }
0x1d8: {  	v19 =	vor.u32 v15, v21;
	[tilespmem:s17+$0x140] =	vst v30;
	v20 =	vld.idx.msk [tilespmem:v51+s8+$0x0], $0xffff  }
0x1d9: {  	v56 =	vor.u32 v15, v24;
	[tilespmem:s13+$0xFFFFFF50] =	vst v32;
	v26 =	vld.idx.msk [tilespmem:v52+s8+$0x0], $0xffff  }
0x1da: {  	v57 =	vor.u32 v15, v23;
	v32 =	vld.idx.msk [tilespmem:v53+s8+$0x0], $0xffff;
	[tilespmem:s13+$0x150] =	vst v28  }
0x1db: {  	v17 =	vor.u32 v16, v17;
	v27 =	vld.idx.msk [tilespmem:v54+s8+$0x0], $0xffff;
	[tilespmem:s15+$0xFFFFFF50] =	vst v31  }
0x1dc: {  	v18 =	vor.u32 v16, v18;
	v29 =	vld.idx.msk [tilespmem:v55+s8+$0x0], $0xffff;
	[tilespmem:s15+$0x150] =	vst v25  }
0x1dd: {  	v58 =	vor.u32 v16, v22;
	v19 =	vld.idx.msk [tilespmem:v19+s8+$0x0], $0xffff;
	[tilespmem:s17+$0xFFFFFF50] =	vst v20  }
0x1de: {  	v59 =	vor.u32 v16, v21;
	[tilespmem:s17+$0x150] =	vst v26;
	v60 =	vld.idx.msk [tilespmem:v56+s8+$0x0], $0xffff  }
0x1df: {  	v62 =	vor.u32 v16, v24;
	[tilespmem:s13+$0xFFFFFF60] =	vst v32;
	v61 =	vld.idx.msk [tilespmem:v57+s8+$0x0], $0xffff  }
0x1e0: {  	v63 =	vor.u32 v16, v23;
	v17 =	vld.idx.msk [tilespmem:v17+s8+$0x0], $0xffff;
	[tilespmem:s13+$0x160] =	vst v27  }
0x1e1: {  	v18 =	vld.idx.msk [tilespmem:v18+s8+$0x0], $0xffff;
	[tilespmem:s15+$0xFFFFFF60] =	vst v29  }
0x1e2: {  	[tilespmem:s15+$0x160] =	vst v19;
	v19 =	vld.idx.msk [tilespmem:v58+s8+$0x0], $0xffff  }
0x1e3: {  	v20 =	vld.idx.msk [tilespmem:v59+s8+$0x0], $0xffff;
	[tilespmem:s17+$0xFFFFFF60] =	vst v60  }
0x1e4: {  	[tilespmem:s17+$0x160] =	vst v61;
	v21 =	vld.idx.msk [tilespmem:v62+s8+$0x0], $0xffff  }
0x1e5: {  	[tilespmem:s13+$0xFFFFFF70] =	vst v17;
	v17 =	vld.idx.msk [tilespmem:v63+s8+$0x0], $0xffff  }
0x1e6: {  	[tilespmem:s13+$0x170] =	vst v18  }
0x1e7: {  	[tilespmem:s15+$0xFFFFFF70] =	vst v19  }
0x1e8: {  	[tilespmem:s15+$0x170] =	vst v20  }
0x1e9: {  	[tilespmem:s17+$0xFFFFFF70] =	vst v21  }
0x1ea: {  	s14 =	simm.s32 $0x1500;
	s13 =	simm.s32 $0x0;
	[tilespmem:s17+$0x170] =	vst v17  }
.LBB2_8:
0x1eb: {  	p0 =	sne.s32 s13, $0xFF0  }
.Ltmp3:
0x1ec: {  	_ = 	snop;
	(pc) =	sbr.rel @p0 .LBB2_8-.Ltmp3, $4  }
0x1ed: {  	_ = 	snop  }
0x1ee: {  	s15 =	sadd.s32 s13, s6  }
0x1ef: {  	[hbm4b:s15+s3] =	stream.linear.scatter [tilespmem:s14], [sflag:$0x2], $0x80, $0x38;
	[tilespmem:$0x11480] =	vst v63  }
0x1f0: {  	s13 =	sadd.s32 $0x10, s13;
	s14 =	sadd.s32 $0x100, s14  }
0x1f1: {  	s13 =	simm.s32 $0x1;
	s14 =	simm.s32 $0x101;
	s15 =	simm.s32 $0x181  }
.LBB2_10:
0x1f2: {  	_ =	swait.ge [sflag:s10], $0x8000  }
0x1f3: {  	[sflag:s10] =	ssyncset.done $0x0  }
0x1f4: {  	[sflag:s10] =	ssyncadd.s32 $0xFFFF8000  }
0x1f5: {  	v17 =	vld [tilespmem:s14+$0xFFFFFFFF];
	_ =	sdelay $0x4  }
0x1f6: {  	v18 =	vld [tilespmem:s14+$0x0];
	v17 =	vperm.xlane v17, v0;
	_ =	sdelay $0x1  }
0x1f7: {  	v23 =	vshll.u32 v17, $0x8  }
0x1f8: {  	v17 =	vor.u32 v1, v23;
	_ =	sdelay $0x1  }
0x1f9: {  	v18 =	vperm.xlane v18, v0;
	_ =	sdelay $0x1  }
0x1fa: {  	v24 =	vshll.u32 v18, $0x8  }
0x1fb: {  	v18 =	vor.u32 v1, v24;
	v17 =	vld.idx.msk [tilespmem:v17+s8+$0x0], $0xffff  }
0x1fc: {  	v19 =	vor.u32 v2, v23;
	_ =	sdelay $0x2  }
0x1fd: {  	s19 =	simm.s32 $0x1680  }
0x1fe: {  	v18 =	vld.idx.msk [tilespmem:v18+s8+$0x0], $0xffff;
	[tilespmem:s19+$0xFFFFFE00] =	vst v17  }
0x1ff: {  	v17 =	vld.idx.msk [tilespmem:v19+s8+$0x0], $0xffff;
	v19 =	vor.u32 v2, v24  }
0x200: {  	v20 =	vor.u32 v3, v23;
	_ =	sdelay $0x1  }
0x201: {  	s16 =	sadd.s32 $0x2, s14  }
0x202: {  	v21 =	vld [tilespmem:s16+$0xFFFFFFFF];
	[tilespmem:s19+$0x0] =	vst v18  }
0x203: {  	[tilespmem:s19+$0xFFFFFE10] =	vst v17;
	v17 =	vld.idx.msk [tilespmem:v19+s8+$0x0], $0xffff  }
0x204: {  	v19 =	vor.u32 v3, v24;
	v18 =	vld.idx.msk [tilespmem:v20+s8+$0x0], $0xffff  }
0x205: {  	v22 =	vor.u32 v4, v23;
	v20 =	vld [tilespmem:s16+$0x0];
	_ =	sdelay $0x2  }
0x206: {  	[tilespmem:s19+$0x10] =	vst v17  }
0x207: {  	v17 =	vperm.xlane v21, v0;
	[tilespmem:s19+$0xFFFFFE20] =	vst v18;
	v18 =	vld.idx.msk [tilespmem:v19+s8+$0x0], $0xffff  }
0x208: {  	v19 =	vperm.xlane v20, v0;
	v21 =	vld.idx.msk [tilespmem:v22+s8+$0x0], $0xffff;
	v22 =	vor.u32 v4, v24  }
0x209: {  	v20 =	vshll.u32 v17, $0x8;
	v17 =	vor.u32 v5, v23  }
0x20a: {  	v25 =	vor.u32 v1, v20;
	v19 =	vshll.u32 v19, $0x8  }
0x20b: {  	v26 =	vor.u32 v1, v19  }
0x20c: {  	[tilespmem:s19+$0x20] =	vst v18  }
0x20d: {  	[tilespmem:s19+$0xFFFFFE30] =	vst v21;
	v18 =	vld.idx.msk [tilespmem:v22+s8+$0x0], $0xffff  }
0x20e: {  	v21 =	vor.u32 v5, v24;
	v17 =	vld.idx.msk [tilespmem:v17+s8+$0x0], $0xffff  }
0x20f: {  	v22 =	vld.idx.msk [tilespmem:v25+s8+$0x0], $0xffff;
	v25 =	vor.u32 v6, v23  }
0x210: {  	v27 =	vor.u32 v2, v20;
	v26 =	vld.idx.msk [tilespmem:v26+s8+$0x0], $0xffff  }
0x211: {  	s18 =	sadd.s32 $0x2, s16  }
0x212: {  	v28 =	vor.u32 v2, v19;
	[tilespmem:s19+$0x30] =	vst v18;
	v18 =	vld [tilespmem:s18+$0xFFFFFFFF]  }
0x213: {  	s17 =	simm.s32 $0x1A80;
	[tilespmem:s19+$0xFFFFFE40] =	vst v17;
	v17 =	vld.idx.msk [tilespmem:v21+s8+$0x0], $0xffff  }
0x214: {  	[tilespmem:s17+$0xFFFFFE00] =	vst v22;
	v22 =	vor.u32 v6, v24;
	v21 =	vld.idx.msk [tilespmem:v25+s8+$0x0], $0xffff  }
0x215: {  	v25 =	vld.idx.msk [tilespmem:v27+s8+$0x0], $0xffff;
	[tilespmem:s17+$0x0] =	vst v26;
	v26 =	vor.u32 v7, v23  }
0x216: {  	v27 =	vor.u32 v3, v20  }
0x217: {  	v28 =	vld.idx.msk [tilespmem:v28+s8+$0x0], $0xffff  }
0x218: {  	v29 =	vld [tilespmem:s18+$0x0];
	v30 =	vor.u32 v3, v19;
	[tilespmem:s19+$0x40] =	vst v17  }
0x219: {  	[tilespmem:s19+$0xFFFFFE50] =	vst v21;
	v21 =	vld.idx.msk [tilespmem:v22+s8+$0x0], $0xffff  }
0x21a: {  	v17 =	vperm.xlane v18, v0;
	[tilespmem:s17+$0xFFFFFE10] =	vst v25;
	v25 =	vor.u32 v7, v24;
	v22 =	vld.idx.msk [tilespmem:v26+s8+$0x0], $0xffff  }
0x21b: {  	v26 =	vld.idx.msk [tilespmem:v27+s8+$0x0], $0xffff;
	v27 =	vor.u32 v8, v23  }
0x21c: {  	[tilespmem:s17+$0x10] =	vst v28;
	v28 =	vor.u32 v4, v20;
	v17 =	vshll.u32 v17, $0x8  }
0x21d: {  	s18 =	sadd.s32 $0x2, s18;
	v18 =	vperm.xlane v29, v0;
	v29 =	vld.idx.msk [tilespmem:v30+s8+$0x0], $0xffff;
	v31 =	vor.u32 v1, v17  }
0x21e: {  	v34 =	vld [tilespmem:s18+$0xFFFFFFFF];
	v30 =	vor.u32 v4, v19;
	[tilespmem:s19+$0x50] =	vst v21  }
0x21f: {  	v18 =	vshll.u32 v18, $0x8;
	[tilespmem:s19+$0xFFFFFE60] =	vst v22;
	v22 =	vld.idx.msk [tilespmem:v25+s8+$0x0], $0xffff  }
0x220: {  	v21 =	vor.u32 v1, v18;
	[tilespmem:s17+$0xFFFFFE20] =	vst v26;
	v25 =	vld.idx.msk [tilespmem:v27+s8+$0x0], $0xffff  }
0x221: {  	v26 =	vor.u32 v8, v24;
	v27 =	vld.idx.msk [tilespmem:v28+s8+$0x0], $0xffff  }
0x222: {  	[tilespmem:s17+$0x20] =	vst v29;
	v28 =	vor.u32 v9, v23;
	v31 =	vld.idx.msk [tilespmem:v31+s8+$0x0], $0xffff  }
0x223: {  	s21 =	sadd.s32 $0x2, s18;
	v29 =	vld.idx.msk [tilespmem:v30+s8+$0x0], $0xffff;
	v30 =	vor.u32 v5, v20  }
0x224: {  	v48 =	vld [tilespmem:s21+$0x0];
	v32 =	vor.u32 v2, v17  }
0x225: {  	v21 =	vld.idx.msk [tilespmem:v21+s8+$0x0], $0xffff;
	[tilespmem:s19+$0x60] =	vst v22  }
0x226: {  	v57 =	vor.u32 v2, v18;
	[tilespmem:s19+$0xFFFFFE70] =	vst v25;
	v22 =	vld.idx.msk [tilespmem:v26+s8+$0x0], $0xffff  }
0x227: {  	s16 =	simm.s32 $0x1E80;
	[tilespmem:s17+$0xFFFFFE30] =	vst v27;
	v26 =	vor.u32 v9, v24;
	v25 =	vld.idx.msk [tilespmem:v28+s8+$0x0], $0xffff  }
0x228: {  	[tilespmem:s16+$0xFFFFFE00] =	vst v31;
	v27 =	vld.idx.msk [tilespmem:v30+s8+$0x0], $0xffff;
	v28 =	vor.u32 v10, v23  }
0x229: {  	v33 =	vor.u32 v6, v20;
	v31 =	vld.idx.msk [tilespmem:v32+s8+$0x0], $0xffff  }
0x22a: {  	v35 =	vor.u32 v3, v17;
	v30 =	vld [tilespmem:s18+$0x0];
	[tilespmem:s16+$0x0] =	vst v21  }
0x22b: {  	v21 =	vld.idx.msk [tilespmem:v57+s8+$0x0], $0xffff;
	[tilespmem:s19+$0x70] =	vst v22;
	v22 =	vor.u32 v5, v19  }
0x22c: {  	[tilespmem:s19+$0xFFFFFF00] =	vst v25;
	v25 =	vld.idx.msk [tilespmem:v26+s8+$0x0], $0xffff  }
0x22d: {  	[tilespmem:s17+$0xFFFFFE40] =	vst v27;
	v27 =	vor.u32 v10, v24;
	v26 =	vld.idx.msk [tilespmem:v28+s8+$0x0], $0xffff  }
0x22e: {  	v58 =	vor.u32 v11, v23;
	[tilespmem:s16+$0xFFFFFE10] =	vst v31;
	v28 =	vld.idx.msk [tilespmem:v33+s8+$0x0], $0xffff  }
0x22f: {  	[tilespmem:s17+$0x30] =	vst v29;
	v31 =	vor.u32 v7, v20;
	v29 =	vld.idx.msk [tilespmem:v35+s8+$0x0], $0xffff  }
0x230: {  	v59 =	vor.u32 v3, v18;
	[tilespmem:s16+$0x10] =	vst v21;
	v22 =	vld.idx.msk [tilespmem:v22+s8+$0x0], $0xffff  }
0x231: {  	v38 =	vld [tilespmem:s21+$0xFFFFFFFF];
	[tilespmem:s19+$0x100] =	vst v25;
	v25 =	vor.u32 v6, v19  }
0x232: {  	v60 =	vor.u32 v4, v17;
	[tilespmem:s19+$0xFFFFFF10] =	vst v26;
	v26 =	vld.idx.msk [tilespmem:v27+s8+$0x0], $0xffff  }
0x233: {  	[tilespmem:s17+$0xFFFFFE50] =	vst v28;
	v28 =	vor.u32 v11, v24;
	v27 =	vld.idx.msk [tilespmem:v58+s8+$0x0], $0xffff  }
0x234: {  	v61 =	vor.u32 v12, v23;
	v62 =	vor.u32 v8, v20;
	[tilespmem:s16+$0xFFFFFE20] =	vst v29;
	v31 =	vld.idx.msk [tilespmem:v31+s8+$0x0], $0xffff  }
0x235: {  	v30 =	vperm.xlane v30, v0;
	v29 =	vld.idx.msk [tilespmem:v59+s8+$0x0], $0xffff;
	[tilespmem:s17+$0x40] =	vst v22;
	v22 =	vperm.xlane v34, v0  }
0x236: {  	v63 =	vor.u32 v4, v18;
	v25 =	vld.idx.msk [tilespmem:v25+s8+$0x0], $0xffff  }
0x237: {  	v21 =	vshll.u32 v30, $0x8;
	v30 =	vld.idx.msk [tilespmem:v60+s8+$0x0], $0xffff;
	[tilespmem:s19+$0x110] =	vst v26;
	v26 =	vor.u32 v7, v19;
	v22 =	vshll.u32 v22, $0x8  }
0x238: {  	[tilespmem:s19+$0xFFFFFF20] =	vst v27;
	v27 =	vld.idx.msk [tilespmem:v28+s8+$0x0], $0xffff;
	v41 =	vor.u32 v1, v22  }
0x239: {  	[tilespmem:s17+$0xFFFFFE60] =	vst v31;
	v31 =	vor.u32 v12, v24;
	v28 =	vld.idx.msk [tilespmem:v61+s8+$0x0], $0xffff  }
0x23a: {  	v44 =	vor.u32 v5, v17;
	[tilespmem:s16+$0x20] =	vst v29;
	v29 =	vld.idx.msk [tilespmem:v62+s8+$0x0], $0xffff  }
0x23b: {  	v43 =	vor.u32 v9, v20;
	v42 =	vld.idx.msk [tilespmem:v63+s8+$0x0], $0xffff;
	[tilespmem:s17+$0x50] =	vst v25  }
0x23c: {  	v40 =	vor.u32 v13, v23;
	[tilespmem:s16+$0xFFFFFE30] =	vst v30;
	v26 =	vld.idx.msk [tilespmem:v26+s8+$0x0], $0xffff  }
0x23d: {  	v36 =	vor.u32 v1, v21;
	[tilespmem:s19+$0x120] =	vst v27;
	v45 =	vld.idx.msk [tilespmem:v41+s8+$0x0], $0xffff  }
0x23e: {  	[tilespmem:s19+$0xFFFFFF30] =	vst v28;
	v27 =	vld.idx.msk [tilespmem:v31+s8+$0x0], $0xffff;
	v28 =	vor.u32 v8, v19  }
0x23f: {  	v46 =	vor.u32 v2, v22;
	v47 =	vld.idx.msk [tilespmem:v44+s8+$0x0], $0xffff;
	[tilespmem:s17+$0xFFFFFE70] =	vst v29  }
0x240: {  	v29 =	vor.u32 v13, v24;
	v30 =	vld.idx.msk [tilespmem:v43+s8+$0x0], $0xffff  }
0x241: {  	v37 =	vor.u32 v10, v20;
	s18 =	simm.s32 $0x2280;
	v31 =	vld.idx.msk [tilespmem:v40+s8+$0x0], $0xffff;
	[tilespmem:s17+$0x60] =	vst v26  }
0x242: {  	v25 =	vld.idx.msk [tilespmem:v36+s8+$0x0], $0xffff;
	v26 =	vor.u32 v6, v17;
	[tilespmem:s18+$0xFFFFFE00] =	vst v45  }
0x243: {  	v28 =	vld.idx.msk [tilespmem:v28+s8+$0x0], $0xffff;
	[tilespmem:s19+$0x130] =	vst v27;
	v27 =	vor.u32 v14, v23  }
0x244: {  	v49 =	vor.u32 v9, v19;
	[tilespmem:s16+$0xFFFFFE40] =	vst v47;
	v33 =	vld.idx.msk [tilespmem:v46+s8+$0x0], $0xffff  }
0x245: {  	v29 =	vld.idx.msk [tilespmem:v29+s8+$0x0], $0xffff;
	[tilespmem:s17+$0xFFFFFF00] =	vst v30;
	v30 =	vor.u32 v2, v21  }
0x246: {  	[tilespmem:s19+$0xFFFFFF40] =	vst v31;
	v31 =	vor.u32 v3, v22;
	v51 =	vld.idx.msk [tilespmem:v37+s8+$0x0], $0xffff  }
0x247: {  	v50 =	vor.u32 v14, v24;
	[tilespmem:s16+$0x30] =	vst v42;
	v26 =	vld.idx.msk [tilespmem:v26+s8+$0x0], $0xffff  }
0x248: {  	v52 =	vor.u32 v11, v20;
	[tilespmem:s17+$0x70] =	vst v28;
	v27 =	vld.idx.msk [tilespmem:v27+s8+$0x0], $0xffff  }
0x249: {  	[tilespmem:s18+$0x0] =	vst v25;
	v28 =	vor.u32 v5, v18;
	v34 =	vld.idx.msk [tilespmem:v49+s8+$0x0], $0xffff  }
0x24a: {  	v25 =	vor.u32 v15, v23;
	[tilespmem:s18+$0xFFFFFE10] =	vst v33;
	v30 =	vld.idx.msk [tilespmem:v30+s8+$0x0], $0xffff  }
0x24b: {  	v53 =	vor.u32 v10, v19;
	[tilespmem:s19+$0x140] =	vst v29;
	v31 =	vld.idx.msk [tilespmem:v31+s8+$0x0], $0xffff  }
0x24c: {  	v55 =	vor.u32 v3, v21;
	v29 =	vld.idx.msk [tilespmem:v50+s8+$0x0], $0xffff;
	[tilespmem:s17+$0xFFFFFF10] =	vst v51  }
0x24d: {  	v54 =	vor.u32 v15, v24;
	[tilespmem:s16+$0xFFFFFE50] =	vst v26;
	v35 =	vld.idx.msk [tilespmem:v52+s8+$0x0], $0xffff  }
0x24e: {  	v26 =	vor.u32 v7, v17;
	v28 =	vld.idx.msk [tilespmem:v28+s8+$0x0], $0xffff;
	[tilespmem:s19+$0xFFFFFF50] =	vst v27  }
0x24f: {  	v27 =	vor.u32 v4, v22;
	[tilespmem:s17+$0x100] =	vst v34;
	v25 =	vld.idx.msk [tilespmem:v25+s8+$0x0], $0xffff  }
0x250: {  	v56 =	vor.u32 v6, v18;
	[tilespmem:s18+$0x10] =	vst v30;
	v32 =	vld.idx.msk [tilespmem:v53+s8+$0x0], $0xffff  }
0x251: {  	[tilespmem:s19+$0x150] =	vst v29;
	v29 =	vor.u32 v12, v20;
	v57 =	vld.idx.msk [tilespmem:v55+s8+$0x0], $0xffff  }
0x252: {  	[tilespmem:s18+$0xFFFFFE20] =	vst v31;
	v31 =	vor.u32 v11, v19;
	v30 =	vld.idx.msk [tilespmem:v54+s8+$0x0], $0xffff  }
0x253: {  	v58 =	vor.u32 v16, v23;
	v26 =	vld.idx.msk [tilespmem:v26+s8+$0x0], $0xffff;
	[tilespmem:s17+$0xFFFFFF20] =	vst v35  }
0x254: {  	v59 =	vor.u32 v8, v17;
	v23 =	vperm.xlane v48, v0;
	v27 =	vld.idx.msk [tilespmem:v27+s8+$0x0], $0xffff;
	[tilespmem:s16+$0x40] =	vst v28  }
0x255: {  	v28 =	vor.u32 v4, v21;
	v34 =	vld.idx.msk [tilespmem:v56+s8+$0x0], $0xffff;
	[tilespmem:s19+$0xFFFFFF60] =	vst v25  }
0x256: {  	v23 =	vshll.u32 v23, $0x8;
	v25 =	vor.u32 v16, v24;
	v29 =	vld.idx.msk [tilespmem:v29+s8+$0x0], $0xffff;
	[tilespmem:s17+$0x110] =	vst v32  }
0x257: {  	v60 =	vor.u32 v1, v23;
	[tilespmem:s18+$0x20] =	vst v57;
	v31 =	vld.idx.msk [tilespmem:v31+s8+$0x0], $0xffff  }
0x258: {  	v61 =	vor.u32 v7, v18;
	v24 =	vperm.xlane v38, v0;
	[tilespmem:s16+$0xFFFFFE60] =	vst v26;
	v26 =	vld.idx.msk [tilespmem:v58+s8+$0x0], $0xffff  }
0x259: {  	v39 =	vor.u32 v13, v20;
	[tilespmem:s19+$0x160] =	vst v30;
	v36 =	vld.idx.msk [tilespmem:v59+s8+$0x0], $0xffff  }
0x25a: {  	v62 =	vor.u32 v12, v19;
	v24 =	vshll.u32 v24, $0x8;
	[tilespmem:s18+$0xFFFFFE30] =	vst v27;
	v63 =	vld.idx.msk [tilespmem:v28+s8+$0x0], $0xffff  }
0x25b: {  	v40 =	vor.u32 v1, v24;
	[tilespmem:s16+$0x50] =	vst v34;
	v30 =	vld.idx.msk [tilespmem:v25+s8+$0x0], $0xffff  }
0x25c: {  	v33 =	vor.u32 v9, v17;
	v25 =	vld.idx.msk [tilespmem:v60+s8+$0x0], $0xffff;
	[tilespmem:s17+$0xFFFFFF30] =	vst v29  }
0x25d: {  	v32 =	vor.u32 v5, v22;
	v28 =	vld.idx.msk [tilespmem:v61+s8+$0x0], $0xffff;
	[tilespmem:s17+$0x120] =	vst v31  }
0x25e: {  	[tilespmem:s19+$0xFFFFFF70] =	vst v26;
	v29 =	vld.idx.msk [tilespmem:v39+s8+$0x0], $0xffff  }
0x25f: {  	v31 =	vor.u32 v8, v18;
	v27 =	vld.idx.msk [tilespmem:v62+s8+$0x0], $0xffff;
	[tilespmem:s16+$0xFFFFFE70] =	vst v36  }
0x260: {  	s22 =	simm.s32 $0x8;
	s20 =	simm.s32 $0x2680;
	v26 =	vor.u32 v13, v19;
	v34 =	vld.idx.msk [tilespmem:v40+s8+$0x0], $0xffff;
	[tilespmem:s18+$0x30] =	vst v63  }
.LBB2_11:
0x261: {  	s22 =	sadd.s32 $0x2, s22;
	s21 =	sadd.s32 $0x2, s21;
	v33 =	vld.idx.msk [tilespmem:v33+s8+$0x0], $0xffff;
	[tilespmem:s19+$0x170] =	vst v30;
	s19 =	smov.u32 s17  }
0x262: {  	v30 =	vor.u32 v2, v24;
	s17 =	smov.u32 s16;
	s16 =	smov.u32 s18;
	p0 =	slt.u32 s22, $0x7E;
	v32 =	vld.idx.msk [tilespmem:v32+s8+$0x0], $0xffff  }
0x263: {  	v36 =	vor.u32 v10, v17;
	s18 =	smov.u32 s20;
	v35 =	vld [tilespmem:s21+$0x0];
	[tilespmem:s17+$0x60] =	vst v28  }
0x264: {  	v28 =	vor.u32 v6, v22;
	v31 =	vld.idx.msk [tilespmem:v31+s8+$0x0], $0xffff;
	[tilespmem:s19+$0x130] =	vst v27  }
0x265: {  	v27 =	vor.u32 v9, v18;
	[tilespmem:s19+$0xFFFFFF40] =	vst v29;
	v29 =	vor.u32 v14, v20;
	v26 =	vld.idx.msk [tilespmem:v26+s8+$0x0], $0xffff  }
0x266: {  	v37 =	vld [tilespmem:s21+$0xFFFFFFFF];
	[tilespmem:s20+$0xFFFFFE00] =	vst v34;
	v34 =	vor.u32 v14, v19  }
0x267: {  	v30 =	vld.idx.msk [tilespmem:v30+s8+$0x0], $0xffff;
	[tilespmem:s17+$0xFFFFFF00] =	vst v33  }
0x268: {  	v33 =	vor.u32 v2, v23;
	[tilespmem:s16+$0xFFFFFE40] =	vst v32;
	v32 =	vld.idx.msk [tilespmem:v36+s8+$0x0], $0xffff  }
0x269: {  	v36 =	vor.u32 v3, v24;
	v28 =	vld.idx.msk [tilespmem:v28+s8+$0x0], $0xffff  }
0x26a: {  	v38 =	vor.u32 v11, v17;
	[tilespmem:s17+$0x70] =	vst v31;
	v29 =	vld.idx.msk [tilespmem:v29+s8+$0x0], $0xffff  }
0x26b: {  	v31 =	vor.u32 v5, v21;
	v27 =	vld.idx.msk [tilespmem:v27+s8+$0x0], $0xffff;
	[tilespmem:s19+$0x140] =	vst v26  }
0x26c: {  	v26 =	vor.u32 v15, v20;
	[tilespmem:s20+$0x0] =	vst v25;
	v25 =	vor.u32 v10, v18;
	v34 =	vld.idx.msk [tilespmem:v34+s8+$0x0], $0xffff  }
0x26d: {  	[tilespmem:s20+$0xFFFFFE10] =	vst v30;
	v30 =	vld.idx.msk [tilespmem:v33+s8+$0x0], $0xffff;
	v33 =	vor.u32 v15, v19  }
0x26e: {  	v36 =	vld.idx.msk [tilespmem:v36+s8+$0x0], $0xffff;
	[tilespmem:s17+$0xFFFFFF10] =	vst v32  }
0x26f: {  	[tilespmem:s16+$0xFFFFFE50] =	vst v28;
	v28 =	vor.u32 v7, v22;
	v32 =	vld.idx.msk [tilespmem:v38+s8+$0x0], $0xffff  }
0x270: {  	v38 =	vor.u32 v3, v23;
	v31 =	vld.idx.msk [tilespmem:v31+s8+$0x0], $0xffff;
	[tilespmem:s19+$0xFFFFFF50] =	vst v29  }
0x271: {  	v29 =	vperm.xlane v37, v0;
	v37 =	vor.u32 v4, v24;
	[tilespmem:s17+$0x100] =	vst v27;
	v26 =	vld.idx.msk [tilespmem:v26+s8+$0x0], $0xffff  }
0x272: {  	v27 =	vperm.xlane v35, v0;
	v35 =	vor.u32 v6, v21;
	v25 =	vld.idx.msk [tilespmem:v25+s8+$0x0], $0xffff;
	[tilespmem:s19+$0x150] =	vst v34  }
0x273: {  	v29 =	vshll.u32 v29, $0x8;
	[tilespmem:s20+$0x10] =	vst v30;
	v30 =	vor.u32 v12, v17;
	v33 =	vld.idx.msk [tilespmem:v33+s8+$0x0], $0xffff  }
0x274: {  	v34 =	vor.u32 v1, v29;
	v27 =	vshll.u32 v27, $0x8;
	[tilespmem:s20+$0xFFFFFE20] =	vst v36;
	v28 =	vld.idx.msk [tilespmem:v28+s8+$0x0], $0xffff;
	v36 =	vor.u32 v11, v18  }
0x275: {  	v39 =	vor.u32 v1, v27;
	v38 =	vld.idx.msk [tilespmem:v38+s8+$0x0], $0xffff;
	[tilespmem:s17+$0xFFFFFF20] =	vst v32;
	v32 =	vor.u32 v16, v20;
	v20 =	vmov v17  }
0x276: {  	v40 =	vor.u32 v8, v22;
	v17 =	vmovc v22;
	v22 =	vmov v24;
	v24 =	vmov v29;
	v37 =	vld.idx.msk [tilespmem:v37+s8+$0x0], $0xffff;
	[tilespmem:s16+$0x40] =	vst v31  }
0x277: {  	v29 =	vor.u32 v4, v23;
	v31 =	vld.idx.msk [tilespmem:v35+s8+$0x0], $0xffff;
	[tilespmem:s19+$0xFFFFFF60] =	vst v26;
	v26 =	vor.u32 v16, v19;
	v19 =	vmov v18  }
0x278: {  	v18 =	vmov v21;
	v21 =	vmov v23;
	v23 =	vmov v27;
	v35 =	vld.idx.msk [tilespmem:v30+s8+$0x0], $0xffff;
	[tilespmem:s17+$0x110] =	vst v25  }
0x279: {  	v27 =	vor.u32 v7, v18;
	v36 =	vld.idx.msk [tilespmem:v36+s8+$0x0], $0xffff;
	[tilespmem:s19+$0x160] =	vst v33  }
0x27a: {  	v41 =	vor.u32 v12, v19;
	[tilespmem:s16+$0xFFFFFE60] =	vst v28;
	v42 =	vld.idx.msk [tilespmem:v32+s8+$0x0], $0xffff  }
0x27b: {  	[tilespmem:s20+$0x20] =	vst v38;
	v38 =	vld.idx.msk [tilespmem:v40+s8+$0x0], $0xffff  }
0x27c: {  	[tilespmem:s20+$0xFFFFFE30] =	vst v37;
	v37 =	vld.idx.msk [tilespmem:v29+s8+$0x0], $0xffff;
	v29 =	vor.u32 v13, v20  }
0x27d: {  	[tilespmem:s16+$0x50] =	vst v31;
	v30 =	vld.idx.msk [tilespmem:v26+s8+$0x0], $0xffff  }
.Ltmp4:
0x27e: {  	v33 =	vor.u32 v9, v17;
	s20 =	sadd.s32 $0x400, s20;
	v25 =	vld.idx.msk [tilespmem:v39+s8+$0x0], $0xffff;
	[tilespmem:s17+$0xFFFFFF30] =	vst v35;
	(pc) =	sbr.rel @p0 .LBB2_11-.Ltmp4, $4  }
0x27f: {  	v32 =	vor.u32 v5, v22;
	v28 =	vld.idx.msk [tilespmem:v27+s8+$0x0], $0xffff;
	[tilespmem:s17+$0x120] =	vst v36  }
0x280: {  	v31 =	vor.u32 v8, v18;
	v27 =	vld.idx.msk [tilespmem:v41+s8+$0x0], $0xffff;
	[tilespmem:s19+$0xFFFFFF70] =	vst v42  }
0x281: {  	v26 =	vor.u32 v13, v19;
	[tilespmem:s16+$0xFFFFFE70] =	vst v38;
	v29 =	vld.idx.msk [tilespmem:v29+s8+$0x0], $0xffff  }
0x282: {  	v34 =	vld.idx.msk [tilespmem:v34+s8+$0x0], $0xffff;
	[tilespmem:s18+$0x30] =	vst v37  }
0x283: {  	v35 =	vor.u32 v2, v24  }
0x284: {  	v36 =	vor.u32 v2, v23;
	_ =	sdelay $0x2  }
0x285: {  	[tilespmem:s20+$0xFFFFFE00] =	vst v34  }
0x286: {  	[tilespmem:s20+$0x0] =	vst v25;
	v34 =	vld.idx.msk [tilespmem:v35+s8+$0x0], $0xffff  }
0x287: {  	v41 =	vor.u32 v3, v24;
	v42 =	vld.idx.msk [tilespmem:v36+s8+$0x0], $0xffff  }
0x288: {  	v43 =	vor.u32 v3, v23;
	_ =	sdelay $0x2  }
0x289: {  	[tilespmem:s20+$0xFFFFFE10] =	vst v34  }
0x28a: {  	[tilespmem:s20+$0x10] =	vst v42;
	v25 =	vld.idx.msk [tilespmem:v41+s8+$0x0], $0xffff  }
0x28b: {  	v44 =	vor.u32 v4, v24;
	v35 =	vld.idx.msk [tilespmem:v43+s8+$0x0], $0xffff  }
0x28c: {  	v45 =	vor.u32 v4, v23;
	_ =	sdelay $0x2  }
0x28d: {  	[tilespmem:s20+$0xFFFFFE20] =	vst v25  }
0x28e: {  	v46 =	vor.u32 v5, v21;
	[tilespmem:s20+$0x20] =	vst v35;
	v34 =	vld.idx.msk [tilespmem:v44+s8+$0x0], $0xffff  }
0x28f: {  	[tilespmem:s19+$0x170] =	vst v30;
	v48 =	vor.u32 v5, v24;
	v47 =	vld.idx.msk [tilespmem:v45+s8+$0x0], $0xffff  }
0x290: {  	v33 =	vld.idx.msk [tilespmem:v33+s8+$0x0], $0xffff;
	v49 =	vor.u32 v5, v23;
	[tilespmem:s16+$0x60] =	vst v28  }
0x291: {  	v32 =	vld.idx.msk [tilespmem:v32+s8+$0x0], $0xffff;
	[tilespmem:s17+$0x130] =	vst v27  }
0x292: {  	v56 =	vor.u32 v14, v20;
	v31 =	vld.idx.msk [tilespmem:v31+s8+$0x0], $0xffff;
	[tilespmem:s17+$0xFFFFFF40] =	vst v29  }
0x293: {  	v51 =	vor.u32 v6, v22;
	v25 =	vld.idx.msk [tilespmem:v46+s8+$0x0], $0xffff;
	[tilespmem:s20+$0xFFFFFE30] =	vst v34  }
0x294: {  	v52 =	vor.u32 v6, v21;
	[tilespmem:s20+$0x30] =	vst v47;
	v53 =	vld.idx.msk [tilespmem:v48+s8+$0x0], $0xffff  }
0x295: {  	v54 =	vor.u32 v6, v24;
	[tilespmem:s16+$0xFFFFFF00] =	vst v33;
	v28 =	vld.idx.msk [tilespmem:v49+s8+$0x0], $0xffff  }
0x296: {  	v55 =	vor.u32 v6, v23;
	v26 =	vld.idx.msk [tilespmem:v26+s8+$0x0], $0xffff;
	[tilespmem:s18+$0xFFFFFE40] =	vst v32  }
0x297: {  	v50 =	vor.u32 v10, v17;
	v61 =	vld.idx.msk [tilespmem:v56+s8+$0x0], $0xffff;
	[tilespmem:s16+$0x70] =	vst v31  }
0x298: {  	v57 =	vor.u32 v9, v18;
	v29 =	vld.idx.msk [tilespmem:v51+s8+$0x0], $0xffff;
	[tilespmem:s18+$0x40] =	vst v25  }
0x299: {  	v58 =	vor.u32 v7, v22;
	v34 =	vld.idx.msk [tilespmem:v52+s8+$0x0], $0xffff;
	[tilespmem:s20+$0xFFFFFE40] =	vst v53  }
0x29a: {  	v59 =	vor.u32 v7, v21;
	[tilespmem:s20+$0x40] =	vst v28;
	v33 =	vld.idx.msk [tilespmem:v54+s8+$0x0], $0xffff  }
0x29b: {  	v60 =	vor.u32 v7, v24;
	[tilespmem:s17+$0x140] =	vst v26;
	v28 =	vld.idx.msk [tilespmem:v55+s8+$0x0], $0xffff  }
0x29c: {  	v62 =	vor.u32 v7, v23;
	v27 =	vld.idx.msk [tilespmem:v50+s8+$0x0], $0xffff;
	[tilespmem:s17+$0xFFFFFF50] =	vst v61  }
0x29d: {  	v63 =	vor.u32 v14, v19;
	v31 =	vld.idx.msk [tilespmem:v57+s8+$0x0], $0xffff;
	[tilespmem:s18+$0xFFFFFE50] =	vst v29  }
0x29e: {  	v36 =	vor.u32 v11, v17;
	v25 =	vld.idx.msk [tilespmem:v58+s8+$0x0], $0xffff;
	[tilespmem:s18+$0x50] =	vst v34  }
0x29f: {  	v37 =	vor.u32 v8, v22;
	v30 =	vld.idx.msk [tilespmem:v59+s8+$0x0], $0xffff;
	[tilespmem:s20+$0xFFFFFE50] =	vst v33  }
0x2a0: {  	v38 =	vor.u32 v8, v21;
	[tilespmem:s20+$0x50] =	vst v28;
	v26 =	vld.idx.msk [tilespmem:v60+s8+$0x0], $0xffff  }
0x2a1: {  	v39 =	vor.u32 v8, v24;
	[tilespmem:s16+$0xFFFFFF10] =	vst v27;
	v27 =	vld.idx.msk [tilespmem:v62+s8+$0x0], $0xffff  }
0x2a2: {  	v40 =	vld.idx.msk [tilespmem:v63+s8+$0x0], $0xffff;
	v41 =	vor.u32 v8, v23;
	[tilespmem:s16+$0x100] =	vst v31  }
0x2a3: {  	v42 =	vor.u32 v15, v20;
	v29 =	vld.idx.msk [tilespmem:v36+s8+$0x0], $0xffff;
	[tilespmem:s18+$0xFFFFFE60] =	vst v25  }
0x2a4: {  	v43 =	vor.u32 v10, v18;
	v34 =	vld.idx.msk [tilespmem:v37+s8+$0x0], $0xffff;
	[tilespmem:s18+$0x60] =	vst v30  }
0x2a5: {  	v44 =	vor.u32 v9, v22;
	v33 =	vld.idx.msk [tilespmem:v38+s8+$0x0], $0xffff;
	[tilespmem:s20+$0xFFFFFE60] =	vst v26  }
0x2a6: {  	v45 =	vor.u32 v9, v21;
	[tilespmem:s20+$0x60] =	vst v27;
	v28 =	vld.idx.msk [tilespmem:v39+s8+$0x0], $0xffff  }
0x2a7: {  	[tilespmem:s17+$0x150] =	vst v40;
	v46 =	vor.u32 v9, v24;
	v31 =	vld.idx.msk [tilespmem:v41+s8+$0x0], $0xffff  }
0x2a8: {  	[tilespmem:s16+$0xFFFFFF20] =	vst v29;
	v47 =	vld.idx.msk [tilespmem:v42+s8+$0x0], $0xffff;
	v48 =	vor.u32 v9, v23  }
0x2a9: {  	v57 =	vor.u32 v16, v20;
	v25 =	vld.idx.msk [tilespmem:v43+s8+$0x0], $0xffff;
	[tilespmem:s18+$0xFFFFFE70] =	vst v34  }
0x2aa: {  	v49 =	vor.u32 v15, v19;
	v30 =	vld.idx.msk [tilespmem:v44+s8+$0x0], $0xffff;
	[tilespmem:s18+$0x70] =	vst v33  }
0x2ab: {  	v51 =	vor.u32 v10, v22;
	v26 =	vld.idx.msk [tilespmem:v45+s8+$0x0], $0xffff;
	[tilespmem:s20+$0xFFFFFE70] =	vst v28  }
0x2ac: {  	v52 =	vor.u32 v10, v21;
	[tilespmem:s20+$0x70] =	vst v31;
	v27 =	vld.idx.msk [tilespmem:v46+s8+$0x0], $0xffff  }
0x2ad: {  	[tilespmem:s17+$0xFFFFFF60] =	vst v47;
	v53 =	vor.u32 v10, v24;
	v29 =	vld.idx.msk [tilespmem:v48+s8+$0x0], $0xffff  }
0x2ae: {  	v20 =	vld.idx.msk [tilespmem:v57+s8+$0x0], $0xffff;
	v55 =	vor.u32 v10, v23;
	[tilespmem:s16+$0x110] =	vst v25  }
0x2af: {  	v50 =	vor.u32 v12, v17;
	v54 =	vld.idx.msk [tilespmem:v49+s8+$0x0], $0xffff;
	[tilespmem:s18+$0xFFFFFF00] =	vst v30  }
0x2b0: {  	v56 =	vor.u32 v11, v18;
	v30 =	vld.idx.msk [tilespmem:v51+s8+$0x0], $0xffff;
	[tilespmem:s18+$0x100] =	vst v26  }
0x2b1: {  	v58 =	vor.u32 v11, v22;
	v28 =	vld.idx.msk [tilespmem:v52+s8+$0x0], $0xffff;
	[tilespmem:s20+$0xFFFFFF00] =	vst v27  }
0x2b2: {  	v59 =	vor.u32 v11, v21;
	[tilespmem:s20+$0x100] =	vst v29;
	v31 =	vld.idx.msk [tilespmem:v53+s8+$0x0], $0xffff  }
0x2b3: {  	[tilespmem:s17+$0xFFFFFF70] =	vst v20;
	v60 =	vor.u32 v11, v24;
	v25 =	vld.idx.msk [tilespmem:v55+s8+$0x0], $0xffff  }
0x2b4: {  	v34 =	vld.idx.msk [tilespmem:v50+s8+$0x0], $0xffff;
	[tilespmem:s17+$0x160] =	vst v54;
	v62 =	vor.u32 v11, v23  }
0x2b5: {  	v19 =	vor.u32 v16, v19;
	v61 =	vld.idx.msk [tilespmem:v56+s8+$0x0], $0xffff;
	[tilespmem:s18+$0xFFFFFF10] =	vst v30  }
0x2b6: {  	v63 =	vor.u32 v12, v18;
	v26 =	vld.idx.msk [tilespmem:v58+s8+$0x0], $0xffff;
	[tilespmem:s18+$0x110] =	vst v28  }
0x2b7: {  	v36 =	vor.u32 v12, v22;
	v27 =	vld.idx.msk [tilespmem:v59+s8+$0x0], $0xffff;
	[tilespmem:s20+$0xFFFFFF10] =	vst v31  }
0x2b8: {  	v37 =	vor.u32 v12, v21;
	[tilespmem:s20+$0x110] =	vst v25;
	v29 =	vld.idx.msk [tilespmem:v60+s8+$0x0], $0xffff  }
0x2b9: {  	v38 =	vor.u32 v12, v24;
	[tilespmem:s16+$0xFFFFFF30] =	vst v34;
	v39 =	vld.idx.msk [tilespmem:v62+s8+$0x0], $0xffff  }
0x2ba: {  	v40 =	vor.u32 v12, v23;
	v19 =	vld.idx.msk [tilespmem:v19+s8+$0x0], $0xffff;
	[tilespmem:s16+$0x120] =	vst v61  }
0x2bb: {  	v41 =	vor.u32 v13, v17;
	v30 =	vld.idx.msk [tilespmem:v63+s8+$0x0], $0xffff;
	[tilespmem:s18+$0xFFFFFF20] =	vst v26  }
0x2bc: {  	v42 =	vor.u32 v13, v18;
	v28 =	vld.idx.msk [tilespmem:v36+s8+$0x0], $0xffff;
	[tilespmem:s18+$0x120] =	vst v27  }
0x2bd: {  	v43 =	vor.u32 v13, v22;
	v31 =	vld.idx.msk [tilespmem:v37+s8+$0x0], $0xffff;
	[tilespmem:s20+$0xFFFFFF20] =	vst v29  }
0x2be: {  	v44 =	vor.u32 v13, v21;
	[tilespmem:s20+$0x120] =	vst v39;
	v25 =	vld.idx.msk [tilespmem:v38+s8+$0x0], $0xffff  }
0x2bf: {  	[tilespmem:s17+$0x170] =	vst v19;
	v19 =	vor.u32 v13, v24;
	v20 =	vld.idx.msk [tilespmem:v40+s8+$0x0], $0xffff  }
0x2c0: {  	v45 =	vld.idx.msk [tilespmem:v41+s8+$0x0], $0xffff;
	v46 =	vor.u32 v13, v23;
	[tilespmem:s16+$0x130] =	vst v30  }
0x2c1: {  	v47 =	vor.u32 v14, v17;
	v26 =	vld.idx.msk [tilespmem:v42+s8+$0x0], $0xffff;
	[tilespmem:s18+$0xFFFFFF30] =	vst v28  }
0x2c2: {  	v48 =	vor.u32 v14, v18;
	v27 =	vld.idx.msk [tilespmem:v43+s8+$0x0], $0xffff;
	[tilespmem:s18+$0x130] =	vst v31  }
0x2c3: {  	v49 =	vor.u32 v14, v22;
	v29 =	vld.idx.msk [tilespmem:v44+s8+$0x0], $0xffff;
	[tilespmem:s20+$0xFFFFFF30] =	vst v25  }
0x2c4: {  	v50 =	vor.u32 v14, v21;
	[tilespmem:s20+$0x130] =	vst v20;
	v19 =	vld.idx.msk [tilespmem:v19+s8+$0x0], $0xffff  }
0x2c5: {  	v51 =	vor.u32 v14, v24;
	[tilespmem:s16+$0xFFFFFF40] =	vst v45;
	v30 =	vld.idx.msk [tilespmem:v46+s8+$0x0], $0xffff  }
0x2c6: {  	v52 =	vor.u32 v14, v23;
	v32 =	vld.idx.msk [tilespmem:v47+s8+$0x0], $0xffff;
	[tilespmem:s16+$0x140] =	vst v26  }
0x2c7: {  	v53 =	vor.u32 v15, v17;
	v28 =	vld.idx.msk [tilespmem:v48+s8+$0x0], $0xffff;
	[tilespmem:s18+$0xFFFFFF40] =	vst v27  }
0x2c8: {  	v54 =	vor.u32 v15, v18;
	v31 =	vld.idx.msk [tilespmem:v49+s8+$0x0], $0xffff;
	[tilespmem:s18+$0x140] =	vst v29  }
0x2c9: {  	v55 =	vor.u32 v15, v22;
	v25 =	vld.idx.msk [tilespmem:v50+s8+$0x0], $0xffff;
	[tilespmem:s20+$0xFFFFFF40] =	vst v19  }
0x2ca: {  	v19 =	vor.u32 v15, v21;
	[tilespmem:s20+$0x140] =	vst v30;
	v20 =	vld.idx.msk [tilespmem:v51+s8+$0x0], $0xffff  }
0x2cb: {  	v56 =	vor.u32 v15, v24;
	[tilespmem:s16+$0xFFFFFF50] =	vst v32;
	v26 =	vld.idx.msk [tilespmem:v52+s8+$0x0], $0xffff  }
0x2cc: {  	v57 =	vor.u32 v15, v23;
	v32 =	vld.idx.msk [tilespmem:v53+s8+$0x0], $0xffff;
	[tilespmem:s16+$0x150] =	vst v28  }
0x2cd: {  	v17 =	vor.u32 v16, v17;
	v27 =	vld.idx.msk [tilespmem:v54+s8+$0x0], $0xffff;
	[tilespmem:s18+$0xFFFFFF50] =	vst v31  }
0x2ce: {  	v18 =	vor.u32 v16, v18;
	v29 =	vld.idx.msk [tilespmem:v55+s8+$0x0], $0xffff;
	[tilespmem:s18+$0x150] =	vst v25  }
0x2cf: {  	v58 =	vor.u32 v16, v22;
	v19 =	vld.idx.msk [tilespmem:v19+s8+$0x0], $0xffff;
	[tilespmem:s20+$0xFFFFFF50] =	vst v20  }
0x2d0: {  	v59 =	vor.u32 v16, v21;
	[tilespmem:s20+$0x150] =	vst v26;
	v60 =	vld.idx.msk [tilespmem:v56+s8+$0x0], $0xffff  }
0x2d1: {  	v62 =	vor.u32 v16, v24;
	[tilespmem:s16+$0xFFFFFF60] =	vst v32;
	v61 =	vld.idx.msk [tilespmem:v57+s8+$0x0], $0xffff  }
0x2d2: {  	v63 =	vor.u32 v16, v23;
	v17 =	vld.idx.msk [tilespmem:v17+s8+$0x0], $0xffff;
	[tilespmem:s16+$0x160] =	vst v27  }
0x2d3: {  	v18 =	vld.idx.msk [tilespmem:v18+s8+$0x0], $0xffff;
	[tilespmem:s18+$0xFFFFFF60] =	vst v29  }
0x2d4: {  	[tilespmem:s18+$0x160] =	vst v19;
	v19 =	vld.idx.msk [tilespmem:v58+s8+$0x0], $0xffff  }
0x2d5: {  	v20 =	vld.idx.msk [tilespmem:v59+s8+$0x0], $0xffff;
	[tilespmem:s20+$0xFFFFFF60] =	vst v60  }
0x2d6: {  	[tilespmem:s20+$0x160] =	vst v61;
	v21 =	vld.idx.msk [tilespmem:v62+s8+$0x0], $0xffff  }
0x2d7: {  	[tilespmem:s16+$0xFFFFFF70] =	vst v17;
	v17 =	vld.idx.msk [tilespmem:v63+s8+$0x0], $0xffff  }
0x2d8: {  	[tilespmem:s16+$0x170] =	vst v18  }
0x2d9: {  	[tilespmem:s18+$0xFFFFFF70] =	vst v19  }
0x2da: {  	s31 =	sshll.u32 s13, $0xD;
	[tilespmem:s18+$0x170] =	vst v20  }
0x2db: {  	s19 =	simm.s32 $0x1580;
	s16 =	sadd.s32 s31, s4;
	[tilespmem:s20+$0xFFFFFF70] =	vst v21  }
0x2dc: {  	s17 =	simm.s32 $0x1480;
	s18 =	simm.s32 $0x10;
	[tilespmem:s20+$0x170] =	vst v17;
	s20 =	sadd.s32 $0x0, s16  }
.LBB2_13:
0x2dd: {  	[hbm4b:s20+s3] =	stream.linear.scatter [tilespmem:s17], [sflag:$0x1], $0x80, $0x38;
	[tilespmem:$0x11480] =	vst v63  }
0x2de: {  	s20 =	smov.u32 s18;
	s17 =	smov.u32 s19;
	p0 =	sne.s32 s18, $0xFF0  }
.Ltmp5:
0x2df: {  	s18 =	sadd.s32 $0x10, s18;
	(pc) =	sbr.rel @p0 .LBB2_13-.Ltmp5, $2  }
0x2e0: {  	_ =	sdelay $0x2  }
0x2e1: {  	s19 =	sadd.s32 $0x100, s19;
	s20 =	sadd.s32 s20, s16  }
0x2e2: {  	[hbm4b:s20+s3] =	stream.linear.scatter [tilespmem:s17], [sflag:$0x1], $0x80, $0x38;
	[tilespmem:$0x11480] =	vst v63  }
0x2e3: {  	_ =	swait.ge [sflag:s11], $0x8000  }
0x2e4: {  	[sflag:s11] =	ssyncset.done $0x0  }
0x2e5: {  	[sflag:s11] =	ssyncadd.s32 $0xFFFF8000  }
0x2e6: {  	v17 =	vld [tilespmem:s15+$0xFFFFFFFF];
	_ =	sdelay $0x4  }
0x2e7: {  	v18 =	vld [tilespmem:s15+$0x0];
	v17 =	vperm.xlane v17, v0;
	_ =	sdelay $0x1  }
0x2e8: {  	v23 =	vshll.u32 v17, $0x8  }
0x2e9: {  	v17 =	vor.u32 v1, v23;
	_ =	sdelay $0x1  }
0x2ea: {  	v18 =	vperm.xlane v18, v0;
	_ =	sdelay $0x1  }
0x2eb: {  	v24 =	vshll.u32 v18, $0x8  }
0x2ec: {  	v18 =	vor.u32 v1, v24;
	v17 =	vld.idx.msk [tilespmem:v17+s8+$0x0], $0xffff  }
0x2ed: {  	v19 =	vor.u32 v2, v23;
	_ =	sdelay $0x2  }
0x2ee: {  	s19 =	simm.s32 $0x1700  }
0x2ef: {  	v18 =	vld.idx.msk [tilespmem:v18+s8+$0x0], $0xffff;
	[tilespmem:s19+$0xFFFFFE00] =	vst v17  }
0x2f0: {  	v17 =	vld.idx.msk [tilespmem:v19+s8+$0x0], $0xffff;
	v19 =	vor.u32 v2, v24  }
0x2f1: {  	v20 =	vor.u32 v3, v23;
	_ =	sdelay $0x1  }
0x2f2: {  	s16 =	sadd.s32 $0x2, s15  }
0x2f3: {  	v21 =	vld [tilespmem:s16+$0xFFFFFFFF];
	[tilespmem:s19+$0x0] =	vst v18  }
0x2f4: {  	[tilespmem:s19+$0xFFFFFE10] =	vst v17;
	v17 =	vld.idx.msk [tilespmem:v19+s8+$0x0], $0xffff  }
0x2f5: {  	v19 =	vor.u32 v3, v24;
	v18 =	vld.idx.msk [tilespmem:v20+s8+$0x0], $0xffff  }
0x2f6: {  	v22 =	vor.u32 v4, v23;
	v20 =	vld [tilespmem:s16+$0x0];
	_ =	sdelay $0x2  }
0x2f7: {  	[tilespmem:s19+$0x10] =	vst v17  }
0x2f8: {  	v17 =	vperm.xlane v21, v0;
	[tilespmem:s19+$0xFFFFFE20] =	vst v18;
	v18 =	vld.idx.msk [tilespmem:v19+s8+$0x0], $0xffff  }
0x2f9: {  	v19 =	vperm.xlane v20, v0;
	v21 =	vld.idx.msk [tilespmem:v22+s8+$0x0], $0xffff;
	v22 =	vor.u32 v4, v24  }
0x2fa: {  	v20 =	vshll.u32 v17, $0x8;
	v17 =	vor.u32 v5, v23  }
0x2fb: {  	v25 =	vor.u32 v1, v20;
	v19 =	vshll.u32 v19, $0x8  }
0x2fc: {  	v26 =	vor.u32 v1, v19  }
0x2fd: {  	[tilespmem:s19+$0x20] =	vst v18  }
0x2fe: {  	[tilespmem:s19+$0xFFFFFE30] =	vst v21;
	v18 =	vld.idx.msk [tilespmem:v22+s8+$0x0], $0xffff  }
0x2ff: {  	v21 =	vor.u32 v5, v24;
	v17 =	vld.idx.msk [tilespmem:v17+s8+$0x0], $0xffff  }
0x300: {  	v22 =	vld.idx.msk [tilespmem:v25+s8+$0x0], $0xffff;
	v25 =	vor.u32 v6, v23  }
0x301: {  	v27 =	vor.u32 v2, v20;
	v26 =	vld.idx.msk [tilespmem:v26+s8+$0x0], $0xffff  }
0x302: {  	s18 =	sadd.s32 $0x2, s16  }
0x303: {  	v28 =	vor.u32 v2, v19;
	[tilespmem:s19+$0x30] =	vst v18;
	v18 =	vld [tilespmem:s18+$0xFFFFFFFF]  }
0x304: {  	s17 =	simm.s32 $0x1B00;
	[tilespmem:s19+$0xFFFFFE40] =	vst v17;
	v17 =	vld.idx.msk [tilespmem:v21+s8+$0x0], $0xffff  }
0x305: {  	[tilespmem:s17+$0xFFFFFE00] =	vst v22;
	v22 =	vor.u32 v6, v24;
	v21 =	vld.idx.msk [tilespmem:v25+s8+$0x0], $0xffff  }
0x306: {  	v25 =	vld.idx.msk [tilespmem:v27+s8+$0x0], $0xffff;
	[tilespmem:s17+$0x0] =	vst v26;
	v26 =	vor.u32 v7, v23  }
0x307: {  	v27 =	vor.u32 v3, v20  }
0x308: {  	v28 =	vld.idx.msk [tilespmem:v28+s8+$0x0], $0xffff  }
0x309: {  	v29 =	vld [tilespmem:s18+$0x0];
	v30 =	vor.u32 v3, v19;
	[tilespmem:s19+$0x40] =	vst v17  }
0x30a: {  	[tilespmem:s19+$0xFFFFFE50] =	vst v21;
	v21 =	vld.idx.msk [tilespmem:v22+s8+$0x0], $0xffff  }
0x30b: {  	v17 =	vperm.xlane v18, v0;
	[tilespmem:s17+$0xFFFFFE10] =	vst v25;
	v25 =	vor.u32 v7, v24;
	v22 =	vld.idx.msk [tilespmem:v26+s8+$0x0], $0xffff  }
0x30c: {  	v26 =	vld.idx.msk [tilespmem:v27+s8+$0x0], $0xffff;
	v27 =	vor.u32 v8, v23  }
0x30d: {  	[tilespmem:s17+$0x10] =	vst v28;
	v28 =	vor.u32 v4, v20;
	v17 =	vshll.u32 v17, $0x8  }
0x30e: {  	s18 =	sadd.s32 $0x2, s18;
	v18 =	vperm.xlane v29, v0;
	v29 =	vld.idx.msk [tilespmem:v30+s8+$0x0], $0xffff;
	v31 =	vor.u32 v1, v17  }
0x30f: {  	v34 =	vld [tilespmem:s18+$0xFFFFFFFF];
	v30 =	vor.u32 v4, v19;
	[tilespmem:s19+$0x50] =	vst v21  }
0x310: {  	v18 =	vshll.u32 v18, $0x8;
	[tilespmem:s19+$0xFFFFFE60] =	vst v22;
	v22 =	vld.idx.msk [tilespmem:v25+s8+$0x0], $0xffff  }
0x311: {  	v21 =	vor.u32 v1, v18;
	[tilespmem:s17+$0xFFFFFE20] =	vst v26;
	v25 =	vld.idx.msk [tilespmem:v27+s8+$0x0], $0xffff  }
0x312: {  	v26 =	vor.u32 v8, v24;
	v27 =	vld.idx.msk [tilespmem:v28+s8+$0x0], $0xffff  }
0x313: {  	[tilespmem:s17+$0x20] =	vst v29;
	v28 =	vor.u32 v9, v23;
	v31 =	vld.idx.msk [tilespmem:v31+s8+$0x0], $0xffff  }
0x314: {  	s22 =	sadd.s32 $0x2, s18;
	v29 =	vld.idx.msk [tilespmem:v30+s8+$0x0], $0xffff;
	v30 =	vor.u32 v5, v20  }
0x315: {  	v48 =	vld [tilespmem:s22+$0x0];
	v32 =	vor.u32 v2, v17  }
0x316: {  	v21 =	vld.idx.msk [tilespmem:v21+s8+$0x0], $0xffff;
	[tilespmem:s19+$0x60] =	vst v22  }
0x317: {  	v57 =	vor.u32 v2, v18;
	[tilespmem:s19+$0xFFFFFE70] =	vst v25;
	v22 =	vld.idx.msk [tilespmem:v26+s8+$0x0], $0xffff  }
0x318: {  	s16 =	simm.s32 $0x1F00;
	[tilespmem:s17+$0xFFFFFE30] =	vst v27;
	v26 =	vor.u32 v9, v24;
	v25 =	vld.idx.msk [tilespmem:v28+s8+$0x0], $0xffff  }
0x319: {  	[tilespmem:s16+$0xFFFFFE00] =	vst v31;
	v27 =	vld.idx.msk [tilespmem:v30+s8+$0x0], $0xffff;
	v28 =	vor.u32 v10, v23  }
0x31a: {  	v33 =	vor.u32 v6, v20;
	v31 =	vld.idx.msk [tilespmem:v32+s8+$0x0], $0xffff  }
0x31b: {  	v35 =	vor.u32 v3, v17;
	v30 =	vld [tilespmem:s18+$0x0];
	[tilespmem:s16+$0x0] =	vst v21  }
0x31c: {  	v21 =	vld.idx.msk [tilespmem:v57+s8+$0x0], $0xffff;
	[tilespmem:s19+$0x70] =	vst v22;
	v22 =	vor.u32 v5, v19  }
0x31d: {  	[tilespmem:s19+$0xFFFFFF00] =	vst v25;
	v25 =	vld.idx.msk [tilespmem:v26+s8+$0x0], $0xffff  }
0x31e: {  	[tilespmem:s17+$0xFFFFFE40] =	vst v27;
	v27 =	vor.u32 v10, v24;
	v26 =	vld.idx.msk [tilespmem:v28+s8+$0x0], $0xffff  }
0x31f: {  	v58 =	vor.u32 v11, v23;
	[tilespmem:s16+$0xFFFFFE10] =	vst v31;
	v28 =	vld.idx.msk [tilespmem:v33+s8+$0x0], $0xffff  }
0x320: {  	[tilespmem:s17+$0x30] =	vst v29;
	v31 =	vor.u32 v7, v20;
	v29 =	vld.idx.msk [tilespmem:v35+s8+$0x0], $0xffff  }
0x321: {  	v59 =	vor.u32 v3, v18;
	[tilespmem:s16+$0x10] =	vst v21;
	v22 =	vld.idx.msk [tilespmem:v22+s8+$0x0], $0xffff  }
0x322: {  	v38 =	vld [tilespmem:s22+$0xFFFFFFFF];
	[tilespmem:s19+$0x100] =	vst v25;
	v25 =	vor.u32 v6, v19  }
0x323: {  	v60 =	vor.u32 v4, v17;
	[tilespmem:s19+$0xFFFFFF10] =	vst v26;
	v26 =	vld.idx.msk [tilespmem:v27+s8+$0x0], $0xffff  }
0x324: {  	[tilespmem:s17+$0xFFFFFE50] =	vst v28;
	v28 =	vor.u32 v11, v24;
	v27 =	vld.idx.msk [tilespmem:v58+s8+$0x0], $0xffff  }
0x325: {  	v61 =	vor.u32 v12, v23;
	v62 =	vor.u32 v8, v20;
	[tilespmem:s16+$0xFFFFFE20] =	vst v29;
	v31 =	vld.idx.msk [tilespmem:v31+s8+$0x0], $0xffff  }
0x326: {  	v30 =	vperm.xlane v30, v0;
	v29 =	vld.idx.msk [tilespmem:v59+s8+$0x0], $0xffff;
	[tilespmem:s17+$0x40] =	vst v22;
	v22 =	vperm.xlane v34, v0  }
0x327: {  	v63 =	vor.u32 v4, v18;
	v25 =	vld.idx.msk [tilespmem:v25+s8+$0x0], $0xffff  }
0x328: {  	v21 =	vshll.u32 v30, $0x8;
	v30 =	vld.idx.msk [tilespmem:v60+s8+$0x0], $0xffff;
	[tilespmem:s19+$0x110] =	vst v26;
	v26 =	vor.u32 v7, v19;
	v22 =	vshll.u32 v22, $0x8  }
0x329: {  	[tilespmem:s19+$0xFFFFFF20] =	vst v27;
	v27 =	vld.idx.msk [tilespmem:v28+s8+$0x0], $0xffff;
	v41 =	vor.u32 v1, v22  }
0x32a: {  	[tilespmem:s17+$0xFFFFFE60] =	vst v31;
	v31 =	vor.u32 v12, v24;
	v28 =	vld.idx.msk [tilespmem:v61+s8+$0x0], $0xffff  }
0x32b: {  	v44 =	vor.u32 v5, v17;
	[tilespmem:s16+$0x20] =	vst v29;
	v29 =	vld.idx.msk [tilespmem:v62+s8+$0x0], $0xffff  }
0x32c: {  	v43 =	vor.u32 v9, v20;
	v42 =	vld.idx.msk [tilespmem:v63+s8+$0x0], $0xffff;
	[tilespmem:s17+$0x50] =	vst v25  }
0x32d: {  	v40 =	vor.u32 v13, v23;
	[tilespmem:s16+$0xFFFFFE30] =	vst v30;
	v26 =	vld.idx.msk [tilespmem:v26+s8+$0x0], $0xffff  }
0x32e: {  	v36 =	vor.u32 v1, v21;
	[tilespmem:s19+$0x120] =	vst v27;
	v45 =	vld.idx.msk [tilespmem:v41+s8+$0x0], $0xffff  }
0x32f: {  	[tilespmem:s19+$0xFFFFFF30] =	vst v28;
	v27 =	vld.idx.msk [tilespmem:v31+s8+$0x0], $0xffff;
	v28 =	vor.u32 v8, v19  }
0x330: {  	v46 =	vor.u32 v2, v22;
	v47 =	vld.idx.msk [tilespmem:v44+s8+$0x0], $0xffff;
	[tilespmem:s17+$0xFFFFFE70] =	vst v29  }
0x331: {  	v29 =	vor.u32 v13, v24;
	v30 =	vld.idx.msk [tilespmem:v43+s8+$0x0], $0xffff  }
0x332: {  	v37 =	vor.u32 v10, v20;
	s18 =	simm.s32 $0x2300;
	v31 =	vld.idx.msk [tilespmem:v40+s8+$0x0], $0xffff;
	[tilespmem:s17+$0x60] =	vst v26  }
0x333: {  	v25 =	vld.idx.msk [tilespmem:v36+s8+$0x0], $0xffff;
	v26 =	vor.u32 v6, v17;
	[tilespmem:s18+$0xFFFFFE00] =	vst v45  }
0x334: {  	v28 =	vld.idx.msk [tilespmem:v28+s8+$0x0], $0xffff;
	[tilespmem:s19+$0x130] =	vst v27;
	v27 =	vor.u32 v14, v23  }
0x335: {  	v49 =	vor.u32 v9, v19;
	[tilespmem:s16+$0xFFFFFE40] =	vst v47;
	v33 =	vld.idx.msk [tilespmem:v46+s8+$0x0], $0xffff  }
0x336: {  	v29 =	vld.idx.msk [tilespmem:v29+s8+$0x0], $0xffff;
	[tilespmem:s17+$0xFFFFFF00] =	vst v30;
	v30 =	vor.u32 v2, v21  }
0x337: {  	[tilespmem:s19+$0xFFFFFF40] =	vst v31;
	v31 =	vor.u32 v3, v22;
	v51 =	vld.idx.msk [tilespmem:v37+s8+$0x0], $0xffff  }
0x338: {  	v50 =	vor.u32 v14, v24;
	[tilespmem:s16+$0x30] =	vst v42;
	v26 =	vld.idx.msk [tilespmem:v26+s8+$0x0], $0xffff  }
0x339: {  	v52 =	vor.u32 v11, v20;
	[tilespmem:s17+$0x70] =	vst v28;
	v27 =	vld.idx.msk [tilespmem:v27+s8+$0x0], $0xffff  }
0x33a: {  	[tilespmem:s18+$0x0] =	vst v25;
	v28 =	vor.u32 v5, v18;
	v34 =	vld.idx.msk [tilespmem:v49+s8+$0x0], $0xffff  }
0x33b: {  	v25 =	vor.u32 v15, v23;
	[tilespmem:s18+$0xFFFFFE10] =	vst v33;
	v30 =	vld.idx.msk [tilespmem:v30+s8+$0x0], $0xffff  }
0x33c: {  	v53 =	vor.u32 v10, v19;
	[tilespmem:s19+$0x140] =	vst v29;
	v31 =	vld.idx.msk [tilespmem:v31+s8+$0x0], $0xffff  }
0x33d: {  	v55 =	vor.u32 v3, v21;
	v29 =	vld.idx.msk [tilespmem:v50+s8+$0x0], $0xffff;
	[tilespmem:s17+$0xFFFFFF10] =	vst v51  }
0x33e: {  	v54 =	vor.u32 v15, v24;
	[tilespmem:s16+$0xFFFFFE50] =	vst v26;
	v35 =	vld.idx.msk [tilespmem:v52+s8+$0x0], $0xffff  }
0x33f: {  	v26 =	vor.u32 v7, v17;
	v28 =	vld.idx.msk [tilespmem:v28+s8+$0x0], $0xffff;
	[tilespmem:s19+$0xFFFFFF50] =	vst v27  }
0x340: {  	v27 =	vor.u32 v4, v22;
	[tilespmem:s17+$0x100] =	vst v34;
	v25 =	vld.idx.msk [tilespmem:v25+s8+$0x0], $0xffff  }
0x341: {  	v56 =	vor.u32 v6, v18;
	[tilespmem:s18+$0x10] =	vst v30;
	v32 =	vld.idx.msk [tilespmem:v53+s8+$0x0], $0xffff  }
0x342: {  	[tilespmem:s19+$0x150] =	vst v29;
	v29 =	vor.u32 v12, v20;
	v57 =	vld.idx.msk [tilespmem:v55+s8+$0x0], $0xffff  }
0x343: {  	[tilespmem:s18+$0xFFFFFE20] =	vst v31;
	v31 =	vor.u32 v11, v19;
	v30 =	vld.idx.msk [tilespmem:v54+s8+$0x0], $0xffff  }
0x344: {  	v58 =	vor.u32 v16, v23;
	v26 =	vld.idx.msk [tilespmem:v26+s8+$0x0], $0xffff;
	[tilespmem:s17+$0xFFFFFF20] =	vst v35  }
0x345: {  	v59 =	vor.u32 v8, v17;
	v23 =	vperm.xlane v48, v0;
	v27 =	vld.idx.msk [tilespmem:v27+s8+$0x0], $0xffff;
	[tilespmem:s16+$0x40] =	vst v28  }
0x346: {  	v28 =	vor.u32 v4, v21;
	v34 =	vld.idx.msk [tilespmem:v56+s8+$0x0], $0xffff;
	[tilespmem:s19+$0xFFFFFF60] =	vst v25  }
0x347: {  	v23 =	vshll.u32 v23, $0x8;
	v25 =	vor.u32 v16, v24;
	v29 =	vld.idx.msk [tilespmem:v29+s8+$0x0], $0xffff;
	[tilespmem:s17+$0x110] =	vst v32  }
0x348: {  	v60 =	vor.u32 v1, v23;
	[tilespmem:s18+$0x20] =	vst v57;
	v31 =	vld.idx.msk [tilespmem:v31+s8+$0x0], $0xffff  }
0x349: {  	v61 =	vor.u32 v7, v18;
	v24 =	vperm.xlane v38, v0;
	[tilespmem:s16+$0xFFFFFE60] =	vst v26;
	v26 =	vld.idx.msk [tilespmem:v58+s8+$0x0], $0xffff  }
0x34a: {  	v39 =	vor.u32 v13, v20;
	[tilespmem:s19+$0x160] =	vst v30;
	v36 =	vld.idx.msk [tilespmem:v59+s8+$0x0], $0xffff  }
0x34b: {  	v62 =	vor.u32 v12, v19;
	v24 =	vshll.u32 v24, $0x8;
	[tilespmem:s18+$0xFFFFFE30] =	vst v27;
	v63 =	vld.idx.msk [tilespmem:v28+s8+$0x0], $0xffff  }
0x34c: {  	v40 =	vor.u32 v1, v24;
	[tilespmem:s16+$0x50] =	vst v34;
	v30 =	vld.idx.msk [tilespmem:v25+s8+$0x0], $0xffff  }
0x34d: {  	v33 =	vor.u32 v9, v17;
	v25 =	vld.idx.msk [tilespmem:v60+s8+$0x0], $0xffff;
	[tilespmem:s17+$0xFFFFFF30] =	vst v29  }
0x34e: {  	v32 =	vor.u32 v5, v22;
	v28 =	vld.idx.msk [tilespmem:v61+s8+$0x0], $0xffff;
	[tilespmem:s17+$0x120] =	vst v31  }
0x34f: {  	[tilespmem:s19+$0xFFFFFF70] =	vst v26;
	v29 =	vld.idx.msk [tilespmem:v39+s8+$0x0], $0xffff  }
0x350: {  	v31 =	vor.u32 v8, v18;
	v27 =	vld.idx.msk [tilespmem:v62+s8+$0x0], $0xffff;
	[tilespmem:s16+$0xFFFFFE70] =	vst v36  }
0x351: {  	s21 =	sshllo.u32 s13, $0x1;
	s23 =	simm.s32 $0x8;
	s20 =	simm.s32 $0x2700;
	v26 =	vor.u32 v13, v19;
	v34 =	vld.idx.msk [tilespmem:v40+s8+$0x0], $0xffff;
	[tilespmem:s18+$0x30] =	vst v63  }
.LBB2_15:
0x352: {  	s23 =	sadd.s32 $0x2, s23;
	s22 =	sadd.s32 $0x2, s22;
	v33 =	vld.idx.msk [tilespmem:v33+s8+$0x0], $0xffff;
	[tilespmem:s19+$0x170] =	vst v30;
	s19 =	smov.u32 s17  }
0x353: {  	v30 =	vor.u32 v2, v24;
	s17 =	smov.u32 s16;
	s16 =	smov.u32 s18;
	p0 =	slt.u32 s23, $0x7E;
	v32 =	vld.idx.msk [tilespmem:v32+s8+$0x0], $0xffff  }
0x354: {  	v36 =	vor.u32 v10, v17;
	s18 =	smov.u32 s20;
	v35 =	vld [tilespmem:s22+$0x0];
	[tilespmem:s17+$0x60] =	vst v28  }
0x355: {  	v28 =	vor.u32 v6, v22;
	v31 =	vld.idx.msk [tilespmem:v31+s8+$0x0], $0xffff;
	[tilespmem:s19+$0x130] =	vst v27  }
0x356: {  	v27 =	vor.u32 v9, v18;
	[tilespmem:s19+$0xFFFFFF40] =	vst v29;
	v29 =	vor.u32 v14, v20;
	v26 =	vld.idx.msk [tilespmem:v26+s8+$0x0], $0xffff  }
0x357: {  	v37 =	vld [tilespmem:s22+$0xFFFFFFFF];
	[tilespmem:s20+$0xFFFFFE00] =	vst v34;
	v34 =	vor.u32 v14, v19  }
0x358: {  	v30 =	vld.idx.msk [tilespmem:v30+s8+$0x0], $0xffff;
	[tilespmem:s17+$0xFFFFFF00] =	vst v33  }
0x359: {  	v33 =	vor.u32 v2, v23;
	[tilespmem:s16+$0xFFFFFE40] =	vst v32;
	v32 =	vld.idx.msk [tilespmem:v36+s8+$0x0], $0xffff  }
0x35a: {  	v36 =	vor.u32 v3, v24;
	v28 =	vld.idx.msk [tilespmem:v28+s8+$0x0], $0xffff  }
0x35b: {  	v38 =	vor.u32 v11, v17;
	[tilespmem:s17+$0x70] =	vst v31;
	v29 =	vld.idx.msk [tilespmem:v29+s8+$0x0], $0xffff  }
0x35c: {  	v31 =	vor.u32 v5, v21;
	v27 =	vld.idx.msk [tilespmem:v27+s8+$0x0], $0xffff;
	[tilespmem:s19+$0x140] =	vst v26  }
0x35d: {  	v26 =	vor.u32 v15, v20;
	[tilespmem:s20+$0x0] =	vst v25;
	v25 =	vor.u32 v10, v18;
	v34 =	vld.idx.msk [tilespmem:v34+s8+$0x0], $0xffff  }
0x35e: {  	[tilespmem:s20+$0xFFFFFE10] =	vst v30;
	v30 =	vld.idx.msk [tilespmem:v33+s8+$0x0], $0xffff;
	v33 =	vor.u32 v15, v19  }
0x35f: {  	v36 =	vld.idx.msk [tilespmem:v36+s8+$0x0], $0xffff;
	[tilespmem:s17+$0xFFFFFF10] =	vst v32  }
0x360: {  	[tilespmem:s16+$0xFFFFFE50] =	vst v28;
	v28 =	vor.u32 v7, v22;
	v32 =	vld.idx.msk [tilespmem:v38+s8+$0x0], $0xffff  }
0x361: {  	v38 =	vor.u32 v3, v23;
	v31 =	vld.idx.msk [tilespmem:v31+s8+$0x0], $0xffff;
	[tilespmem:s19+$0xFFFFFF50] =	vst v29  }
0x362: {  	v29 =	vperm.xlane v37, v0;
	v37 =	vor.u32 v4, v24;
	[tilespmem:s17+$0x100] =	vst v27;
	v26 =	vld.idx.msk [tilespmem:v26+s8+$0x0], $0xffff  }
0x363: {  	v27 =	vperm.xlane v35, v0;
	v35 =	vor.u32 v6, v21;
	v25 =	vld.idx.msk [tilespmem:v25+s8+$0x0], $0xffff;
	[tilespmem:s19+$0x150] =	vst v34  }
0x364: {  	v29 =	vshll.u32 v29, $0x8;
	[tilespmem:s20+$0x10] =	vst v30;
	v30 =	vor.u32 v12, v17;
	v33 =	vld.idx.msk [tilespmem:v33+s8+$0x0], $0xffff  }
0x365: {  	v34 =	vor.u32 v1, v29;
	v27 =	vshll.u32 v27, $0x8;
	[tilespmem:s20+$0xFFFFFE20] =	vst v36;
	v28 =	vld.idx.msk [tilespmem:v28+s8+$0x0], $0xffff;
	v36 =	vor.u32 v11, v18  }
0x366: {  	v39 =	vor.u32 v1, v27;
	v38 =	vld.idx.msk [tilespmem:v38+s8+$0x0], $0xffff;
	[tilespmem:s17+$0xFFFFFF20] =	vst v32;
	v32 =	vor.u32 v16, v20;
	v20 =	vmov v17  }
0x367: {  	v40 =	vor.u32 v8, v22;
	v17 =	vmovc v22;
	v22 =	vmov v24;
	v24 =	vmov v29;
	v37 =	vld.idx.msk [tilespmem:v37+s8+$0x0], $0xffff;
	[tilespmem:s16+$0x40] =	vst v31  }
0x368: {  	v29 =	vor.u32 v4, v23;
	v31 =	vld.idx.msk [tilespmem:v35+s8+$0x0], $0xffff;
	[tilespmem:s19+$0xFFFFFF60] =	vst v26;
	v26 =	vor.u32 v16, v19;
	v19 =	vmov v18  }
0x369: {  	v18 =	vmov v21;
	v21 =	vmov v23;
	v23 =	vmov v27;
	v35 =	vld.idx.msk [tilespmem:v30+s8+$0x0], $0xffff;
	[tilespmem:s17+$0x110] =	vst v25  }
0x36a: {  	v27 =	vor.u32 v7, v18;
	v36 =	vld.idx.msk [tilespmem:v36+s8+$0x0], $0xffff;
	[tilespmem:s19+$0x160] =	vst v33  }
0x36b: {  	v41 =	vor.u32 v12, v19;
	[tilespmem:s16+$0xFFFFFE60] =	vst v28;
	v42 =	vld.idx.msk [tilespmem:v32+s8+$0x0], $0xffff  }
0x36c: {  	[tilespmem:s20+$0x20] =	vst v38;
	v38 =	vld.idx.msk [tilespmem:v40+s8+$0x0], $0xffff  }
0x36d: {  	[tilespmem:s20+$0xFFFFFE30] =	vst v37;
	v37 =	vld.idx.msk [tilespmem:v29+s8+$0x0], $0xffff;
	v29 =	vor.u32 v13, v20  }
0x36e: {  	[tilespmem:s16+$0x50] =	vst v31;
	v30 =	vld.idx.msk [tilespmem:v26+s8+$0x0], $0xffff  }
.Ltmp6:
0x36f: {  	v33 =	vor.u32 v9, v17;
	s20 =	sadd.s32 $0x400, s20;
	v25 =	vld.idx.msk [tilespmem:v39+s8+$0x0], $0xffff;
	[tilespmem:s17+$0xFFFFFF30] =	vst v35;
	(pc) =	sbr.rel @p0 .LBB2_15-.Ltmp6, $4  }
0x370: {  	v32 =	vor.u32 v5, v22;
	v28 =	vld.idx.msk [tilespmem:v27+s8+$0x0], $0xffff;
	[tilespmem:s17+$0x120] =	vst v36  }
0x371: {  	v31 =	vor.u32 v8, v18;
	v27 =	vld.idx.msk [tilespmem:v41+s8+$0x0], $0xffff;
	[tilespmem:s19+$0xFFFFFF70] =	vst v42  }
0x372: {  	v26 =	vor.u32 v13, v19;
	[tilespmem:s16+$0xFFFFFE70] =	vst v38;
	v29 =	vld.idx.msk [tilespmem:v29+s8+$0x0], $0xffff  }
0x373: {  	v34 =	vld.idx.msk [tilespmem:v34+s8+$0x0], $0xffff;
	[tilespmem:s18+$0x30] =	vst v37  }
0x374: {  	v35 =	vor.u32 v2, v24  }
0x375: {  	v36 =	vor.u32 v2, v23;
	_ =	sdelay $0x2  }
0x376: {  	[tilespmem:s20+$0xFFFFFE00] =	vst v34  }
0x377: {  	[tilespmem:s20+$0x0] =	vst v25;
	v34 =	vld.idx.msk [tilespmem:v35+s8+$0x0], $0xffff  }
0x378: {  	v41 =	vor.u32 v3, v24;
	v42 =	vld.idx.msk [tilespmem:v36+s8+$0x0], $0xffff  }
0x379: {  	v43 =	vor.u32 v3, v23;
	_ =	sdelay $0x2  }
0x37a: {  	[tilespmem:s20+$0xFFFFFE10] =	vst v34  }
0x37b: {  	[tilespmem:s20+$0x10] =	vst v42;
	v25 =	vld.idx.msk [tilespmem:v41+s8+$0x0], $0xffff  }
0x37c: {  	v44 =	vor.u32 v4, v24;
	v35 =	vld.idx.msk [tilespmem:v43+s8+$0x0], $0xffff  }
0x37d: {  	v45 =	vor.u32 v4, v23;
	_ =	sdelay $0x2  }
0x37e: {  	[tilespmem:s20+$0xFFFFFE20] =	vst v25  }
0x37f: {  	v46 =	vor.u32 v5, v21;
	[tilespmem:s20+$0x20] =	vst v35;
	v34 =	vld.idx.msk [tilespmem:v44+s8+$0x0], $0xffff  }
0x380: {  	[tilespmem:s19+$0x170] =	vst v30;
	v48 =	vor.u32 v5, v24;
	v47 =	vld.idx.msk [tilespmem:v45+s8+$0x0], $0xffff  }
0x381: {  	v33 =	vld.idx.msk [tilespmem:v33+s8+$0x0], $0xffff;
	v49 =	vor.u32 v5, v23;
	[tilespmem:s16+$0x60] =	vst v28  }
0x382: {  	v32 =	vld.idx.msk [tilespmem:v32+s8+$0x0], $0xffff;
	[tilespmem:s17+$0x130] =	vst v27  }
0x383: {  	v56 =	vor.u32 v14, v20;
	v31 =	vld.idx.msk [tilespmem:v31+s8+$0x0], $0xffff;
	[tilespmem:s17+$0xFFFFFF40] =	vst v29  }
0x384: {  	v51 =	vor.u32 v6, v22;
	v25 =	vld.idx.msk [tilespmem:v46+s8+$0x0], $0xffff;
	[tilespmem:s20+$0xFFFFFE30] =	vst v34  }
0x385: {  	v52 =	vor.u32 v6, v21;
	[tilespmem:s20+$0x30] =	vst v47;
	v53 =	vld.idx.msk [tilespmem:v48+s8+$0x0], $0xffff  }
0x386: {  	v54 =	vor.u32 v6, v24;
	[tilespmem:s16+$0xFFFFFF00] =	vst v33;
	v28 =	vld.idx.msk [tilespmem:v49+s8+$0x0], $0xffff  }
0x387: {  	v55 =	vor.u32 v6, v23;
	v26 =	vld.idx.msk [tilespmem:v26+s8+$0x0], $0xffff;
	[tilespmem:s18+$0xFFFFFE40] =	vst v32  }
0x388: {  	v50 =	vor.u32 v10, v17;
	v61 =	vld.idx.msk [tilespmem:v56+s8+$0x0], $0xffff;
	[tilespmem:s16+$0x70] =	vst v31  }
0x389: {  	v57 =	vor.u32 v9, v18;
	v29 =	vld.idx.msk [tilespmem:v51+s8+$0x0], $0xffff;
	[tilespmem:s18+$0x40] =	vst v25  }
0x38a: {  	v58 =	vor.u32 v7, v22;
	v34 =	vld.idx.msk [tilespmem:v52+s8+$0x0], $0xffff;
	[tilespmem:s20+$0xFFFFFE40] =	vst v53  }
0x38b: {  	v59 =	vor.u32 v7, v21;
	[tilespmem:s20+$0x40] =	vst v28;
	v33 =	vld.idx.msk [tilespmem:v54+s8+$0x0], $0xffff  }
0x38c: {  	v60 =	vor.u32 v7, v24;
	[tilespmem:s17+$0x140] =	vst v26;
	v28 =	vld.idx.msk [tilespmem:v55+s8+$0x0], $0xffff  }
0x38d: {  	v62 =	vor.u32 v7, v23;
	v27 =	vld.idx.msk [tilespmem:v50+s8+$0x0], $0xffff;
	[tilespmem:s17+$0xFFFFFF50] =	vst v61  }
0x38e: {  	v63 =	vor.u32 v14, v19;
	v31 =	vld.idx.msk [tilespmem:v57+s8+$0x0], $0xffff;
	[tilespmem:s18+$0xFFFFFE50] =	vst v29  }
0x38f: {  	v36 =	vor.u32 v11, v17;
	v25 =	vld.idx.msk [tilespmem:v58+s8+$0x0], $0xffff;
	[tilespmem:s18+$0x50] =	vst v34  }
0x390: {  	v37 =	vor.u32 v8, v22;
	v30 =	vld.idx.msk [tilespmem:v59+s8+$0x0], $0xffff;
	[tilespmem:s20+$0xFFFFFE50] =	vst v33  }
0x391: {  	v38 =	vor.u32 v8, v21;
	[tilespmem:s20+$0x50] =	vst v28;
	v26 =	vld.idx.msk [tilespmem:v60+s8+$0x0], $0xffff  }
0x392: {  	v39 =	vor.u32 v8, v24;
	[tilespmem:s16+$0xFFFFFF10] =	vst v27;
	v27 =	vld.idx.msk [tilespmem:v62+s8+$0x0], $0xffff  }
0x393: {  	v40 =	vld.idx.msk [tilespmem:v63+s8+$0x0], $0xffff;
	v41 =	vor.u32 v8, v23;
	[tilespmem:s16+$0x100] =	vst v31  }
0x394: {  	v42 =	vor.u32 v15, v20;
	v29 =	vld.idx.msk [tilespmem:v36+s8+$0x0], $0xffff;
	[tilespmem:s18+$0xFFFFFE60] =	vst v25  }
0x395: {  	v43 =	vor.u32 v10, v18;
	v34 =	vld.idx.msk [tilespmem:v37+s8+$0x0], $0xffff;
	[tilespmem:s18+$0x60] =	vst v30  }
0x396: {  	v44 =	vor.u32 v9, v22;
	v33 =	vld.idx.msk [tilespmem:v38+s8+$0x0], $0xffff;
	[tilespmem:s20+$0xFFFFFE60] =	vst v26  }
0x397: {  	v45 =	vor.u32 v9, v21;
	[tilespmem:s20+$0x60] =	vst v27;
	v28 =	vld.idx.msk [tilespmem:v39+s8+$0x0], $0xffff  }
0x398: {  	[tilespmem:s17+$0x150] =	vst v40;
	v46 =	vor.u32 v9, v24;
	v31 =	vld.idx.msk [tilespmem:v41+s8+$0x0], $0xffff  }
0x399: {  	[tilespmem:s16+$0xFFFFFF20] =	vst v29;
	v47 =	vld.idx.msk [tilespmem:v42+s8+$0x0], $0xffff;
	v48 =	vor.u32 v9, v23  }
0x39a: {  	v57 =	vor.u32 v16, v20;
	v25 =	vld.idx.msk [tilespmem:v43+s8+$0x0], $0xffff;
	[tilespmem:s18+$0xFFFFFE70] =	vst v34  }
0x39b: {  	v49 =	vor.u32 v15, v19;
	v30 =	vld.idx.msk [tilespmem:v44+s8+$0x0], $0xffff;
	[tilespmem:s18+$0x70] =	vst v33  }
0x39c: {  	v51 =	vor.u32 v10, v22;
	v26 =	vld.idx.msk [tilespmem:v45+s8+$0x0], $0xffff;
	[tilespmem:s20+$0xFFFFFE70] =	vst v28  }
0x39d: {  	v52 =	vor.u32 v10, v21;
	[tilespmem:s20+$0x70] =	vst v31;
	v27 =	vld.idx.msk [tilespmem:v46+s8+$0x0], $0xffff  }
0x39e: {  	[tilespmem:s17+$0xFFFFFF60] =	vst v47;
	v53 =	vor.u32 v10, v24;
	v29 =	vld.idx.msk [tilespmem:v48+s8+$0x0], $0xffff  }
0x39f: {  	v20 =	vld.idx.msk [tilespmem:v57+s8+$0x0], $0xffff;
	v55 =	vor.u32 v10, v23;
	[tilespmem:s16+$0x110] =	vst v25  }
0x3a0: {  	v50 =	vor.u32 v12, v17;
	v54 =	vld.idx.msk [tilespmem:v49+s8+$0x0], $0xffff;
	[tilespmem:s18+$0xFFFFFF00] =	vst v30  }
0x3a1: {  	v56 =	vor.u32 v11, v18;
	v30 =	vld.idx.msk [tilespmem:v51+s8+$0x0], $0xffff;
	[tilespmem:s18+$0x100] =	vst v26  }
0x3a2: {  	v58 =	vor.u32 v11, v22;
	v28 =	vld.idx.msk [tilespmem:v52+s8+$0x0], $0xffff;
	[tilespmem:s20+$0xFFFFFF00] =	vst v27  }
0x3a3: {  	v59 =	vor.u32 v11, v21;
	[tilespmem:s20+$0x100] =	vst v29;
	v31 =	vld.idx.msk [tilespmem:v53+s8+$0x0], $0xffff  }
0x3a4: {  	[tilespmem:s17+$0xFFFFFF70] =	vst v20;
	v60 =	vor.u32 v11, v24;
	v25 =	vld.idx.msk [tilespmem:v55+s8+$0x0], $0xffff  }
0x3a5: {  	v34 =	vld.idx.msk [tilespmem:v50+s8+$0x0], $0xffff;
	[tilespmem:s17+$0x160] =	vst v54;
	v62 =	vor.u32 v11, v23  }
0x3a6: {  	v19 =	vor.u32 v16, v19;
	v61 =	vld.idx.msk [tilespmem:v56+s8+$0x0], $0xffff;
	[tilespmem:s18+$0xFFFFFF10] =	vst v30  }
0x3a7: {  	v63 =	vor.u32 v12, v18;
	v26 =	vld.idx.msk [tilespmem:v58+s8+$0x0], $0xffff;
	[tilespmem:s18+$0x110] =	vst v28  }
0x3a8: {  	v36 =	vor.u32 v12, v22;
	v27 =	vld.idx.msk [tilespmem:v59+s8+$0x0], $0xffff;
	[tilespmem:s20+$0xFFFFFF10] =	vst v31  }
0x3a9: {  	v37 =	vor.u32 v12, v21;
	[tilespmem:s20+$0x110] =	vst v25;
	v29 =	vld.idx.msk [tilespmem:v60+s8+$0x0], $0xffff  }
0x3aa: {  	v38 =	vor.u32 v12, v24;
	[tilespmem:s16+$0xFFFFFF30] =	vst v34;
	v39 =	vld.idx.msk [tilespmem:v62+s8+$0x0], $0xffff  }
0x3ab: {  	v40 =	vor.u32 v12, v23;
	v19 =	vld.idx.msk [tilespmem:v19+s8+$0x0], $0xffff;
	[tilespmem:s16+$0x120] =	vst v61  }
0x3ac: {  	v41 =	vor.u32 v13, v17;
	v30 =	vld.idx.msk [tilespmem:v63+s8+$0x0], $0xffff;
	[tilespmem:s18+$0xFFFFFF20] =	vst v26  }
0x3ad: {  	v42 =	vor.u32 v13, v18;
	v28 =	vld.idx.msk [tilespmem:v36+s8+$0x0], $0xffff;
	[tilespmem:s18+$0x120] =	vst v27  }
0x3ae: {  	v43 =	vor.u32 v13, v22;
	v31 =	vld.idx.msk [tilespmem:v37+s8+$0x0], $0xffff;
	[tilespmem:s20+$0xFFFFFF20] =	vst v29  }
0x3af: {  	v44 =	vor.u32 v13, v21;
	[tilespmem:s20+$0x120] =	vst v39;
	v25 =	vld.idx.msk [tilespmem:v38+s8+$0x0], $0xffff  }
0x3b0: {  	[tilespmem:s17+$0x170] =	vst v19;
	v19 =	vor.u32 v13, v24;
	v20 =	vld.idx.msk [tilespmem:v40+s8+$0x0], $0xffff  }
0x3b1: {  	v45 =	vld.idx.msk [tilespmem:v41+s8+$0x0], $0xffff;
	v46 =	vor.u32 v13, v23;
	[tilespmem:s16+$0x130] =	vst v30  }
0x3b2: {  	v47 =	vor.u32 v14, v17;
	v26 =	vld.idx.msk [tilespmem:v42+s8+$0x0], $0xffff;
	[tilespmem:s18+$0xFFFFFF30] =	vst v28  }
0x3b3: {  	v48 =	vor.u32 v14, v18;
	v27 =	vld.idx.msk [tilespmem:v43+s8+$0x0], $0xffff;
	[tilespmem:s18+$0x130] =	vst v31  }
0x3b4: {  	v49 =	vor.u32 v14, v22;
	v29 =	vld.idx.msk [tilespmem:v44+s8+$0x0], $0xffff;
	[tilespmem:s20+$0xFFFFFF30] =	vst v25  }
0x3b5: {  	v50 =	vor.u32 v14, v21;
	[tilespmem:s20+$0x130] =	vst v20;
	v19 =	vld.idx.msk [tilespmem:v19+s8+$0x0], $0xffff  }
0x3b6: {  	v51 =	vor.u32 v14, v24;
	[tilespmem:s16+$0xFFFFFF40] =	vst v45;
	v30 =	vld.idx.msk [tilespmem:v46+s8+$0x0], $0xffff  }
0x3b7: {  	v52 =	vor.u32 v14, v23;
	v32 =	vld.idx.msk [tilespmem:v47+s8+$0x0], $0xffff;
	[tilespmem:s16+$0x140] =	vst v26  }
0x3b8: {  	v53 =	vor.u32 v15, v17;
	v28 =	vld.idx.msk [tilespmem:v48+s8+$0x0], $0xffff;
	[tilespmem:s18+$0xFFFFFF40] =	vst v27  }
0x3b9: {  	v54 =	vor.u32 v15, v18;
	v31 =	vld.idx.msk [tilespmem:v49+s8+$0x0], $0xffff;
	[tilespmem:s18+$0x140] =	vst v29  }
0x3ba: {  	v55 =	vor.u32 v15, v22;
	v25 =	vld.idx.msk [tilespmem:v50+s8+$0x0], $0xffff;
	[tilespmem:s20+$0xFFFFFF40] =	vst v19  }
0x3bb: {  	v19 =	vor.u32 v15, v21;
	[tilespmem:s20+$0x140] =	vst v30;
	v20 =	vld.idx.msk [tilespmem:v51+s8+$0x0], $0xffff  }
0x3bc: {  	v56 =	vor.u32 v15, v24;
	[tilespmem:s16+$0xFFFFFF50] =	vst v32;
	v26 =	vld.idx.msk [tilespmem:v52+s8+$0x0], $0xffff  }
0x3bd: {  	v57 =	vor.u32 v15, v23;
	v32 =	vld.idx.msk [tilespmem:v53+s8+$0x0], $0xffff;
	[tilespmem:s16+$0x150] =	vst v28  }
0x3be: {  	v17 =	vor.u32 v16, v17;
	v27 =	vld.idx.msk [tilespmem:v54+s8+$0x0], $0xffff;
	[tilespmem:s18+$0xFFFFFF50] =	vst v31  }
0x3bf: {  	v18 =	vor.u32 v16, v18;
	v29 =	vld.idx.msk [tilespmem:v55+s8+$0x0], $0xffff;
	[tilespmem:s18+$0x150] =	vst v25  }
0x3c0: {  	v58 =	vor.u32 v16, v22;
	v19 =	vld.idx.msk [tilespmem:v19+s8+$0x0], $0xffff;
	[tilespmem:s20+$0xFFFFFF50] =	vst v20  }
0x3c1: {  	v59 =	vor.u32 v16, v21;
	[tilespmem:s20+$0x150] =	vst v26;
	v60 =	vld.idx.msk [tilespmem:v56+s8+$0x0], $0xffff  }
0x3c2: {  	v62 =	vor.u32 v16, v24;
	[tilespmem:s16+$0xFFFFFF60] =	vst v32;
	v61 =	vld.idx.msk [tilespmem:v57+s8+$0x0], $0xffff  }
0x3c3: {  	v63 =	vor.u32 v16, v23;
	v17 =	vld.idx.msk [tilespmem:v17+s8+$0x0], $0xffff;
	[tilespmem:s16+$0x160] =	vst v27  }
0x3c4: {  	v18 =	vld.idx.msk [tilespmem:v18+s8+$0x0], $0xffff;
	[tilespmem:s18+$0xFFFFFF60] =	vst v29  }
0x3c5: {  	[tilespmem:s18+$0x160] =	vst v19;
	v19 =	vld.idx.msk [tilespmem:v58+s8+$0x0], $0xffff  }
0x3c6: {  	v20 =	vld.idx.msk [tilespmem:v59+s8+$0x0], $0xffff;
	[tilespmem:s20+$0xFFFFFF60] =	vst v60  }
0x3c7: {  	[tilespmem:s20+$0x160] =	vst v61;
	v21 =	vld.idx.msk [tilespmem:v62+s8+$0x0], $0xffff  }
0x3c8: {  	[tilespmem:s16+$0xFFFFFF70] =	vst v17;
	v17 =	vld.idx.msk [tilespmem:v63+s8+$0x0], $0xffff  }
0x3c9: {  	[tilespmem:s16+$0x170] =	vst v18  }
0x3ca: {  	[tilespmem:s18+$0xFFFFFF70] =	vst v19  }
0x3cb: {  	s31 =	sshll.u32 s21, $0xC;
	[tilespmem:s18+$0x170] =	vst v20  }
0x3cc: {  	s19 =	simm.s32 $0x1600;
	s16 =	sadd.s32 s31, s4;
	[tilespmem:s20+$0xFFFFFF70] =	vst v21  }
0x3cd: {  	s17 =	simm.s32 $0x1500;
	s18 =	simm.s32 $0x10;
	[tilespmem:s20+$0x170] =	vst v17;
	s20 =	sadd.s32 $0x0, s16  }
.LBB2_17:
0x3ce: {  	[hbm4b:s20+s3] =	stream.linear.scatter [tilespmem:s17], [sflag:$0x2], $0x80, $0x38;
	[tilespmem:$0x11480] =	vst v63  }
0x3cf: {  	s20 =	smov.u32 s18;
	s17 =	smov.u32 s19;
	p0 =	sne.s32 s18, $0xFF0  }
.Ltmp7:
0x3d0: {  	s18 =	sadd.s32 $0x10, s18;
	(pc) =	sbr.rel @p0 .LBB2_17-.Ltmp7, $2  }
0x3d1: {  	_ =	sdelay $0x2  }
0x3d2: {  	s19 =	sadd.s32 $0x100, s19;
	s20 =	sadd.s32 s20, s16  }
0x3d3: {  	s13 =	sadd.s32 $0x1, s13  }
0x3d4: {  	p0 =	sne.s32 s13, $0x4  }
.Ltmp8:
0x3d5: {  	_ = 	snop;
	(pc) =	sbr.rel @p0 .LBB2_10-.Ltmp8, $3  }
0x3d6: {  	_ =	sdelay $0x1  }
0x3d7: {  	[hbm4b:s20+s3] =	stream.linear.scatter [tilespmem:s17], [sflag:$0x2], $0x80, $0x38;
	[tilespmem:$0x11480] =	vst v63  }
0x3d8: {  	s14 =	sadd.s32 $0x100, s14;
	s15 =	sadd.s32 $0x100, s15  }
0x3d9: {  	s12 =	sadd.s32 $0x1, s12  }
0x3da: {  	_ =	swait.ge [sflag:s10], $0x8000;
	p0 =	sne.s32 s12, s7  }
.Ltmp9:
0x3db: {  	[sflag:s10] =	ssyncset.done $0x0;
	(pc) =	sbr.rel @p0 .LBB2_1-.Ltmp9, $4  }
0x3dc: {  	[sflag:s10] =	ssyncadd.s32 $0xFFFF8000  }
0x3dd: {  	_ =	swait.ge [sflag:s11], $0x8000  }
0x3de: {  	[sflag:s11] =	ssyncset.done $0x0  }
0x3df: {  	[sflag:s11] =	ssyncadd.s32 $0xFFFF8000  }
0x3e0: {  	_ =	sfence.sel $0x180000  }
0x3e1: {  	[bflag:$0x0] =	sbarrier.arrive $0xFFFF  }
0x3e2: {  	p0 =	sne.s32 s1, $0x0;
	_ =	strace $0x90000047  }
0x3e3: {  	s0 =	sadd.s32 @!p0 $0x100000, s0;
	[bflag:$0x2] =	sbarrier.arrive $0xFFFF  }
0x3e4: {  	[sflag:s0] =	ssyncadd.tile.s32 @!p0 $0x1;
	_ =	shalt  }
.Lfunc_end2:
_tile_overlayer_lowered:
.L_overlay_start_2:
0x3e5: {  	(tag) =	ssettag $0x2  }
0x3e6: {  	s0 =	rddreg [dreg:$0x0];
	s2 =	stileid.u32  }
0x3e7: {  	s1 =	rddreg [dreg:$0x1];
	p0 =	sne.s32 s2, $0x0  }
0x3e8: {  	s3 =	rddreg [dreg:$0x2];
	[bflag:$0x3] =	sbarrier.arrive $0xFFFF;
	s2 =	simm.s32 @!p0 $0x1C03  }
0x3e9: {  	[timem:s3], [sflag:s2] =	dma.local @!p0 [hbm:s0], s1  }
0x3ea: {  	s0 =	simm.s32 @!p0 $0x3  }
0x3eb: {  	_ =	swait.ge @!p0 [sflag:s0], s1  }
0x3ec: {  	s1 =	ssub.s32 @!p0 $0x0, s1;
	[sflag:s0] =	ssyncset.done @!p0 $0x0  }
0x3ed: {  	[sflag:s0] =	ssyncadd.s32 @!p0 s1  }
0x3ee: {  	[bflag:$0x3] =	sbarrier.arrive $0xFFFF  }
0x3ef: {  	_ =	shalt  }

</sc_bundles>
